<compile_context>
chip_gen: v7x
topology: tpu7x:2x2x1
jax: 0.10.2.dev20260603
libtpu: 0.0.44.dev20260713+nightly
codegen_flags: <defaults>
</compile_context>

<pallas_src>
import functools

import jax
import jax.numpy as jnp
from jax import lax
from jax.experimental import pallas as pl
from jax.experimental.pallas import tpu as pltpu
from jax.experimental.pallas import tpu_sc as plsc

NC = 2
NS = 16
LANES = 16
BATCH = 128
NQ = 4
DQ = 32


def _addsplit_body(x_ref, e_ref, o_ref):
    res = x_ref[...] + e_ref[...]
    for q in range(NQ):
        o_ref[q] = res[:, q * DQ:(q + 1) * DQ]


def _embed_addsplit(x, node_emb, bm, n_t):
    n, d_in = x.shape
    return pl.pallas_call(
        _addsplit_body,
        grid=(n // bm,),
        in_specs=[
            pl.BlockSpec((bm, d_in), lambda i: (i, 0)),
            pl.BlockSpec((bm, d_in), lambda i: (i, 0)),
        ],
        out_specs=pl.BlockSpec((NQ, bm, DQ), lambda i: (0, i, 0)),
        out_shape=jax.ShapeDtypeStruct((NQ, n_t, DQ), jnp.float32),
    )(x, node_emb)


def _finalize_body(agg_ref, deg_ref, w_ref, o_ref):
    a = jnp.concatenate([agg_ref[q] for q in range(NQ)], axis=1)
    d = deg_ref[0, :, 0:1] + deg_ref[1, :, 0:1]
    m = jnp.dot(a, w_ref[...], preferred_element_type=jnp.float32)
    o_ref[...] = jnp.tanh(m / jnp.maximum(d, 1.0))


NB = 8
LOOK = 4


def _sc_agg_body(xe_hbm, src_hbm, dst_hbm, zeros_hbm, zeros16_hbm, ones16_hbm,
                 agg_hbm, deg_hbm,
                 src_v, dst_v, rows_v, ones16_v,
                 table_sp, agg_sp, deg_sp,
                 gsem0, gsem1, gsem2, gsem3, gsem4, gsem5, gsem6, gsem7,
                 ssem0, ssem1, ssem2, ssem3, ssem4, ssem5, ssem6, ssem7,
                 *, nbatch, rows_pt, chunk):
    cid = lax.axis_index("c")
    sid = lax.axis_index("s")
    rows = [rows_v.at[pl.ds(b * BATCH, BATCH)] for b in range(NB)]
    gsems = (gsem0, gsem1, gsem2, gsem3, gsem4, gsem5, gsem6, gsem7)
    ssems = (ssem0, ssem1, ssem2, ssem3, ssem4, ssem5, ssem6, ssem7)

    pltpu.sync_copy(src_hbm.at[sid], src_v)
    pltpu.sync_copy(dst_hbm.at[sid], dst_v)
    pltpu.sync_copy(ones16_hbm, ones16_v)

    rbase = sid * rows_pt
    tbase = sid * chunk
    ngrp = nbatch // NB
    half = ngrp // 2

    for p in range(2):
        q = 2 * p + cid

        pltpu.sync_copy(xe_hbm.at[q, pl.ds(tbase, chunk)],
                        table_sp.at[pl.ds(tbase, chunk)])
        pltpu.sync_copy(zeros_hbm, agg_sp.at[pl.ds(rbase, rows_pt)])
        if p == 0:
            pltpu.sync_copy(zeros16_hbm, deg_sp.at[pl.ds(rbase, rows_pt)])

        plsc.subcore_barrier()

        for b in range(LOOK):
            pltpu.async_copy(table_sp.at[src_v.at[b]], rows[b], gsems[b])

        def ebody(g, c):
            my_deg = (g < half) == (cid == 0)
            for b in range(NB):
                j = NB * g + b
                bn = (b + LOOK) % NB
                pltpu.make_async_copy(table_sp.at[src_v.at[j]], rows[b],
                                      gsems[b]).wait()
                pltpu.async_copy(rows[b], agg_sp.at[dst_v.at[j]], ssems[b],
                                 add=True)

                if p == 0:
                    @pl.when(my_deg)
                    def _():
                        pltpu.sync_copy(ones16_v, deg_sp.at[dst_v.at[j]],
                                        add=True)

                @pl.when(j + LOOK < nbatch)
                def _():
                    @pl.when(j + LOOK >= NB)
                    def _():
                        pltpu.make_async_copy(
                            rows[bn], agg_sp.at[dst_v.at[j + LOOK - NB]],
                            ssems[bn]).wait()
                    pltpu.async_copy(table_sp.at[src_v.at[j + LOOK]],
                                     rows[bn], gsems[bn])
            return c

        lax.fori_loop(0, ngrp, ebody, 0)

        for j in range(max(0, nbatch - NB), nbatch):
            b = j % NB
            pltpu.make_async_copy(rows[b], agg_sp.at[dst_v.at[j]],
                                  ssems[b]).wait()

        plsc.subcore_barrier()

        pltpu.sync_copy(agg_sp.at[pl.ds(rbase, rows_pt)],
                        agg_hbm.at[q, pl.ds(rbase, rows_pt)])
        if p == 0:
            pltpu.sync_copy(deg_sp.at[pl.ds(rbase, rows_pt)],
                            deg_hbm.at[cid, pl.ds(rbase, rows_pt)])
            plsc.subcore_barrier()


def kernel(x, edge_index, W, node_emb):
    n, d_in = x.shape
    e = edge_index.shape[1]

    per_tile = -(-e // NS)
    nbatch = NB * (-(-per_tile // (NB * BATCH)))
    e_pad = NS * nbatch * BATCH

    n_pad = -(-(n + 1) // (NS * 64)) * (NS * 64)
    rows_pt = n_pad // NS
    n_t = -(-n // NS) * NS
    chunk = n_t // NS

    src = edge_index[0]
    dst = edge_index[1]
    pad = e_pad - e
    src_p = jnp.concatenate(
        [src, jnp.zeros((pad,), jnp.int32)]).reshape(NS, nbatch, BATCH)
    dst_p = jnp.concatenate(
        [dst, jnp.full((pad,), n, jnp.int32)]).reshape(NS, nbatch, BATCH)

    bm = next((b for b in (1024, 1000, 512, 500, 256, 250, 128, 125, 64,
                           40, 16, 8) if n % b == 0), n)
    xe4 = _embed_addsplit(x, node_emb, bm, n_t)

    mesh = plsc.VectorSubcoreMesh(core_axis_name="c", subcore_axis_name="s",
                                  num_cores=NC, num_subcores=NS)
    body = functools.partial(_sc_agg_body, nbatch=nbatch, rows_pt=rows_pt,
                             chunk=chunk)
    zeros_h = jnp.zeros((rows_pt, DQ), jnp.float32)
    zeros16_h = jnp.zeros((rows_pt, 16), jnp.float32)
    ones16_h = jnp.ones((BATCH, 16), jnp.float32)
    agg, deg = pl.kernel(
        body,
        out_type=[
            jax.ShapeDtypeStruct((NQ, n_pad, DQ), jnp.float32),
            jax.ShapeDtypeStruct((NC, n_pad, 16), jnp.float32),
        ],
        mesh=mesh,
        compiler_params=pltpu.CompilerParams(use_tc_tiling_on_sc=False),
        scratch_types=[
            pltpu.VMEM((nbatch, BATCH), jnp.int32),
            pltpu.VMEM((nbatch, BATCH), jnp.int32),
            pltpu.VMEM((NB * BATCH, DQ), jnp.float32),
            pltpu.VMEM((BATCH, 16), jnp.float32),
            pltpu.VMEM_SHARED((n_t, DQ), jnp.float32),
            pltpu.VMEM_SHARED((n_pad, DQ), jnp.float32),
            pltpu.VMEM_SHARED((n_pad, 16), jnp.float32),
        ] + [pltpu.SemaphoreType.DMA] * (2 * NB),
    )(xe4, src_p, dst_p, zeros_h, zeros16_h, ones16_h)

    bm2 = next((b for b in (1000, 500, 250, 125, 200, 100, 50, 25, 8)
                if n % b == 0), n)
    out = pl.pallas_call(
        _finalize_body,
        grid=(n // bm2,),
        in_specs=[
            pl.BlockSpec((NQ, bm2, DQ), lambda i: (0, i, 0)),
            pl.BlockSpec((NC, bm2, 16), lambda i: (0, i, 0)),
            pl.BlockSpec((d_in, d_in), lambda i: (0, 0)),
        ],
        out_specs=pl.BlockSpec((bm2, d_in), lambda i: (i, 0)),
        out_shape=jax.ShapeDtypeStruct((n, d_in), jnp.float32),
    )(agg, deg, W)

    return out

# --- scband reference (transcript-rebuilt; emitter-appended) ---
"""Pipeline reference for scband-embed-gcn-45286135169458 (READ-ONLY COPY).

The authoritative reference and input builder live on the scoring server;
editing this copy changes nothing except your own understanding.
"""

import jax, jax.numpy as jnp
import numpy as np

N = 10000
E = 320000
D_IN = 128
D_OUT = 128


def setup_inputs(seed: int = 0) -> dict:
    key = jax.random.key(seed)
    k1, k2, k3, k4 = jax.random.split(key, 4)
    x = jax.random.normal(k1, (N, D_IN), dtype=jnp.float32)
    edge_index = jax.random.randint(k2, (2, E), 0, N, dtype=jnp.int32)
    # Learned parameters sized per init_kwargs
    W = jax.random.normal(k3, (D_IN, D_OUT), dtype=jnp.float32) * 0.05
    node_emb = jax.random.normal(k4, (N, D_IN), dtype=jnp.float32) * 0.02
    return {"x": x, "edge_index": edge_index, "W": W, "node_emb": node_emb}


def reference(x, edge_index, W, node_emb):
    # EmbedGCN: add learned per-node embedding, linear transform, then
    # mean-aggregate messages over incoming edges (gather + scatter-add),
    # followed by a tanh nonlinearity (matching the Ordered_GCN style act).
    src = edge_index[0]
    dst = edge_index[1]
    h = (x + node_emb) @ W                       # [N, D_OUT]
    msgs = jnp.take(h, src, axis=0)              # gather: [E, D_OUT]
    agg = jax.ops.segment_sum(msgs, dst, num_segments=N)  # scatter-add
    deg = jax.ops.segment_sum(jnp.ones((E,), dtype=jnp.float32), dst, num_segments=N)
    deg = jnp.maximum(deg, 1.0)
    out = jnp.tanh(agg / deg[:, None])
    return out

if __name__ == "__main__":
    import jax
    _d = setup_inputs()
    print(jax.jit(kernel)(*tuple(_d.values())))

</pallas_src>

<mosaic_0001>
#map = affine_map<(d0, d1) -> (0, 0, 0)>
#map1 = affine_map<(d0, d1) -> (0, 0)>
module attributes {stable_mosaic.version = 14 : i64} {
  func.func @_sc_agg_body(%arg0: i32, %arg1: i32, %arg2: memref<4x10000x32xf32, #tpu.memory_space<hbm>>, %arg3: memref<16x160x128xi32, #tpu.memory_space<hbm>>, %arg4: memref<16x160x128xi32, #tpu.memory_space<hbm>>, %arg5: memref<640x32xf32, #tpu.memory_space<hbm>>, %arg6: memref<640x16xf32, #tpu.memory_space<hbm>>, %arg7: memref<128x16xf32, #tpu.memory_space<hbm>>, %arg8: memref<4x10240x32xf32, #tpu.memory_space<hbm>>, %arg9: memref<2x10240x16xf32, #tpu.memory_space<hbm>>, %arg10: memref<160x128xi32, #tpu.memory_space<vmem>>, %arg11: memref<160x128xi32, #tpu.memory_space<vmem>>, %arg12: memref<1024x32xf32, #tpu.memory_space<vmem>>, %arg13: memref<128x16xf32, #tpu.memory_space<vmem>>, %arg14: memref<10000x32xf32, #tpu.memory_space<vmem_shared>>, %arg15: memref<10240x32xf32, #tpu.memory_space<vmem_shared>>, %arg16: memref<10240x16xf32, #tpu.memory_space<vmem_shared>>, %arg17: memref<!tpu.dma_semaphore, #tpu.memory_space<semaphore_mem>>, %arg18: memref<!tpu.dma_semaphore, #tpu.memory_space<semaphore_mem>>, %arg19: memref<!tpu.dma_semaphore, #tpu.memory_space<semaphore_mem>>, %arg20: memref<!tpu.dma_semaphore, #tpu.memory_space<semaphore_mem>>, %arg21: memref<!tpu.dma_semaphore, #tpu.memory_space<semaphore_mem>>, %arg22: memref<!tpu.dma_semaphore, #tpu.memory_space<semaphore_mem>>, %arg23: memref<!tpu.dma_semaphore, #tpu.memory_space<semaphore_mem>>, %arg24: memref<!tpu.dma_semaphore, #tpu.memory_space<semaphore_mem>>, %arg25: memref<!tpu.dma_semaphore, #tpu.memory_space<semaphore_mem>>, %arg26: memref<!tpu.dma_semaphore, #tpu.memory_space<semaphore_mem>>, %arg27: memref<!tpu.dma_semaphore, #tpu.memory_space<semaphore_mem>>, %arg28: memref<!tpu.dma_semaphore, #tpu.memory_space<semaphore_mem>>, %arg29: memref<!tpu.dma_semaphore, #tpu.memory_space<semaphore_mem>>, %arg30: memref<!tpu.dma_semaphore, #tpu.memory_space<semaphore_mem>>, %arg31: memref<!tpu.dma_semaphore, #tpu.memory_space<semaphore_mem>>, %arg32: memref<!tpu.dma_semaphore, #tpu.memory_space<semaphore_mem>>) attributes {dimension_semantics = [#tpu.dimension_semantics<core_parallel>, #tpu.dimension_semantics<subcore_parallel>], iteration_bounds = array<i64: 2, 16>, scalar_prefetch = 0 : i64, scratch_operands = 23 : i64, tpu.core_type = #tpu.core_type<sc_vector_subcore>, window_params = [{transform_indices = #map}, {transform_indices = #map}, {transform_indices = #map}, {transform_indices = #map1}, {transform_indices = #map1}, {transform_indices = #map1}, {transform_indices = #map}, {transform_indices = #map}]} {
    "tpu.region"() ({
      %run_scoped3A = tpu.sem_alloc : memref<!tpu.dma_semaphore, #tpu.memory_space<semaphore_mem>>
      %dma_start3A_259 = arith.constant 0 : i32
      %dma_start3A_260 = arith.constant 0 : i32
      %dma_start3A_261 = tpu.memref_slice %arg3[%arg1, %dma_start3A_259, %dma_start3A_260] : memref<16x160x128xi32, #tpu.memory_space<hbm>> -> memref<1x160x128xi32, #tpu.memory_space<hbm>>
      %dma_start3A_262 = tpu.memref_squeeze %dma_start3A_261 : memref<1x160x128xi32, #tpu.memory_space<hbm>> -> memref<160x128xi32, #tpu.memory_space<hbm>>
      %dma_start3A_263 = arith.constant 0 : i32
      %dma_start3A_264 = arith.constant 0 : i32
      %dma_start3A_265 = tpu.memref_slice %arg3[%arg1, %dma_start3A_263, %dma_start3A_264] : memref<16x160x128xi32, #tpu.memory_space<hbm>> -> memref<1x160x128xi32, #tpu.memory_space<hbm>>
      %dma_start3A_266 = tpu.memref_squeeze %dma_start3A_265 : memref<1x160x128xi32, #tpu.memory_space<hbm>> -> memref<160x128xi32, #tpu.memory_space<hbm>>
      tpu.enqueue_dma source(%dma_start3A_266 : memref<160x128xi32, #tpu.memory_space<hbm>>) target(%arg10 : memref<160x128xi32, #tpu.memory_space<vmem>>) target_semaphore(%run_scoped3A : memref<!tpu.dma_semaphore, #tpu.memory_space<semaphore_mem>>)
      %dma_wait3A_267 = arith.constant 0 : i32
      %dma_wait3A_268 = arith.constant 0 : i32
      %dma_wait3A_269 = tpu.memref_slice %arg3[%arg1, %dma_wait3A_267, %dma_wait3A_268] : memref<16x160x128xi32, #tpu.memory_space<hbm>> -> memref<1x160x128xi32, #tpu.memory_space<hbm>>
      %dma_wait3A_270 = tpu.memref_squeeze %dma_wait3A_269 : memref<1x160x128xi32, #tpu.memory_space<hbm>> -> memref<160x128xi32, #tpu.memory_space<hbm>>
      %dma_wait3A_271 = arith.constant 0 : i32
      %dma_wait3A_272 = arith.constant 0 : i32
      %dma_wait3A_273 = tpu.memref_slice %arg3[%arg1, %dma_wait3A_271, %dma_wait3A_272] : memref<16x160x128xi32, #tpu.memory_space<hbm>> -> memref<1x160x128xi32, #tpu.memory_space<hbm>>
      %dma_wait3A_274 = tpu.memref_squeeze %dma_wait3A_273 : memref<1x160x128xi32, #tpu.memory_space<hbm>> -> memref<160x128xi32, #tpu.memory_space<hbm>>
      tpu.wait_dma2 semaphore(%run_scoped3A : memref<!tpu.dma_semaphore, #tpu.memory_space<semaphore_mem>>) src(%dma_wait3A_274 : memref<160x128xi32, #tpu.memory_space<hbm>>) dst(%arg10 : memref<160x128xi32, #tpu.memory_space<vmem>>)
      tpu.yield
    }) : () -> ()
    "tpu.region"() ({
      %run_scoped3A = tpu.sem_alloc : memref<!tpu.dma_semaphore, #tpu.memory_space<semaphore_mem>>
      %dma_start3A_259 = arith.constant 0 : i32
      %dma_start3A_260 = arith.constant 0 : i32
      %dma_start3A_261 = tpu.memref_slice %arg4[%arg1, %dma_start3A_259, %dma_start3A_260] : memref<16x160x128xi32, #tpu.memory_space<hbm>> -> memref<1x160x128xi32, #tpu.memory_space<hbm>>
      %dma_start3A_262 = tpu.memref_squeeze %dma_start3A_261 : memref<1x160x128xi32, #tpu.memory_space<hbm>> -> memref<160x128xi32, #tpu.memory_space<hbm>>
      %dma_start3A_263 = arith.constant 0 : i32
      %dma_start3A_264 = arith.constant 0 : i32
      %dma_start3A_265 = tpu.memref_slice %arg4[%arg1, %dma_start3A_263, %dma_start3A_264] : memref<16x160x128xi32, #tpu.memory_space<hbm>> -> memref<1x160x128xi32, #tpu.memory_space<hbm>>
      %dma_start3A_266 = tpu.memref_squeeze %dma_start3A_265 : memref<1x160x128xi32, #tpu.memory_space<hbm>> -> memref<160x128xi32, #tpu.memory_space<hbm>>
      tpu.enqueue_dma source(%dma_start3A_266 : memref<160x128xi32, #tpu.memory_space<hbm>>) target(%arg11 : memref<160x128xi32, #tpu.memory_space<vmem>>) target_semaphore(%run_scoped3A : memref<!tpu.dma_semaphore, #tpu.memory_space<semaphore_mem>>)
      %dma_wait3A_267 = arith.constant 0 : i32
      %dma_wait3A_268 = arith.constant 0 : i32
      %dma_wait3A_269 = tpu.memref_slice %arg4[%arg1, %dma_wait3A_267, %dma_wait3A_268] : memref<16x160x128xi32, #tpu.memory_space<hbm>> -> memref<1x160x128xi32, #tpu.memory_space<hbm>>
      %dma_wait3A_270 = tpu.memref_squeeze %dma_wait3A_269 : memref<1x160x128xi32, #tpu.memory_space<hbm>> -> memref<160x128xi32, #tpu.memory_space<hbm>>
      %dma_wait3A_271 = arith.constant 0 : i32
      %dma_wait3A_272 = arith.constant 0 : i32
      %dma_wait3A_273 = tpu.memref_slice %arg4[%arg1, %dma_wait3A_271, %dma_wait3A_272] : memref<16x160x128xi32, #tpu.memory_space<hbm>> -> memref<1x160x128xi32, #tpu.memory_space<hbm>>
      %dma_wait3A_274 = tpu.memref_squeeze %dma_wait3A_273 : memref<1x160x128xi32, #tpu.memory_space<hbm>> -> memref<160x128xi32, #tpu.memory_space<hbm>>
      tpu.wait_dma2 semaphore(%run_scoped3A : memref<!tpu.dma_semaphore, #tpu.memory_space<semaphore_mem>>) src(%dma_wait3A_274 : memref<160x128xi32, #tpu.memory_space<hbm>>) dst(%arg11 : memref<160x128xi32, #tpu.memory_space<vmem>>)
      tpu.yield
    }) : () -> ()
    "tpu.region"() ({
      %run_scoped3A = tpu.sem_alloc : memref<!tpu.dma_semaphore, #tpu.memory_space<semaphore_mem>>
      tpu.enqueue_dma source(%arg7 : memref<128x16xf32, #tpu.memory_space<hbm>>) target(%arg13 : memref<128x16xf32, #tpu.memory_space<vmem>>) target_semaphore(%run_scoped3A : memref<!tpu.dma_semaphore, #tpu.memory_space<semaphore_mem>>)
      tpu.wait_dma2 semaphore(%run_scoped3A : memref<!tpu.dma_semaphore, #tpu.memory_space<semaphore_mem>>) src(%arg7 : memref<128x16xf32, #tpu.memory_space<hbm>>) dst(%arg13 : memref<128x16xf32, #tpu.memory_space<vmem>>)
      tpu.yield
    }) : () -> ()
    %mul3A = arith.constant 640 : i32
    %mul3A_0 = arith.muli %arg1, %mul3A : i32
    %mul3A_1 = arith.constant 625 : i32
    %mul3A_2 = arith.muli %arg1, %mul3A_1 : i32
    %add3A = arith.constant 0 : i32
    %add3A_3 = arith.addi %add3A, %arg0 : i32
    "tpu.region"() ({
      %run_scoped3A = tpu.sem_alloc : memref<!tpu.dma_semaphore, #tpu.memory_space<semaphore_mem>>
      %dma_start3A_259 = arith.constant 0 : i32
      %dma_start3A_260 = tpu.memref_slice %arg14[%mul3A_2, %dma_start3A_259] : memref<10000x32xf32, #tpu.memory_space<vmem_shared>> -> memref<625x32xf32, #tpu.memory_space<vmem_shared>>
      %dma_start3A_261 = arith.constant 0 : i32
      %dma_start3A_262 = tpu.memref_slice %arg2[%add3A_3, %mul3A_2, %dma_start3A_261] : memref<4x10000x32xf32, #tpu.memory_space<hbm>> -> memref<1x625x32xf32, #tpu.memory_space<hbm>>
      %dma_start3A_263 = tpu.memref_squeeze %dma_start3A_262 : memref<1x625x32xf32, #tpu.memory_space<hbm>> -> memref<625x32xf32, #tpu.memory_space<hbm>>
      tpu.enqueue_dma source(%dma_start3A_263 : memref<625x32xf32, #tpu.memory_space<hbm>>) target(%dma_start3A_260 : memref<625x32xf32, #tpu.memory_space<vmem_shared>>) target_semaphore(%run_scoped3A : memref<!tpu.dma_semaphore, #tpu.memory_space<semaphore_mem>>)
      %dma_wait3A_264 = arith.constant 0 : i32
      %dma_wait3A_265 = tpu.memref_slice %arg14[%mul3A_2, %dma_wait3A_264] : memref<10000x32xf32, #tpu.memory_space<vmem_shared>> -> memref<625x32xf32, #tpu.memory_space<vmem_shared>>
      %dma_wait3A_266 = arith.constant 0 : i32
      %dma_wait3A_267 = tpu.memref_slice %arg2[%add3A_3, %mul3A_2, %dma_wait3A_266] : memref<4x10000x32xf32, #tpu.memory_space<hbm>> -> memref<1x625x32xf32, #tpu.memory_space<hbm>>
      %dma_wait3A_268 = tpu.memref_squeeze %dma_wait3A_267 : memref<1x625x32xf32, #tpu.memory_space<hbm>> -> memref<625x32xf32, #tpu.memory_space<hbm>>
      tpu.wait_dma2 semaphore(%run_scoped3A : memref<!tpu.dma_semaphore, #tpu.memory_space<semaphore_mem>>) src(%dma_wait3A_268 : memref<625x32xf32, #tpu.memory_space<hbm>>) dst(%dma_wait3A_265 : memref<625x32xf32, #tpu.memory_space<vmem_shared>>)
      tpu.yield
    }) : () -> ()
    "tpu.region"() ({
      %run_scoped3A = tpu.sem_alloc : memref<!tpu.dma_semaphore, #tpu.memory_space<semaphore_mem>>
      %dma_start3A_259 = arith.constant 0 : i32
      %dma_start3A_260 = tpu.memref_slice %arg15[%mul3A_0, %dma_start3A_259] : memref<10240x32xf32, #tpu.memory_space<vmem_shared>> -> memref<640x32xf32, #tpu.memory_space<vmem_shared>>
      tpu.enqueue_dma source(%arg5 : memref<640x32xf32, #tpu.memory_space<hbm>>) target(%dma_start3A_260 : memref<640x32xf32, #tpu.memory_space<vmem_shared>>) target_semaphore(%run_scoped3A : memref<!tpu.dma_semaphore, #tpu.memory_space<semaphore_mem>>)
      %dma_wait3A_261 = arith.constant 0 : i32
      %dma_wait3A_262 = tpu.memref_slice %arg15[%mul3A_0, %dma_wait3A_261] : memref<10240x32xf32, #tpu.memory_space<vmem_shared>> -> memref<640x32xf32, #tpu.memory_space<vmem_shared>>
      tpu.wait_dma2 semaphore(%run_scoped3A : memref<!tpu.dma_semaphore, #tpu.memory_space<semaphore_mem>>) src(%arg5 : memref<640x32xf32, #tpu.memory_space<hbm>>) dst(%dma_wait3A_262 : memref<640x32xf32, #tpu.memory_space<vmem_shared>>)
      tpu.yield
    }) : () -> ()
    "tpu.region"() ({
      %run_scoped3A = tpu.sem_alloc : memref<!tpu.dma_semaphore, #tpu.memory_space<semaphore_mem>>
      %dma_start3A_259 = arith.constant 0 : i32
      %dma_start3A_260 = tpu.memref_slice %arg16[%mul3A_0, %dma_start3A_259] : memref<10240x16xf32, #tpu.memory_space<vmem_shared>> -> memref<640x16xf32, #tpu.memory_space<vmem_shared>>
      tpu.enqueue_dma source(%arg6 : memref<640x16xf32, #tpu.memory_space<hbm>>) target(%dma_start3A_260 : memref<640x16xf32, #tpu.memory_space<vmem_shared>>) target_semaphore(%run_scoped3A : memref<!tpu.dma_semaphore, #tpu.memory_space<semaphore_mem>>)
      %dma_wait3A_261 = arith.constant 0 : i32
      %dma_wait3A_262 = tpu.memref_slice %arg16[%mul3A_0, %dma_wait3A_261] : memref<10240x16xf32, #tpu.memory_space<vmem_shared>> -> memref<640x16xf32, #tpu.memory_space<vmem_shared>>
      tpu.wait_dma2 semaphore(%run_scoped3A : memref<!tpu.dma_semaphore, #tpu.memory_space<semaphore_mem>>) src(%arg6 : memref<640x16xf32, #tpu.memory_space<hbm>>) dst(%dma_wait3A_262 : memref<640x16xf32, #tpu.memory_space<vmem_shared>>)
      tpu.yield
    }) : () -> ()
    %barrier3A = arith.constant 0 : index
    tpu.barrier barrier_id(%barrier3A)
    %dma_start3A = arith.constant 0 : i32
    %dma_start3A_4 = arith.constant 0 : i32
    %dma_start3A_5 = arith.constant 0 : i32
    %dma_start3A_6 = tpu.memref_slice %arg12[%dma_start3A_4, %dma_start3A_5] : memref<1024x32xf32, #tpu.memory_space<vmem>> -> memref<128x32xf32, #tpu.memory_space<vmem>>
    %dma_start3A_7 = arith.constant 0 : i32
    %dma_start3A_8 = tpu.memref_slice %arg10[%dma_start3A, %dma_start3A_7] : memref<160x128xi32, #tpu.memory_space<vmem>> -> memref<1x128xi32, #tpu.memory_space<vmem>>
    %dma_start3A_9 = tpu.memref_squeeze %dma_start3A_8 : memref<1x128xi32, #tpu.memory_space<vmem>> -> memref<128xi32, #tpu.memory_space<vmem>>
    %dma_start3A_10 = arith.constant 0 : i32
    %dma_start3A_11 = arith.constant 0 : i32
    %dma_start3A_12 = tpu.memref_slice %arg14[%dma_start3A_10, %dma_start3A_11] : memref<10000x32xf32, #tpu.memory_space<vmem_shared>> -> memref<10000x32xf32, #tpu.memory_space<vmem_shared>>
    tpu.enqueue_indirect_dma source(%dma_start3A_12 : memref<10000x32xf32, #tpu.memory_space<vmem_shared>>) target(%dma_start3A_6 : memref<128x32xf32, #tpu.memory_space<vmem>>) offsets(%dma_start3A_9 : memref<128xi32, #tpu.memory_space<vmem>>) semaphore(%arg17 : memref<!tpu.dma_semaphore, #tpu.memory_space<semaphore_mem>>)
    %dma_start3A_13 = arith.constant 1 : i32
    %dma_start3A_14 = arith.constant 128 : i32
    %dma_start3A_15 = arith.constant 0 : i32
    %dma_start3A_16 = tpu.memref_slice %arg12[%dma_start3A_14, %dma_start3A_15] : memref<1024x32xf32, #tpu.memory_space<vmem>> -> memref<128x32xf32, #tpu.memory_space<vmem>>
    %dma_start3A_17 = arith.constant 0 : i32
    %dma_start3A_18 = tpu.memref_slice %arg10[%dma_start3A_13, %dma_start3A_17] : memref<160x128xi32, #tpu.memory_space<vmem>> -> memref<1x128xi32, #tpu.memory_space<vmem>>
    %dma_start3A_19 = tpu.memref_squeeze %dma_start3A_18 : memref<1x128xi32, #tpu.memory_space<vmem>> -> memref<128xi32, #tpu.memory_space<vmem>>
    %dma_start3A_20 = arith.constant 0 : i32
    %dma_start3A_21 = arith.constant 0 : i32
    %dma_start3A_22 = tpu.memref_slice %arg14[%dma_start3A_20, %dma_start3A_21] : memref<10000x32xf32, #tpu.memory_space<vmem_shared>> -> memref<10000x32xf32, #tpu.memory_space<vmem_shared>>
    tpu.enqueue_indirect_dma source(%dma_start3A_22 : memref<10000x32xf32, #tpu.memory_space<vmem_shared>>) target(%dma_start3A_16 : memref<128x32xf32, #tpu.memory_space<vmem>>) offsets(%dma_start3A_19 : memref<128xi32, #tpu.memory_space<vmem>>) semaphore(%arg18 : memref<!tpu.dma_semaphore, #tpu.memory_space<semaphore_mem>>)
    %dma_start3A_23 = arith.constant 2 : i32
    %dma_start3A_24 = arith.constant 256 : i32
    %dma_start3A_25 = arith.constant 0 : i32
    %dma_start3A_26 = tpu.memref_slice %arg12[%dma_start3A_24, %dma_start3A_25] : memref<1024x32xf32, #tpu.memory_space<vmem>> -> memref<128x32xf32, #tpu.memory_space<vmem>>
    %dma_start3A_27 = arith.constant 0 : i32
    %dma_start3A_28 = tpu.memref_slice %arg10[%dma_start3A_23, %dma_start3A_27] : memref<160x128xi32, #tpu.memory_space<vmem>> -> memref<1x128xi32, #tpu.memory_space<vmem>>
    %dma_start3A_29 = tpu.memref_squeeze %dma_start3A_28 : memref<1x128xi32, #tpu.memory_space<vmem>> -> memref<128xi32, #tpu.memory_space<vmem>>
    %dma_start3A_30 = arith.constant 0 : i32
    %dma_start3A_31 = arith.constant 0 : i32
    %dma_start3A_32 = tpu.memref_slice %arg14[%dma_start3A_30, %dma_start3A_31] : memref<10000x32xf32, #tpu.memory_space<vmem_shared>> -> memref<10000x32xf32, #tpu.memory_space<vmem_shared>>
    tpu.enqueue_indirect_dma source(%dma_start3A_32 : memref<10000x32xf32, #tpu.memory_space<vmem_shared>>) target(%dma_start3A_26 : memref<128x32xf32, #tpu.memory_space<vmem>>) offsets(%dma_start3A_29 : memref<128xi32, #tpu.memory_space<vmem>>) semaphore(%arg19 : memref<!tpu.dma_semaphore, #tpu.memory_space<semaphore_mem>>)
    %dma_start3A_33 = arith.constant 3 : i32
    %dma_start3A_34 = arith.constant 384 : i32
    %dma_start3A_35 = arith.constant 0 : i32
    %dma_start3A_36 = tpu.memref_slice %arg12[%dma_start3A_34, %dma_start3A_35] : memref<1024x32xf32, #tpu.memory_space<vmem>> -> memref<128x32xf32, #tpu.memory_space<vmem>>
    %dma_start3A_37 = arith.constant 0 : i32
    %dma_start3A_38 = tpu.memref_slice %arg10[%dma_start3A_33, %dma_start3A_37] : memref<160x128xi32, #tpu.memory_space<vmem>> -> memref<1x128xi32, #tpu.memory_space<vmem>>
    %dma_start3A_39 = tpu.memref_squeeze %dma_start3A_38 : memref<1x128xi32, #tpu.memory_space<vmem>> -> memref<128xi32, #tpu.memory_space<vmem>>
    %dma_start3A_40 = arith.constant 0 : i32
    %dma_start3A_41 = arith.constant 0 : i32
    %dma_start3A_42 = tpu.memref_slice %arg14[%dma_start3A_40, %dma_start3A_41] : memref<10000x32xf32, #tpu.memory_space<vmem_shared>> -> memref<10000x32xf32, #tpu.memory_space<vmem_shared>>
    tpu.enqueue_indirect_dma source(%dma_start3A_42 : memref<10000x32xf32, #tpu.memory_space<vmem_shared>>) target(%dma_start3A_36 : memref<128x32xf32, #tpu.memory_space<vmem>>) offsets(%dma_start3A_39 : memref<128xi32, #tpu.memory_space<vmem>>) semaphore(%arg20 : memref<!tpu.dma_semaphore, #tpu.memory_space<semaphore_mem>>)
    %scan3A = arith.constant 0 : i32
    %scan3A_43 = arith.constant 0 : i32
    %scan3A_44 = arith.constant 20 : i32
    %scan3A_45 = arith.addi %scan3A_43, %scan3A_44 : i32
    %scan3A_46 = arith.constant 1 : i32
    scf.for %scan3A_259 = %scan3A_43 to %scan3A_45 step %scan3A_46  : i32 {
      %lt3A = arith.constant 10 : i32
      %lt3A_260 = arith.cmpi slt, %scan3A_259, %lt3A : i32
      %eq3A = arith.constant 0 : i32
      %eq3A_261 = arith.cmpi eq, %arg0, %eq3A : i32
      %eq3A_262 = arith.xori %lt3A_260, %eq3A_261 : i1
      %eq3A_263 = arith.constant true
      %eq3A_264 = arith.xori %eq3A_262, %eq3A_263 : i1
      %mul3A_265 = arith.constant 8 : i32
      %mul3A_266 = arith.muli %mul3A_265, %scan3A_259 : i32
      %add3A_267 = arith.constant 0 : i32
      %add3A_268 = arith.addi %mul3A_266, %add3A_267 : i32
      %dma_wait3A_269 = arith.constant 0 : i32
      %dma_wait3A_270 = arith.constant 0 : i32
      %dma_wait3A_271 = tpu.memref_slice %arg12[%dma_wait3A_269, %dma_wait3A_270] : memref<1024x32xf32, #tpu.memory_space<vmem>> -> memref<128x32xf32, #tpu.memory_space<vmem>>
      %dma_wait3A_272 = arith.constant 0 : i32
      %dma_wait3A_273 = tpu.memref_slice %arg10[%add3A_268, %dma_wait3A_272] : memref<160x128xi32, #tpu.memory_space<vmem>> -> memref<1x128xi32, #tpu.memory_space<vmem>>
      %dma_wait3A_274 = tpu.memref_squeeze %dma_wait3A_273 : memref<1x128xi32, #tpu.memory_space<vmem>> -> memref<128xi32, #tpu.memory_space<vmem>>
      %dma_wait3A_275 = arith.constant 0 : i32
      %dma_wait3A_276 = arith.constant 0 : i32
      %dma_wait3A_277 = tpu.memref_slice %arg14[%dma_wait3A_275, %dma_wait3A_276] : memref<10000x32xf32, #tpu.memory_space<vmem_shared>> -> memref<10000x32xf32, #tpu.memory_space<vmem_shared>>
      tpu.wait_indirect_dma semaphore(%arg17 : memref<!tpu.dma_semaphore, #tpu.memory_space<semaphore_mem>>) src(%dma_wait3A_277 : memref<10000x32xf32, #tpu.memory_space<vmem_shared>>) dst(%dma_wait3A_271 : memref<128x32xf32, #tpu.memory_space<vmem>>)
      %dma_start3A_278 = arith.constant 0 : i32
      %dma_start3A_279 = arith.constant 0 : i32
      %dma_start3A_280 = tpu.memref_slice %arg12[%dma_start3A_278, %dma_start3A_279] : memref<1024x32xf32, #tpu.memory_space<vmem>> -> memref<128x32xf32, #tpu.memory_space<vmem>>
      %dma_start3A_281 = arith.constant 0 : i32
      %dma_start3A_282 = tpu.memref_slice %arg11[%add3A_268, %dma_start3A_281] : memref<160x128xi32, #tpu.memory_space<vmem>> -> memref<1x128xi32, #tpu.memory_space<vmem>>
      %dma_start3A_283 = tpu.memref_squeeze %dma_start3A_282 : memref<1x128xi32, #tpu.memory_space<vmem>> -> memref<128xi32, #tpu.memory_space<vmem>>
      %dma_start3A_284 = arith.constant 0 : i32
      %dma_start3A_285 = arith.constant 0 : i32
      %dma_start3A_286 = tpu.memref_slice %arg15[%dma_start3A_284, %dma_start3A_285] : memref<10240x32xf32, #tpu.memory_space<vmem_shared>> -> memref<10240x32xf32, #tpu.memory_space<vmem_shared>>
      tpu.enqueue_indirect_dma source(%dma_start3A_280 : memref<128x32xf32, #tpu.memory_space<vmem>>) target(%dma_start3A_286 : memref<10240x32xf32, #tpu.memory_space<vmem_shared>>) offsets(%dma_start3A_283 : memref<128xi32, #tpu.memory_space<vmem>>) semaphore(%arg25 : memref<!tpu.dma_semaphore, #tpu.memory_space<semaphore_mem>>) {add = true}
      %convert_element_type3A = arith.extui %eq3A_264 : i1 to i32
      %cond3A = arith.constant 0 : i32
      %cond3A_287 = arith.cmpi ne, %convert_element_type3A, %cond3A : i32
      scf.if %cond3A_287 {
        "tpu.region"() ({
          %run_scoped3A = tpu.sem_alloc : memref<!tpu.dma_semaphore, #tpu.memory_space<semaphore_mem>>
          %dma_start3A_519 = arith.constant 0 : i32
          %dma_start3A_520 = tpu.memref_slice %arg11[%add3A_268, %dma_start3A_519] : memref<160x128xi32, #tpu.memory_space<vmem>> -> memref<1x128xi32, #tpu.memory_space<vmem>>
          %dma_start3A_521 = tpu.memref_squeeze %dma_start3A_520 : memref<1x128xi32, #tpu.memory_space<vmem>> -> memref<128xi32, #tpu.memory_space<vmem>>
          %dma_start3A_522 = arith.constant 0 : i32
          %dma_start3A_523 = arith.constant 0 : i32
          %dma_start3A_524 = tpu.memref_slice %arg16[%dma_start3A_522, %dma_start3A_523] : memref<10240x16xf32, #tpu.memory_space<vmem_shared>> -> memref<10240x16xf32, #tpu.memory_space<vmem_shared>>
          tpu.enqueue_indirect_dma source(%arg13 : memref<128x16xf32, #tpu.memory_space<vmem>>) target(%dma_start3A_524 : memref<10240x16xf32, #tpu.memory_space<vmem_shared>>) offsets(%dma_start3A_521 : memref<128xi32, #tpu.memory_space<vmem>>) semaphore(%run_scoped3A : memref<!tpu.dma_semaphore, #tpu.memory_space<semaphore_mem>>) {add = true}
          %dma_wait3A_525 = arith.constant 0 : i32
          %dma_wait3A_526 = tpu.memref_slice %arg11[%add3A_268, %dma_wait3A_525] : memref<160x128xi32, #tpu.memory_space<vmem>> -> memref<1x128xi32, #tpu.memory_space<vmem>>
          %dma_wait3A_527 = tpu.memref_squeeze %dma_wait3A_526 : memref<1x128xi32, #tpu.memory_space<vmem>> -> memref<128xi32, #tpu.memory_space<vmem>>
          %dma_wait3A_528 = arith.constant 0 : i32
          %dma_wait3A_529 = arith.constant 0 : i32
          %dma_wait3A_530 = tpu.memref_slice %arg16[%dma_wait3A_528, %dma_wait3A_529] : memref<10240x16xf32, #tpu.memory_space<vmem_shared>> -> memref<10240x16xf32, #tpu.memory_space<vmem_shared>>
          tpu.wait_indirect_dma semaphore(%run_scoped3A : memref<!tpu.dma_semaphore, #tpu.memory_space<semaphore_mem>>) src(%arg13 : memref<128x16xf32, #tpu.memory_space<vmem>>) dst(%dma_wait3A_530 : memref<10240x16xf32, #tpu.memory_space<vmem_shared>>)
          tpu.yield
        }) : () -> ()
      } else {
      }
      %add3A_288 = arith.constant 4 : i32
      %add3A_289 = arith.addi %add3A_268, %add3A_288 : i32
      %lt3A_290 = arith.constant 160 : i32
      %lt3A_291 = arith.cmpi slt, %add3A_289, %lt3A_290 : i32
      %convert_element_type3A_292 = arith.extui %lt3A_291 : i1 to i32
      %cond3A_293 = arith.constant 0 : i32
      %cond3A_294 = arith.cmpi ne, %convert_element_type3A_292, %cond3A_293 : i32
      scf.if %cond3A_294 {
        %add3A_519 = arith.constant 4 : i32
        %add3A_520 = arith.addi %add3A_268, %add3A_519 : i32
        %ge3A = arith.constant 8 : i32
        %ge3A_521 = arith.cmpi sge, %add3A_520, %ge3A : i32
        %convert_element_type3A_522 = arith.extui %ge3A_521 : i1 to i32
        %cond3A_523 = arith.constant 0 : i32
        %cond3A_524 = arith.cmpi ne, %convert_element_type3A_522, %cond3A_523 : i32
        scf.if %cond3A_524 {
          %add3A_536 = arith.constant 4 : i32
          %add3A_537 = arith.addi %add3A_268, %add3A_536 : i32
          %sub3A = arith.constant 8 : i32
          %sub3A_538 = arith.subi %add3A_537, %sub3A : i32
          %dma_wait3A_539 = arith.constant 512 : i32
          %dma_wait3A_540 = arith.constant 0 : i32
          %dma_wait3A_541 = tpu.memref_slice %arg12[%dma_wait3A_539, %dma_wait3A_540] : memref<1024x32xf32, #tpu.memory_space<vmem>> -> memref<128x32xf32, #tpu.memory_space<vmem>>
          %dma_wait3A_542 = arith.constant 0 : i32
          %dma_wait3A_543 = tpu.memref_slice %arg11[%sub3A_538, %dma_wait3A_542] : memref<160x128xi32, #tpu.memory_space<vmem>> -> memref<1x128xi32, #tpu.memory_space<vmem>>
          %dma_wait3A_544 = tpu.memref_squeeze %dma_wait3A_543 : memref<1x128xi32, #tpu.memory_space<vmem>> -> memref<128xi32, #tpu.memory_space<vmem>>
          %dma_wait3A_545 = arith.constant 0 : i32
          %dma_wait3A_546 = arith.constant 0 : i32
          %dma_wait3A_547 = tpu.memref_slice %arg15[%dma_wait3A_545, %dma_wait3A_546] : memref<10240x32xf32, #tpu.memory_space<vmem_shared>> -> memref<10240x32xf32, #tpu.memory_space<vmem_shared>>
          tpu.wait_indirect_dma semaphore(%arg29 : memref<!tpu.dma_semaphore, #tpu.memory_space<semaphore_mem>>) src(%dma_wait3A_541 : memref<128x32xf32, #tpu.memory_space<vmem>>) dst(%dma_wait3A_547 : memref<10240x32xf32, #tpu.memory_space<vmem_shared>>)
        } else {
        }
        %add3A_525 = arith.constant 4 : i32
        %add3A_526 = arith.addi %add3A_268, %add3A_525 : i32
        %dma_start3A_527 = arith.constant 512 : i32
        %dma_start3A_528 = arith.constant 0 : i32
        %dma_start3A_529 = tpu.memref_slice %arg12[%dma_start3A_527, %dma_start3A_528] : memref<1024x32xf32, #tpu.memory_space<vmem>> -> memref<128x32xf32, #tpu.memory_space<vmem>>
        %dma_start3A_530 = arith.constant 0 : i32
        %dma_start3A_531 = tpu.memref_slice %arg10[%add3A_526, %dma_start3A_530] : memref<160x128xi32, #tpu.memory_space<vmem>> -> memref<1x128xi32, #tpu.memory_space<vmem>>
        %dma_start3A_532 = tpu.memref_squeeze %dma_start3A_531 : memref<1x128xi32, #tpu.memory_space<vmem>> -> memref<128xi32, #tpu.memory_space<vmem>>
        %dma_start3A_533 = arith.constant 0 : i32
        %dma_start3A_534 = arith.constant 0 : i32
        %dma_start3A_535 = tpu.memref_slice %arg14[%dma_start3A_533, %dma_start3A_534] : memref<10000x32xf32, #tpu.memory_space<vmem_shared>> -> memref<10000x32xf32, #tpu.memory_space<vmem_shared>>
        tpu.enqueue_indirect_dma source(%dma_start3A_535 : memref<10000x32xf32, #tpu.memory_space<vmem_shared>>) target(%dma_start3A_529 : memref<128x32xf32, #tpu.memory_space<vmem>>) offsets(%dma_start3A_532 : memref<128xi32, #tpu.memory_space<vmem>>) semaphore(%arg21 : memref<!tpu.dma_semaphore, #tpu.memory_space<semaphore_mem>>)
      } else {
      }
      %mul3A_295 = arith.constant 8 : i32
      %mul3A_296 = arith.muli %mul3A_295, %scan3A_259 : i32
      %add3A_297 = arith.constant 1 : i32
      %add3A_298 = arith.addi %mul3A_296, %add3A_297 : i32
      %dma_wait3A_299 = arith.constant 128 : i32
      %dma_wait3A_300 = arith.constant 0 : i32
      %dma_wait3A_301 = tpu.memref_slice %arg12[%dma_wait3A_299, %dma_wait3A_300] : memref<1024x32xf32, #tpu.memory_space<vmem>> -> memref<128x32xf32, #tpu.memory_space<vmem>>
      %dma_wait3A_302 = arith.constant 0 : i32
      %dma_wait3A_303 = tpu.memref_slice %arg10[%add3A_298, %dma_wait3A_302] : memref<160x128xi32, #tpu.memory_space<vmem>> -> memref<1x128xi32, #tpu.memory_space<vmem>>
      %dma_wait3A_304 = tpu.memref_squeeze %dma_wait3A_303 : memref<1x128xi32, #tpu.memory_space<vmem>> -> memref<128xi32, #tpu.memory_space<vmem>>
      %dma_wait3A_305 = arith.constant 0 : i32
      %dma_wait3A_306 = arith.constant 0 : i32
      %dma_wait3A_307 = tpu.memref_slice %arg14[%dma_wait3A_305, %dma_wait3A_306] : memref<10000x32xf32, #tpu.memory_space<vmem_shared>> -> memref<10000x32xf32, #tpu.memory_space<vmem_shared>>
      tpu.wait_indirect_dma semaphore(%arg18 : memref<!tpu.dma_semaphore, #tpu.memory_space<semaphore_mem>>) src(%dma_wait3A_307 : memref<10000x32xf32, #tpu.memory_space<vmem_shared>>) dst(%dma_wait3A_301 : memref<128x32xf32, #tpu.memory_space<vmem>>)
      %dma_start3A_308 = arith.constant 128 : i32
      %dma_start3A_309 = arith.constant 0 : i32
      %dma_start3A_310 = tpu.memref_slice %arg12[%dma_start3A_308, %dma_start3A_309] : memref<1024x32xf32, #tpu.memory_space<vmem>> -> memref<128x32xf32, #tpu.memory_space<vmem>>
      %dma_start3A_311 = arith.constant 0 : i32
      %dma_start3A_312 = tpu.memref_slice %arg11[%add3A_298, %dma_start3A_311] : memref<160x128xi32, #tpu.memory_space<vmem>> -> memref<1x128xi32, #tpu.memory_space<vmem>>
      %dma_start3A_313 = tpu.memref_squeeze %dma_start3A_312 : memref<1x128xi32, #tpu.memory_space<vmem>> -> memref<128xi32, #tpu.memory_space<vmem>>
      %dma_start3A_314 = arith.constant 0 : i32
      %dma_start3A_315 = arith.constant 0 : i32
      %dma_start3A_316 = tpu.memref_slice %arg15[%dma_start3A_314, %dma_start3A_315] : memref<10240x32xf32, #tpu.memory_space<vmem_shared>> -> memref<10240x32xf32, #tpu.memory_space<vmem_shared>>
      tpu.enqueue_indirect_dma source(%dma_start3A_310 : memref<128x32xf32, #tpu.memory_space<vmem>>) target(%dma_start3A_316 : memref<10240x32xf32, #tpu.memory_space<vmem_shared>>) offsets(%dma_start3A_313 : memref<128xi32, #tpu.memory_space<vmem>>) semaphore(%arg26 : memref<!tpu.dma_semaphore, #tpu.memory_space<semaphore_mem>>) {add = true}
      %convert_element_type3A_317 = arith.extui %eq3A_264 : i1 to i32
      %cond3A_318 = arith.constant 0 : i32
      %cond3A_319 = arith.cmpi ne, %convert_element_type3A_317, %cond3A_318 : i32
      scf.if %cond3A_319 {
        "tpu.region"() ({
          %run_scoped3A = tpu.sem_alloc : memref<!tpu.dma_semaphore, #tpu.memory_space<semaphore_mem>>
          %dma_start3A_519 = arith.constant 0 : i32
          %dma_start3A_520 = tpu.memref_slice %arg11[%add3A_298, %dma_start3A_519] : memref<160x128xi32, #tpu.memory_space<vmem>> -> memref<1x128xi32, #tpu.memory_space<vmem>>
          %dma_start3A_521 = tpu.memref_squeeze %dma_start3A_520 : memref<1x128xi32, #tpu.memory_space<vmem>> -> memref<128xi32, #tpu.memory_space<vmem>>
          %dma_start3A_522 = arith.constant 0 : i32
          %dma_start3A_523 = arith.constant 0 : i32
          %dma_start3A_524 = tpu.memref_slice %arg16[%dma_start3A_522, %dma_start3A_523] : memref<10240x16xf32, #tpu.memory_space<vmem_shared>> -> memref<10240x16xf32, #tpu.memory_space<vmem_shared>>
          tpu.enqueue_indirect_dma source(%arg13 : memref<128x16xf32, #tpu.memory_space<vmem>>) target(%dma_start3A_524 : memref<10240x16xf32, #tpu.memory_space<vmem_shared>>) offsets(%dma_start3A_521 : memref<128xi32, #tpu.memory_space<vmem>>) semaphore(%run_scoped3A : memref<!tpu.dma_semaphore, #tpu.memory_space<semaphore_mem>>) {add = true}
          %dma_wait3A_525 = arith.constant 0 : i32
          %dma_wait3A_526 = tpu.memref_slice %arg11[%add3A_298, %dma_wait3A_525] : memref<160x128xi32, #tpu.memory_space<vmem>> -> memref<1x128xi32, #tpu.memory_space<vmem>>
          %dma_wait3A_527 = tpu.memref_squeeze %dma_wait3A_526 : memref<1x128xi32, #tpu.memory_space<vmem>> -> memref<128xi32, #tpu.memory_space<vmem>>
          %dma_wait3A_528 = arith.constant 0 : i32
          %dma_wait3A_529 = arith.constant 0 : i32
          %dma_wait3A_530 = tpu.memref_slice %arg16[%dma_wait3A_528, %dma_wait3A_529] : memref<10240x16xf32, #tpu.memory_space<vmem_shared>> -> memref<10240x16xf32, #tpu.memory_space<vmem_shared>>
          tpu.wait_indirect_dma semaphore(%run_scoped3A : memref<!tpu.dma_semaphore, #tpu.memory_space<semaphore_mem>>) src(%arg13 : memref<128x16xf32, #tpu.memory_space<vmem>>) dst(%dma_wait3A_530 : memref<10240x16xf32, #tpu.memory_space<vmem_shared>>)
          tpu.yield
        }) : () -> ()
      } else {
      }
      %add3A_320 = arith.constant 4 : i32
      %add3A_321 = arith.addi %add3A_298, %add3A_320 : i32
      %lt3A_322 = arith.constant 160 : i32
      %lt3A_323 = arith.cmpi slt, %add3A_321, %lt3A_322 : i32
      %convert_element_type3A_324 = arith.extui %lt3A_323 : i1 to i32
      %cond3A_325 = arith.constant 0 : i32
      %cond3A_326 = arith.cmpi ne, %convert_element_type3A_324, %cond3A_325 : i32
      scf.if %cond3A_326 {
        %add3A_519 = arith.constant 4 : i32
        %add3A_520 = arith.addi %add3A_298, %add3A_519 : i32
        %ge3A = arith.constant 8 : i32
        %ge3A_521 = arith.cmpi sge, %add3A_520, %ge3A : i32
        %convert_element_type3A_522 = arith.extui %ge3A_521 : i1 to i32
        %cond3A_523 = arith.constant 0 : i32
        %cond3A_524 = arith.cmpi ne, %convert_element_type3A_522, %cond3A_523 : i32
        scf.if %cond3A_524 {
          %add3A_536 = arith.constant 4 : i32
          %add3A_537 = arith.addi %add3A_298, %add3A_536 : i32
          %sub3A = arith.constant 8 : i32
          %sub3A_538 = arith.subi %add3A_537, %sub3A : i32
          %dma_wait3A_539 = arith.constant 640 : i32
          %dma_wait3A_540 = arith.constant 0 : i32
          %dma_wait3A_541 = tpu.memref_slice %arg12[%dma_wait3A_539, %dma_wait3A_540] : memref<1024x32xf32, #tpu.memory_space<vmem>> -> memref<128x32xf32, #tpu.memory_space<vmem>>
          %dma_wait3A_542 = arith.constant 0 : i32
          %dma_wait3A_543 = tpu.memref_slice %arg11[%sub3A_538, %dma_wait3A_542] : memref<160x128xi32, #tpu.memory_space<vmem>> -> memref<1x128xi32, #tpu.memory_space<vmem>>
          %dma_wait3A_544 = tpu.memref_squeeze %dma_wait3A_543 : memref<1x128xi32, #tpu.memory_space<vmem>> -> memref<128xi32, #tpu.memory_space<vmem>>
          %dma_wait3A_545 = arith.constant 0 : i32
          %dma_wait3A_546 = arith.constant 0 : i32
          %dma_wait3A_547 = tpu.memref_slice %arg15[%dma_wait3A_545, %dma_wait3A_546] : memref<10240x32xf32, #tpu.memory_space<vmem_shared>> -> memref<10240x32xf32, #tpu.memory_space<vmem_shared>>
          tpu.wait_indirect_dma semaphore(%arg30 : memref<!tpu.dma_semaphore, #tpu.memory_space<semaphore_mem>>) src(%dma_wait3A_541 : memref<128x32xf32, #tpu.memory_space<vmem>>) dst(%dma_wait3A_547 : memref<10240x32xf32, #tpu.memory_space<vmem_shared>>)
        } else {
        }
        %add3A_525 = arith.constant 4 : i32
        %add3A_526 = arith.addi %add3A_298, %add3A_525 : i32
        %dma_start3A_527 = arith.constant 640 : i32
        %dma_start3A_528 = arith.constant 0 : i32
        %dma_start3A_529 = tpu.memref_slice %arg12[%dma_start3A_527, %dma_start3A_528] : memref<1024x32xf32, #tpu.memory_space<vmem>> -> memref<128x32xf32, #tpu.memory_space<vmem>>
        %dma_start3A_530 = arith.constant 0 : i32
        %dma_start3A_531 = tpu.memref_slice %arg10[%add3A_526, %dma_start3A_530] : memref<160x128xi32, #tpu.memory_space<vmem>> -> memref<1x128xi32, #tpu.memory_space<vmem>>
        %dma_start3A_532 = tpu.memref_squeeze %dma_start3A_531 : memref<1x128xi32, #tpu.memory_space<vmem>> -> memref<128xi32, #tpu.memory_space<vmem>>
        %dma_start3A_533 = arith.constant 0 : i32
        %dma_start3A_534 = arith.constant 0 : i32
        %dma_start3A_535 = tpu.memref_slice %arg14[%dma_start3A_533, %dma_start3A_534] : memref<10000x32xf32, #tpu.memory_space<vmem_shared>> -> memref<10000x32xf32, #tpu.memory_space<vmem_shared>>
        tpu.enqueue_indirect_dma source(%dma_start3A_535 : memref<10000x32xf32, #tpu.memory_space<vmem_shared>>) target(%dma_start3A_529 : memref<128x32xf32, #tpu.memory_space<vmem>>) offsets(%dma_start3A_532 : memref<128xi32, #tpu.memory_space<vmem>>) semaphore(%arg22 : memref<!tpu.dma_semaphore, #tpu.memory_space<semaphore_mem>>)
      } else {
      }
      %mul3A_327 = arith.constant 8 : i32
      %mul3A_328 = arith.muli %mul3A_327, %scan3A_259 : i32
      %add3A_329 = arith.constant 2 : i32
      %add3A_330 = arith.addi %mul3A_328, %add3A_329 : i32
      %dma_wait3A_331 = arith.constant 256 : i32
      %dma_wait3A_332 = arith.constant 0 : i32
      %dma_wait3A_333 = tpu.memref_slice %arg12[%dma_wait3A_331, %dma_wait3A_332] : memref<1024x32xf32, #tpu.memory_space<vmem>> -> memref<128x32xf32, #tpu.memory_space<vmem>>
      %dma_wait3A_334 = arith.constant 0 : i32
      %dma_wait3A_335 = tpu.memref_slice %arg10[%add3A_330, %dma_wait3A_334] : memref<160x128xi32, #tpu.memory_space<vmem>> -> memref<1x128xi32, #tpu.memory_space<vmem>>
      %dma_wait3A_336 = tpu.memref_squeeze %dma_wait3A_335 : memref<1x128xi32, #tpu.memory_space<vmem>> -> memref<128xi32, #tpu.memory_space<vmem>>
      %dma_wait3A_337 = arith.constant 0 : i32
      %dma_wait3A_338 = arith.constant 0 : i32
      %dma_wait3A_339 = tpu.memref_slice %arg14[%dma_wait3A_337, %dma_wait3A_338] : memref<10000x32xf32, #tpu.memory_space<vmem_shared>> -> memref<10000x32xf32, #tpu.memory_space<vmem_shared>>
      tpu.wait_indirect_dma semaphore(%arg19 : memref<!tpu.dma_semaphore, #tpu.memory_space<semaphore_mem>>) src(%dma_wait3A_339 : memref<10000x32xf32, #tpu.memory_space<vmem_shared>>) dst(%dma_wait3A_333 : memref<128x32xf32, #tpu.memory_space<vmem>>)
      %dma_start3A_340 = arith.constant 256 : i32
      %dma_start3A_341 = arith.constant 0 : i32
      %dma_start3A_342 = tpu.memref_slice %arg12[%dma_start3A_340, %dma_start3A_341] : memref<1024x32xf32, #tpu.memory_space<vmem>> -> memref<128x32xf32, #tpu.memory_space<vmem>>
      %dma_start3A_343 = arith.constant 0 : i32
      %dma_start3A_344 = tpu.memref_slice %arg11[%add3A_330, %dma_start3A_343] : memref<160x128xi32, #tpu.memory_space<vmem>> -> memref<1x128xi32, #tpu.memory_space<vmem>>
      %dma_start3A_345 = tpu.memref_squeeze %dma_start3A_344 : memref<1x128xi32, #tpu.memory_space<vmem>> -> memref<128xi32, #tpu.memory_space<vmem>>
      %dma_start3A_346 = arith.constant 0 : i32
      %dma_start3A_347 = arith.constant 0 : i32
      %dma_start3A_348 = tpu.memref_slice %arg15[%dma_start3A_346, %dma_start3A_347] : memref<10240x32xf32, #tpu.memory_space<vmem_shared>> -> memref<10240x32xf32, #tpu.memory_space<vmem_shared>>
      tpu.enqueue_indirect_dma source(%dma_start3A_342 : memref<128x32xf32, #tpu.memory_space<vmem>>) target(%dma_start3A_348 : memref<10240x32xf32, #tpu.memory_space<vmem_shared>>) offsets(%dma_start3A_345 : memref<128xi32, #tpu.memory_space<vmem>>) semaphore(%arg27 : memref<!tpu.dma_semaphore, #tpu.memory_space<semaphore_mem>>) {add = true}
      %convert_element_type3A_349 = arith.extui %eq3A_264 : i1 to i32
      %cond3A_350 = arith.constant 0 : i32
      %cond3A_351 = arith.cmpi ne, %convert_element_type3A_349, %cond3A_350 : i32
      scf.if %cond3A_351 {
        "tpu.region"() ({
          %run_scoped3A = tpu.sem_alloc : memref<!tpu.dma_semaphore, #tpu.memory_space<semaphore_mem>>
          %dma_start3A_519 = arith.constant 0 : i32
          %dma_start3A_520 = tpu.memref_slice %arg11[%add3A_330, %dma_start3A_519] : memref<160x128xi32, #tpu.memory_space<vmem>> -> memref<1x128xi32, #tpu.memory_space<vmem>>
          %dma_start3A_521 = tpu.memref_squeeze %dma_start3A_520 : memref<1x128xi32, #tpu.memory_space<vmem>> -> memref<128xi32, #tpu.memory_space<vmem>>
          %dma_start3A_522 = arith.constant 0 : i32
          %dma_start3A_523 = arith.constant 0 : i32
          %dma_start3A_524 = tpu.memref_slice %arg16[%dma_start3A_522, %dma_start3A_523] : memref<10240x16xf32, #tpu.memory_space<vmem_shared>> -> memref<10240x16xf32, #tpu.memory_space<vmem_shared>>
          tpu.enqueue_indirect_dma source(%arg13 : memref<128x16xf32, #tpu.memory_space<vmem>>) target(%dma_start3A_524 : memref<10240x16xf32, #tpu.memory_space<vmem_shared>>) offsets(%dma_start3A_521 : memref<128xi32, #tpu.memory_space<vmem>>) semaphore(%run_scoped3A : memref<!tpu.dma_semaphore, #tpu.memory_space<semaphore_mem>>) {add = true}
          %dma_wait3A_525 = arith.constant 0 : i32
          %dma_wait3A_526 = tpu.memref_slice %arg11[%add3A_330, %dma_wait3A_525] : memref<160x128xi32, #tpu.memory_space<vmem>> -> memref<1x128xi32, #tpu.memory_space<vmem>>
          %dma_wait3A_527 = tpu.memref_squeeze %dma_wait3A_526 : memref<1x128xi32, #tpu.memory_space<vmem>> -> memref<128xi32, #tpu.memory_space<vmem>>
          %dma_wait3A_528 = arith.constant 0 : i32
          %dma_wait3A_529 = arith.constant 0 : i32
          %dma_wait3A_530 = tpu.memref_slice %arg16[%dma_wait3A_528, %dma_wait3A_529] : memref<10240x16xf32, #tpu.memory_space<vmem_shared>> -> memref<10240x16xf32, #tpu.memory_space<vmem_shared>>
          tpu.wait_indirect_dma semaphore(%run_scoped3A : memref<!tpu.dma_semaphore, #tpu.memory_space<semaphore_mem>>) src(%arg13 : memref<128x16xf32, #tpu.memory_space<vmem>>) dst(%dma_wait3A_530 : memref<10240x16xf32, #tpu.memory_space<vmem_shared>>)
          tpu.yield
        }) : () -> ()
      } else {
      }
      %add3A_352 = arith.constant 4 : i32
      %add3A_353 = arith.addi %add3A_330, %add3A_352 : i32
      %lt3A_354 = arith.constant 160 : i32
      %lt3A_355 = arith.cmpi slt, %add3A_353, %lt3A_354 : i32
      %convert_element_type3A_356 = arith.extui %lt3A_355 : i1 to i32
      %cond3A_357 = arith.constant 0 : i32
      %cond3A_358 = arith.cmpi ne, %convert_element_type3A_356, %cond3A_357 : i32
      scf.if %cond3A_358 {
        %add3A_519 = arith.constant 4 : i32
        %add3A_520 = arith.addi %add3A_330, %add3A_519 : i32
        %ge3A = arith.constant 8 : i32
        %ge3A_521 = arith.cmpi sge, %add3A_520, %ge3A : i32
        %convert_element_type3A_522 = arith.extui %ge3A_521 : i1 to i32
        %cond3A_523 = arith.constant 0 : i32
        %cond3A_524 = arith.cmpi ne, %convert_element_type3A_522, %cond3A_523 : i32
        scf.if %cond3A_524 {
          %add3A_536 = arith.constant 4 : i32
          %add3A_537 = arith.addi %add3A_330, %add3A_536 : i32
          %sub3A = arith.constant 8 : i32
          %sub3A_538 = arith.subi %add3A_537, %sub3A : i32
          %dma_wait3A_539 = arith.constant 768 : i32
          %dma_wait3A_540 = arith.constant 0 : i32
          %dma_wait3A_541 = tpu.memref_slice %arg12[%dma_wait3A_539, %dma_wait3A_540] : memref<1024x32xf32, #tpu.memory_space<vmem>> -> memref<128x32xf32, #tpu.memory_space<vmem>>
          %dma_wait3A_542 = arith.constant 0 : i32
          %dma_wait3A_543 = tpu.memref_slice %arg11[%sub3A_538, %dma_wait3A_542] : memref<160x128xi32, #tpu.memory_space<vmem>> -> memref<1x128xi32, #tpu.memory_space<vmem>>
          %dma_wait3A_544 = tpu.memref_squeeze %dma_wait3A_543 : memref<1x128xi32, #tpu.memory_space<vmem>> -> memref<128xi32, #tpu.memory_space<vmem>>
          %dma_wait3A_545 = arith.constant 0 : i32
          %dma_wait3A_546 = arith.constant 0 : i32
          %dma_wait3A_547 = tpu.memref_slice %arg15[%dma_wait3A_545, %dma_wait3A_546] : memref<10240x32xf32, #tpu.memory_space<vmem_shared>> -> memref<10240x32xf32, #tpu.memory_space<vmem_shared>>
          tpu.wait_indirect_dma semaphore(%arg31 : memref<!tpu.dma_semaphore, #tpu.memory_space<semaphore_mem>>) src(%dma_wait3A_541 : memref<128x32xf32, #tpu.memory_space<vmem>>) dst(%dma_wait3A_547 : memref<10240x32xf32, #tpu.memory_space<vmem_shared>>)
        } else {
        }
        %add3A_525 = arith.constant 4 : i32
        %add3A_526 = arith.addi %add3A_330, %add3A_525 : i32
        %dma_start3A_527 = arith.constant 768 : i32
        %dma_start3A_528 = arith.constant 0 : i32
        %dma_start3A_529 = tpu.memref_slice %arg12[%dma_start3A_527, %dma_start3A_528] : memref<1024x32xf32, #tpu.memory_space<vmem>> -> memref<128x32xf32, #tpu.memory_space<vmem>>
        %dma_start3A_530 = arith.constant 0 : i32
        %dma_start3A_531 = tpu.memref_slice %arg10[%add3A_526, %dma_start3A_530] : memref<160x128xi32, #tpu.memory_space<vmem>> -> memref<1x128xi32, #tpu.memory_space<vmem>>
        %dma_start3A_532 = tpu.memref_squeeze %dma_start3A_531 : memref<1x128xi32, #tpu.memory_space<vmem>> -> memref<128xi32, #tpu.memory_space<vmem>>
        %dma_start3A_533 = arith.constant 0 : i32
        %dma_start3A_534 = arith.constant 0 : i32
        %dma_start3A_535 = tpu.memref_slice %arg14[%dma_start3A_533, %dma_start3A_534] : memref<10000x32xf32, #tpu.memory_space<vmem_shared>> -> memref<10000x32xf32, #tpu.memory_space<vmem_shared>>
        tpu.enqueue_indirect_dma source(%dma_start3A_535 : memref<10000x32xf32, #tpu.memory_space<vmem_shared>>) target(%dma_start3A_529 : memref<128x32xf32, #tpu.memory_space<vmem>>) offsets(%dma_start3A_532 : memref<128xi32, #tpu.memory_space<vmem>>) semaphore(%arg23 : memref<!tpu.dma_semaphore, #tpu.memory_space<semaphore_mem>>)
      } else {
      }
      %mul3A_359 = arith.constant 8 : i32
      %mul3A_360 = arith.muli %mul3A_359, %scan3A_259 : i32
      %add3A_361 = arith.constant 3 : i32
      %add3A_362 = arith.addi %mul3A_360, %add3A_361 : i32
      %dma_wait3A_363 = arith.constant 384 : i32
      %dma_wait3A_364 = arith.constant 0 : i32
      %dma_wait3A_365 = tpu.memref_slice %arg12[%dma_wait3A_363, %dma_wait3A_364] : memref<1024x32xf32, #tpu.memory_space<vmem>> -> memref<128x32xf32, #tpu.memory_space<vmem>>
      %dma_wait3A_366 = arith.constant 0 : i32
      %dma_wait3A_367 = tpu.memref_slice %arg10[%add3A_362, %dma_wait3A_366] : memref<160x128xi32, #tpu.memory_space<vmem>> -> memref<1x128xi32, #tpu.memory_space<vmem>>
      %dma_wait3A_368 = tpu.memref_squeeze %dma_wait3A_367 : memref<1x128xi32, #tpu.memory_space<vmem>> -> memref<128xi32, #tpu.memory_space<vmem>>
      %dma_wait3A_369 = arith.constant 0 : i32
      %dma_wait3A_370 = arith.constant 0 : i32
      %dma_wait3A_371 = tpu.memref_slice %arg14[%dma_wait3A_369, %dma_wait3A_370] : memref<10000x32xf32, #tpu.memory_space<vmem_shared>> -> memref<10000x32xf32, #tpu.memory_space<vmem_shared>>
      tpu.wait_indirect_dma semaphore(%arg20 : memref<!tpu.dma_semaphore, #tpu.memory_space<semaphore_mem>>) src(%dma_wait3A_371 : memref<10000x32xf32, #tpu.memory_space<vmem_shared>>) dst(%dma_wait3A_365 : memref<128x32xf32, #tpu.memory_space<vmem>>)
      %dma_start3A_372 = arith.constant 384 : i32
      %dma_start3A_373 = arith.constant 0 : i32
      %dma_start3A_374 = tpu.memref_slice %arg12[%dma_start3A_372, %dma_start3A_373] : memref<1024x32xf32, #tpu.memory_space<vmem>> -> memref<128x32xf32, #tpu.memory_space<vmem>>
      %dma_start3A_375 = arith.constant 0 : i32
      %dma_start3A_376 = tpu.memref_slice %arg11[%add3A_362, %dma_start3A_375] : memref<160x128xi32, #tpu.memory_space<vmem>> -> memref<1x128xi32, #tpu.memory_space<vmem>>
      %dma_start3A_377 = tpu.memref_squeeze %dma_start3A_376 : memref<1x128xi32, #tpu.memory_space<vmem>> -> memref<128xi32, #tpu.memory_space<vmem>>
      %dma_start3A_378 = arith.constant 0 : i32
      %dma_start3A_379 = arith.constant 0 : i32
      %dma_start3A_380 = tpu.memref_slice %arg15[%dma_start3A_378, %dma_start3A_379] : memref<10240x32xf32, #tpu.memory_space<vmem_shared>> -> memref<10240x32xf32, #tpu.memory_space<vmem_shared>>
      tpu.enqueue_indirect_dma source(%dma_start3A_374 : memref<128x32xf32, #tpu.memory_space<vmem>>) target(%dma_start3A_380 : memref<10240x32xf32, #tpu.memory_space<vmem_shared>>) offsets(%dma_start3A_377 : memref<128xi32, #tpu.memory_space<vmem>>) semaphore(%arg28 : memref<!tpu.dma_semaphore, #tpu.memory_space<semaphore_mem>>) {add = true}
      %convert_element_type3A_381 = arith.extui %eq3A_264 : i1 to i32
      %cond3A_382 = arith.constant 0 : i32
      %cond3A_383 = arith.cmpi ne, %convert_element_type3A_381, %cond3A_382 : i32
      scf.if %cond3A_383 {
        "tpu.region"() ({
          %run_scoped3A = tpu.sem_alloc : memref<!tpu.dma_semaphore, #tpu.memory_space<semaphore_mem>>
          %dma_start3A_519 = arith.constant 0 : i32
          %dma_start3A_520 = tpu.memref_slice %arg11[%add3A_362, %dma_start3A_519] : memref<160x128xi32, #tpu.memory_space<vmem>> -> memref<1x128xi32, #tpu.memory_space<vmem>>
          %dma_start3A_521 = tpu.memref_squeeze %dma_start3A_520 : memref<1x128xi32, #tpu.memory_space<vmem>> -> memref<128xi32, #tpu.memory_space<vmem>>
          %dma_start3A_522 = arith.constant 0 : i32
          %dma_start3A_523 = arith.constant 0 : i32
          %dma_start3A_524 = tpu.memref_slice %arg16[%dma_start3A_522, %dma_start3A_523] : memref<10240x16xf32, #tpu.memory_space<vmem_shared>> -> memref<10240x16xf32, #tpu.memory_space<vmem_shared>>
          tpu.enqueue_indirect_dma source(%arg13 : memref<128x16xf32, #tpu.memory_space<vmem>>) target(%dma_start3A_524 : memref<10240x16xf32, #tpu.memory_space<vmem_shared>>) offsets(%dma_start3A_521 : memref<128xi32, #tpu.memory_space<vmem>>) semaphore(%run_scoped3A : memref<!tpu.dma_semaphore, #tpu.memory_space<semaphore_mem>>) {add = true}
          %dma_wait3A_525 = arith.constant 0 : i32
          %dma_wait3A_526 = tpu.memref_slice %arg11[%add3A_362, %dma_wait3A_525] : memref<160x128xi32, #tpu.memory_space<vmem>> -> memref<1x128xi32, #tpu.memory_space<vmem>>
          %dma_wait3A_527 = tpu.memref_squeeze %dma_wait3A_526 : memref<1x128xi32, #tpu.memory_space<vmem>> -> memref<128xi32, #tpu.memory_space<vmem>>
          %dma_wait3A_528 = arith.constant 0 : i32
          %dma_wait3A_529 = arith.constant 0 : i32
          %dma_wait3A_530 = tpu.memref_slice %arg16[%dma_wait3A_528, %dma_wait3A_529] : memref<10240x16xf32, #tpu.memory_space<vmem_shared>> -> memref<10240x16xf32, #tpu.memory_space<vmem_shared>>
          tpu.wait_indirect_dma semaphore(%run_scoped3A : memref<!tpu.dma_semaphore, #tpu.memory_space<semaphore_mem>>) src(%arg13 : memref<128x16xf32, #tpu.memory_space<vmem>>) dst(%dma_wait3A_530 : memref<10240x16xf32, #tpu.memory_space<vmem_shared>>)
          tpu.yield
        }) : () -> ()
      } else {
      }
      %add3A_384 = arith.constant 4 : i32
      %add3A_385 = arith.addi %add3A_362, %add3A_384 : i32
      %lt3A_386 = arith.constant 160 : i32
      %lt3A_387 = arith.cmpi slt, %add3A_385, %lt3A_386 : i32
      %convert_element_type3A_388 = arith.extui %lt3A_387 : i1 to i32
      %cond3A_389 = arith.constant 0 : i32
      %cond3A_390 = arith.cmpi ne, %convert_element_type3A_388, %cond3A_389 : i32
      scf.if %cond3A_390 {
        %add3A_519 = arith.constant 4 : i32
        %add3A_520 = arith.addi %add3A_362, %add3A_519 : i32
        %ge3A = arith.constant 8 : i32
        %ge3A_521 = arith.cmpi sge, %add3A_520, %ge3A : i32
        %convert_element_type3A_522 = arith.extui %ge3A_521 : i1 to i32
        %cond3A_523 = arith.constant 0 : i32
        %cond3A_524 = arith.cmpi ne, %convert_element_type3A_522, %cond3A_523 : i32
        scf.if %cond3A_524 {
          %add3A_536 = arith.constant 4 : i32
          %add3A_537 = arith.addi %add3A_362, %add3A_536 : i32
          %sub3A = arith.constant 8 : i32
          %sub3A_538 = arith.subi %add3A_537, %sub3A : i32
          %dma_wait3A_539 = arith.constant 896 : i32
          %dma_wait3A_540 = arith.constant 0 : i32
          %dma_wait3A_541 = tpu.memref_slice %arg12[%dma_wait3A_539, %dma_wait3A_540] : memref<1024x32xf32, #tpu.memory_space<vmem>> -> memref<128x32xf32, #tpu.memory_space<vmem>>
          %dma_wait3A_542 = arith.constant 0 : i32
          %dma_wait3A_543 = tpu.memref_slice %arg11[%sub3A_538, %dma_wait3A_542] : memref<160x128xi32, #tpu.memory_space<vmem>> -> memref<1x128xi32, #tpu.memory_space<vmem>>
          %dma_wait3A_544 = tpu.memref_squeeze %dma_wait3A_543 : memref<1x128xi32, #tpu.memory_space<vmem>> -> memref<128xi32, #tpu.memory_space<vmem>>
          %dma_wait3A_545 = arith.constant 0 : i32
          %dma_wait3A_546 = arith.constant 0 : i32
          %dma_wait3A_547 = tpu.memref_slice %arg15[%dma_wait3A_545, %dma_wait3A_546] : memref<10240x32xf32, #tpu.memory_space<vmem_shared>> -> memref<10240x32xf32, #tpu.memory_space<vmem_shared>>
          tpu.wait_indirect_dma semaphore(%arg32 : memref<!tpu.dma_semaphore, #tpu.memory_space<semaphore_mem>>) src(%dma_wait3A_541 : memref<128x32xf32, #tpu.memory_space<vmem>>) dst(%dma_wait3A_547 : memref<10240x32xf32, #tpu.memory_space<vmem_shared>>)
        } else {
        }
        %add3A_525 = arith.constant 4 : i32
        %add3A_526 = arith.addi %add3A_362, %add3A_525 : i32
        %dma_start3A_527 = arith.constant 896 : i32
        %dma_start3A_528 = arith.constant 0 : i32
        %dma_start3A_529 = tpu.memref_slice %arg12[%dma_start3A_527, %dma_start3A_528] : memref<1024x32xf32, #tpu.memory_space<vmem>> -> memref<128x32xf32, #tpu.memory_space<vmem>>
        %dma_start3A_530 = arith.constant 0 : i32
        %dma_start3A_531 = tpu.memref_slice %arg10[%add3A_526, %dma_start3A_530] : memref<160x128xi32, #tpu.memory_space<vmem>> -> memref<1x128xi32, #tpu.memory_space<vmem>>
        %dma_start3A_532 = tpu.memref_squeeze %dma_start3A_531 : memref<1x128xi32, #tpu.memory_space<vmem>> -> memref<128xi32, #tpu.memory_space<vmem>>
        %dma_start3A_533 = arith.constant 0 : i32
        %dma_start3A_534 = arith.constant 0 : i32
        %dma_start3A_535 = tpu.memref_slice %arg14[%dma_start3A_533, %dma_start3A_534] : memref<10000x32xf32, #tpu.memory_space<vmem_shared>> -> memref<10000x32xf32, #tpu.memory_space<vmem_shared>>
        tpu.enqueue_indirect_dma source(%dma_start3A_535 : memref<10000x32xf32, #tpu.memory_space<vmem_shared>>) target(%dma_start3A_529 : memref<128x32xf32, #tpu.memory_space<vmem>>) offsets(%dma_start3A_532 : memref<128xi32, #tpu.memory_space<vmem>>) semaphore(%arg24 : memref<!tpu.dma_semaphore, #tpu.memory_space<semaphore_mem>>)
      } else {
      }
      %mul3A_391 = arith.constant 8 : i32
      %mul3A_392 = arith.muli %mul3A_391, %scan3A_259 : i32
      %add3A_393 = arith.constant 4 : i32
      %add3A_394 = arith.addi %mul3A_392, %add3A_393 : i32
      %dma_wait3A_395 = arith.constant 512 : i32
      %dma_wait3A_396 = arith.constant 0 : i32
      %dma_wait3A_397 = tpu.memref_slice %arg12[%dma_wait3A_395, %dma_wait3A_396] : memref<1024x32xf32, #tpu.memory_space<vmem>> -> memref<128x32xf32, #tpu.memory_space<vmem>>
      %dma_wait3A_398 = arith.constant 0 : i32
      %dma_wait3A_399 = tpu.memref_slice %arg10[%add3A_394, %dma_wait3A_398] : memref<160x128xi32, #tpu.memory_space<vmem>> -> memref<1x128xi32, #tpu.memory_space<vmem>>
      %dma_wait3A_400 = tpu.memref_squeeze %dma_wait3A_399 : memref<1x128xi32, #tpu.memory_space<vmem>> -> memref<128xi32, #tpu.memory_space<vmem>>
      %dma_wait3A_401 = arith.constant 0 : i32
      %dma_wait3A_402 = arith.constant 0 : i32
      %dma_wait3A_403 = tpu.memref_slice %arg14[%dma_wait3A_401, %dma_wait3A_402] : memref<10000x32xf32, #tpu.memory_space<vmem_shared>> -> memref<10000x32xf32, #tpu.memory_space<vmem_shared>>
      tpu.wait_indirect_dma semaphore(%arg21 : memref<!tpu.dma_semaphore, #tpu.memory_space<semaphore_mem>>) src(%dma_wait3A_403 : memref<10000x32xf32, #tpu.memory_space<vmem_shared>>) dst(%dma_wait3A_397 : memref<128x32xf32, #tpu.memory_space<vmem>>)
      %dma_start3A_404 = arith.constant 512 : i32
      %dma_start3A_405 = arith.constant 0 : i32
      %dma_start3A_406 = tpu.memref_slice %arg12[%dma_start3A_404, %dma_start3A_405] : memref<1024x32xf32, #tpu.memory_space<vmem>> -> memref<128x32xf32, #tpu.memory_space<vmem>>
      %dma_start3A_407 = arith.constant 0 : i32
      %dma_start3A_408 = tpu.memref_slice %arg11[%add3A_394, %dma_start3A_407] : memref<160x128xi32, #tpu.memory_space<vmem>> -> memref<1x128xi32, #tpu.memory_space<vmem>>
      %dma_start3A_409 = tpu.memref_squeeze %dma_start3A_408 : memref<1x128xi32, #tpu.memory_space<vmem>> -> memref<128xi32, #tpu.memory_space<vmem>>
      %dma_start3A_410 = arith.constant 0 : i32
      %dma_start3A_411 = arith.constant 0 : i32
      %dma_start3A_412 = tpu.memref_slice %arg15[%dma_start3A_410, %dma_start3A_411] : memref<10240x32xf32, #tpu.memory_space<vmem_shared>> -> memref<10240x32xf32, #tpu.memory_space<vmem_shared>>
      tpu.enqueue_indirect_dma source(%dma_start3A_406 : memref<128x32xf32, #tpu.memory_space<vmem>>) target(%dma_start3A_412 : memref<10240x32xf32, #tpu.memory_space<vmem_shared>>) offsets(%dma_start3A_409 : memref<128xi32, #tpu.memory_space<vmem>>) semaphore(%arg29 : memref<!tpu.dma_semaphore, #tpu.memory_space<semaphore_mem>>) {add = true}
      %convert_element_type3A_413 = arith.extui %eq3A_264 : i1 to i32
      %cond3A_414 = arith.constant 0 : i32
      %cond3A_415 = arith.cmpi ne, %convert_element_type3A_413, %cond3A_414 : i32
      scf.if %cond3A_415 {
        "tpu.region"() ({
          %run_scoped3A = tpu.sem_alloc : memref<!tpu.dma_semaphore, #tpu.memory_space<semaphore_mem>>
          %dma_start3A_519 = arith.constant 0 : i32
          %dma_start3A_520 = tpu.memref_slice %arg11[%add3A_394, %dma_start3A_519] : memref<160x128xi32, #tpu.memory_space<vmem>> -> memref<1x128xi32, #tpu.memory_space<vmem>>
          %dma_start3A_521 = tpu.memref_squeeze %dma_start3A_520 : memref<1x128xi32, #tpu.memory_space<vmem>> -> memref<128xi32, #tpu.memory_space<vmem>>
          %dma_start3A_522 = arith.constant 0 : i32
          %dma_start3A_523 = arith.constant 0 : i32
          %dma_start3A_524 = tpu.memref_slice %arg16[%dma_start3A_522, %dma_start3A_523] : memref<10240x16xf32, #tpu.memory_space<vmem_shared>> -> memref<10240x16xf32, #tpu.memory_space<vmem_shared>>
          tpu.enqueue_indirect_dma source(%arg13 : memref<128x16xf32, #tpu.memory_space<vmem>>) target(%dma_start3A_524 : memref<10240x16xf32, #tpu.memory_space<vmem_shared>>) offsets(%dma_start3A_521 : memref<128xi32, #tpu.memory_space<vmem>>) semaphore(%run_scoped3A : memref<!tpu.dma_semaphore, #tpu.memory_space<semaphore_mem>>) {add = true}
          %dma_wait3A_525 = arith.constant 0 : i32
          %dma_wait3A_526 = tpu.memref_slice %arg11[%add3A_394, %dma_wait3A_525] : memref<160x128xi32, #tpu.memory_space<vmem>> -> memref<1x128xi32, #tpu.memory_space<vmem>>
          %dma_wait3A_527 = tpu.memref_squeeze %dma_wait3A_526 : memref<1x128xi32, #tpu.memory_space<vmem>> -> memref<128xi32, #tpu.memory_space<vmem>>
          %dma_wait3A_528 = arith.constant 0 : i32
          %dma_wait3A_529 = arith.constant 0 : i32
          %dma_wait3A_530 = tpu.memref_slice %arg16[%dma_wait3A_528, %dma_wait3A_529] : memref<10240x16xf32, #tpu.memory_space<vmem_shared>> -> memref<10240x16xf32, #tpu.memory_space<vmem_shared>>
          tpu.wait_indirect_dma semaphore(%run_scoped3A : memref<!tpu.dma_semaphore, #tpu.memory_space<semaphore_mem>>) src(%arg13 : memref<128x16xf32, #tpu.memory_space<vmem>>) dst(%dma_wait3A_530 : memref<10240x16xf32, #tpu.memory_space<vmem_shared>>)
          tpu.yield
        }) : () -> ()
      } else {
      }
      %add3A_416 = arith.constant 4 : i32
      %add3A_417 = arith.addi %add3A_394, %add3A_416 : i32
      %lt3A_418 = arith.constant 160 : i32
      %lt3A_419 = arith.cmpi slt, %add3A_417, %lt3A_418 : i32
      %convert_element_type3A_420 = arith.extui %lt3A_419 : i1 to i32
      %cond3A_421 = arith.constant 0 : i32
      %cond3A_422 = arith.cmpi ne, %convert_element_type3A_420, %cond3A_421 : i32
      scf.if %cond3A_422 {
        %add3A_519 = arith.constant 4 : i32
        %add3A_520 = arith.addi %add3A_394, %add3A_519 : i32
        %ge3A = arith.constant 8 : i32
        %ge3A_521 = arith.cmpi sge, %add3A_520, %ge3A : i32
        %convert_element_type3A_522 = arith.extui %ge3A_521 : i1 to i32
        %cond3A_523 = arith.constant 0 : i32
        %cond3A_524 = arith.cmpi ne, %convert_element_type3A_522, %cond3A_523 : i32
        scf.if %cond3A_524 {
          %add3A_536 = arith.constant 4 : i32
          %add3A_537 = arith.addi %add3A_394, %add3A_536 : i32
          %sub3A = arith.constant 8 : i32
          %sub3A_538 = arith.subi %add3A_537, %sub3A : i32
          %dma_wait3A_539 = arith.constant 0 : i32
          %dma_wait3A_540 = arith.constant 0 : i32
          %dma_wait3A_541 = tpu.memref_slice %arg12[%dma_wait3A_539, %dma_wait3A_540] : memref<1024x32xf32, #tpu.memory_space<vmem>> -> memref<128x32xf32, #tpu.memory_space<vmem>>
          %dma_wait3A_542 = arith.constant 0 : i32
          %dma_wait3A_543 = tpu.memref_slice %arg11[%sub3A_538, %dma_wait3A_542] : memref<160x128xi32, #tpu.memory_space<vmem>> -> memref<1x128xi32, #tpu.memory_space<vmem>>
          %dma_wait3A_544 = tpu.memref_squeeze %dma_wait3A_543 : memref<1x128xi32, #tpu.memory_space<vmem>> -> memref<128xi32, #tpu.memory_space<vmem>>
          %dma_wait3A_545 = arith.constant 0 : i32
          %dma_wait3A_546 = arith.constant 0 : i32
          %dma_wait3A_547 = tpu.memref_slice %arg15[%dma_wait3A_545, %dma_wait3A_546] : memref<10240x32xf32, #tpu.memory_space<vmem_shared>> -> memref<10240x32xf32, #tpu.memory_space<vmem_shared>>
          tpu.wait_indirect_dma semaphore(%arg25 : memref<!tpu.dma_semaphore, #tpu.memory_space<semaphore_mem>>) src(%dma_wait3A_541 : memref<128x32xf32, #tpu.memory_space<vmem>>) dst(%dma_wait3A_547 : memref<10240x32xf32, #tpu.memory_space<vmem_shared>>)
        } else {
        }
        %add3A_525 = arith.constant 4 : i32
        %add3A_526 = arith.addi %add3A_394, %add3A_525 : i32
        %dma_start3A_527 = arith.constant 0 : i32
        %dma_start3A_528 = arith.constant 0 : i32
        %dma_start3A_529 = tpu.memref_slice %arg12[%dma_start3A_527, %dma_start3A_528] : memref<1024x32xf32, #tpu.memory_space<vmem>> -> memref<128x32xf32, #tpu.memory_space<vmem>>
        %dma_start3A_530 = arith.constant 0 : i32
        %dma_start3A_531 = tpu.memref_slice %arg10[%add3A_526, %dma_start3A_530] : memref<160x128xi32, #tpu.memory_space<vmem>> -> memref<1x128xi32, #tpu.memory_space<vmem>>
        %dma_start3A_532 = tpu.memref_squeeze %dma_start3A_531 : memref<1x128xi32, #tpu.memory_space<vmem>> -> memref<128xi32, #tpu.memory_space<vmem>>
        %dma_start3A_533 = arith.constant 0 : i32
        %dma_start3A_534 = arith.constant 0 : i32
        %dma_start3A_535 = tpu.memref_slice %arg14[%dma_start3A_533, %dma_start3A_534] : memref<10000x32xf32, #tpu.memory_space<vmem_shared>> -> memref<10000x32xf32, #tpu.memory_space<vmem_shared>>
        tpu.enqueue_indirect_dma source(%dma_start3A_535 : memref<10000x32xf32, #tpu.memory_space<vmem_shared>>) target(%dma_start3A_529 : memref<128x32xf32, #tpu.memory_space<vmem>>) offsets(%dma_start3A_532 : memref<128xi32, #tpu.memory_space<vmem>>) semaphore(%arg17 : memref<!tpu.dma_semaphore, #tpu.memory_space<semaphore_mem>>)
      } else {
      }
      %mul3A_423 = arith.constant 8 : i32
      %mul3A_424 = arith.muli %mul3A_423, %scan3A_259 : i32
      %add3A_425 = arith.constant 5 : i32
      %add3A_426 = arith.addi %mul3A_424, %add3A_425 : i32
      %dma_wait3A_427 = arith.constant 640 : i32
      %dma_wait3A_428 = arith.constant 0 : i32
      %dma_wait3A_429 = tpu.memref_slice %arg12[%dma_wait3A_427, %dma_wait3A_428] : memref<1024x32xf32, #tpu.memory_space<vmem>> -> memref<128x32xf32, #tpu.memory_space<vmem>>
      %dma_wait3A_430 = arith.constant 0 : i32
      %dma_wait3A_431 = tpu.memref_slice %arg10[%add3A_426, %dma_wait3A_430] : memref<160x128xi32, #tpu.memory_space<vmem>> -> memref<1x128xi32, #tpu.memory_space<vmem>>
      %dma_wait3A_432 = tpu.memref_squeeze %dma_wait3A_431 : memref<1x128xi32, #tpu.memory_space<vmem>> -> memref<128xi32, #tpu.memory_space<vmem>>
      %dma_wait3A_433 = arith.constant 0 : i32
      %dma_wait3A_434 = arith.constant 0 : i32
      %dma_wait3A_435 = tpu.memref_slice %arg14[%dma_wait3A_433, %dma_wait3A_434] : memref<10000x32xf32, #tpu.memory_space<vmem_shared>> -> memref<10000x32xf32, #tpu.memory_space<vmem_shared>>
      tpu.wait_indirect_dma semaphore(%arg22 : memref<!tpu.dma_semaphore, #tpu.memory_space<semaphore_mem>>) src(%dma_wait3A_435 : memref<10000x32xf32, #tpu.memory_space<vmem_shared>>) dst(%dma_wait3A_429 : memref<128x32xf32, #tpu.memory_space<vmem>>)
      %dma_start3A_436 = arith.constant 640 : i32
      %dma_start3A_437 = arith.constant 0 : i32
      %dma_start3A_438 = tpu.memref_slice %arg12[%dma_start3A_436, %dma_start3A_437] : memref<1024x32xf32, #tpu.memory_space<vmem>> -> memref<128x32xf32, #tpu.memory_space<vmem>>
      %dma_start3A_439 = arith.constant 0 : i32
      %dma_start3A_440 = tpu.memref_slice %arg11[%add3A_426, %dma_start3A_439] : memref<160x128xi32, #tpu.memory_space<vmem>> -> memref<1x128xi32, #tpu.memory_space<vmem>>
      %dma_start3A_441 = tpu.memref_squeeze %dma_start3A_440 : memref<1x128xi32, #tpu.memory_space<vmem>> -> memref<128xi32, #tpu.memory_space<vmem>>
      %dma_start3A_442 = arith.constant 0 : i32
      %dma_start3A_443 = arith.constant 0 : i32
      %dma_start3A_444 = tpu.memref_slice %arg15[%dma_start3A_442, %dma_start3A_443] : memref<10240x32xf32, #tpu.memory_space<vmem_shared>> -> memref<10240x32xf32, #tpu.memory_space<vmem_shared>>
      tpu.enqueue_indirect_dma source(%dma_start3A_438 : memref<128x32xf32, #tpu.memory_space<vmem>>) target(%dma_start3A_444 : memref<10240x32xf32, #tpu.memory_space<vmem_shared>>) offsets(%dma_start3A_441 : memref<128xi32, #tpu.memory_space<vmem>>) semaphore(%arg30 : memref<!tpu.dma_semaphore, #tpu.memory_space<semaphore_mem>>) {add = true}
      %convert_element_type3A_445 = arith.extui %eq3A_264 : i1 to i32
      %cond3A_446 = arith.constant 0 : i32
      %cond3A_447 = arith.cmpi ne, %convert_element_type3A_445, %cond3A_446 : i32
      scf.if %cond3A_447 {
        "tpu.region"() ({
          %run_scoped3A = tpu.sem_alloc : memref<!tpu.dma_semaphore, #tpu.memory_space<semaphore_mem>>
          %dma_start3A_519 = arith.constant 0 : i32
          %dma_start3A_520 = tpu.memref_slice %arg11[%add3A_426, %dma_start3A_519] : memref<160x128xi32, #tpu.memory_space<vmem>> -> memref<1x128xi32, #tpu.memory_space<vmem>>
          %dma_start3A_521 = tpu.memref_squeeze %dma_start3A_520 : memref<1x128xi32, #tpu.memory_space<vmem>> -> memref<128xi32, #tpu.memory_space<vmem>>
          %dma_start3A_522 = arith.constant 0 : i32
          %dma_start3A_523 = arith.constant 0 : i32
          %dma_start3A_524 = tpu.memref_slice %arg16[%dma_start3A_522, %dma_start3A_523] : memref<10240x16xf32, #tpu.memory_space<vmem_shared>> -> memref<10240x16xf32, #tpu.memory_space<vmem_shared>>
          tpu.enqueue_indirect_dma source(%arg13 : memref<128x16xf32, #tpu.memory_space<vmem>>) target(%dma_start3A_524 : memref<10240x16xf32, #tpu.memory_space<vmem_shared>>) offsets(%dma_start3A_521 : memref<128xi32, #tpu.memory_space<vmem>>) semaphore(%run_scoped3A : memref<!tpu.dma_semaphore, #tpu.memory_space<semaphore_mem>>) {add = true}
          %dma_wait3A_525 = arith.constant 0 : i32
          %dma_wait3A_526 = tpu.memref_slice %arg11[%add3A_426, %dma_wait3A_525] : memref<160x128xi32, #tpu.memory_space<vmem>> -> memref<1x128xi32, #tpu.memory_space<vmem>>
          %dma_wait3A_527 = tpu.memref_squeeze %dma_wait3A_526 : memref<1x128xi32, #tpu.memory_space<vmem>> -> memref<128xi32, #tpu.memory_space<vmem>>
          %dma_wait3A_528 = arith.constant 0 : i32
          %dma_wait3A_529 = arith.constant 0 : i32
          %dma_wait3A_530 = tpu.memref_slice %arg16[%dma_wait3A_528, %dma_wait3A_529] : memref<10240x16xf32, #tpu.memory_space<vmem_shared>> -> memref<10240x16xf32, #tpu.memory_space<vmem_shared>>
          tpu.wait_indirect_dma semaphore(%run_scoped3A : memref<!tpu.dma_semaphore, #tpu.memory_space<semaphore_mem>>) src(%arg13 : memref<128x16xf32, #tpu.memory_space<vmem>>) dst(%dma_wait3A_530 : memref<10240x16xf32, #tpu.memory_space<vmem_shared>>)
          tpu.yield
        }) : () -> ()
      } else {
      }
      %add3A_448 = arith.constant 4 : i32
      %add3A_449 = arith.addi %add3A_426, %add3A_448 : i32
      %lt3A_450 = arith.constant 160 : i32
      %lt3A_451 = arith.cmpi slt, %add3A_449, %lt3A_450 : i32
      %convert_element_type3A_452 = arith.extui %lt3A_451 : i1 to i32
      %cond3A_453 = arith.constant 0 : i32
      %cond3A_454 = arith.cmpi ne, %convert_element_type3A_452, %cond3A_453 : i32
      scf.if %cond3A_454 {
        %add3A_519 = arith.constant 4 : i32
        %add3A_520 = arith.addi %add3A_426, %add3A_519 : i32
        %ge3A = arith.constant 8 : i32
        %ge3A_521 = arith.cmpi sge, %add3A_520, %ge3A : i32
        %convert_element_type3A_522 = arith.extui %ge3A_521 : i1 to i32
        %cond3A_523 = arith.constant 0 : i32
        %cond3A_524 = arith.cmpi ne, %convert_element_type3A_522, %cond3A_523 : i32
        scf.if %cond3A_524 {
          %add3A_536 = arith.constant 4 : i32
          %add3A_537 = arith.addi %add3A_426, %add3A_536 : i32
          %sub3A = arith.constant 8 : i32
          %sub3A_538 = arith.subi %add3A_537, %sub3A : i32
          %dma_wait3A_539 = arith.constant 128 : i32
          %dma_wait3A_540 = arith.constant 0 : i32
          %dma_wait3A_541 = tpu.memref_slice %arg12[%dma_wait3A_539, %dma_wait3A_540] : memref<1024x32xf32, #tpu.memory_space<vmem>> -> memref<128x32xf32, #tpu.memory_space<vmem>>
          %dma_wait3A_542 = arith.constant 0 : i32
          %dma_wait3A_543 = tpu.memref_slice %arg11[%sub3A_538, %dma_wait3A_542] : memref<160x128xi32, #tpu.memory_space<vmem>> -> memref<1x128xi32, #tpu.memory_space<vmem>>
          %dma_wait3A_544 = tpu.memref_squeeze %dma_wait3A_543 : memref<1x128xi32, #tpu.memory_space<vmem>> -> memref<128xi32, #tpu.memory_space<vmem>>
          %dma_wait3A_545 = arith.constant 0 : i32
          %dma_wait3A_546 = arith.constant 0 : i32
          %dma_wait3A_547 = tpu.memref_slice %arg15[%dma_wait3A_545, %dma_wait3A_546] : memref<10240x32xf32, #tpu.memory_space<vmem_shared>> -> memref<10240x32xf32, #tpu.memory_space<vmem_shared>>
          tpu.wait_indirect_dma semaphore(%arg26 : memref<!tpu.dma_semaphore, #tpu.memory_space<semaphore_mem>>) src(%dma_wait3A_541 : memref<128x32xf32, #tpu.memory_space<vmem>>) dst(%dma_wait3A_547 : memref<10240x32xf32, #tpu.memory_space<vmem_shared>>)
        } else {
        }
        %add3A_525 = arith.constant 4 : i32
        %add3A_526 = arith.addi %add3A_426, %add3A_525 : i32
        %dma_start3A_527 = arith.constant 128 : i32
        %dma_start3A_528 = arith.constant 0 : i32
        %dma_start3A_529 = tpu.memref_slice %arg12[%dma_start3A_527, %dma_start3A_528] : memref<1024x32xf32, #tpu.memory_space<vmem>> -> memref<128x32xf32, #tpu.memory_space<vmem>>
        %dma_start3A_530 = arith.constant 0 : i32
        %dma_start3A_531 = tpu.memref_slice %arg10[%add3A_526, %dma_start3A_530] : memref<160x128xi32, #tpu.memory_space<vmem>> -> memref<1x128xi32, #tpu.memory_space<vmem>>
        %dma_start3A_532 = tpu.memref_squeeze %dma_start3A_531 : memref<1x128xi32, #tpu.memory_space<vmem>> -> memref<128xi32, #tpu.memory_space<vmem>>
        %dma_start3A_533 = arith.constant 0 : i32
        %dma_start3A_534 = arith.constant 0 : i32
        %dma_start3A_535 = tpu.memref_slice %arg14[%dma_start3A_533, %dma_start3A_534] : memref<10000x32xf32, #tpu.memory_space<vmem_shared>> -> memref<10000x32xf32, #tpu.memory_space<vmem_shared>>
        tpu.enqueue_indirect_dma source(%dma_start3A_535 : memref<10000x32xf32, #tpu.memory_space<vmem_shared>>) target(%dma_start3A_529 : memref<128x32xf32, #tpu.memory_space<vmem>>) offsets(%dma_start3A_532 : memref<128xi32, #tpu.memory_space<vmem>>) semaphore(%arg18 : memref<!tpu.dma_semaphore, #tpu.memory_space<semaphore_mem>>)
      } else {
      }
      %mul3A_455 = arith.constant 8 : i32
      %mul3A_456 = arith.muli %mul3A_455, %scan3A_259 : i32
      %add3A_457 = arith.constant 6 : i32
      %add3A_458 = arith.addi %mul3A_456, %add3A_457 : i32
      %dma_wait3A_459 = arith.constant 768 : i32
      %dma_wait3A_460 = arith.constant 0 : i32
      %dma_wait3A_461 = tpu.memref_slice %arg12[%dma_wait3A_459, %dma_wait3A_460] : memref<1024x32xf32, #tpu.memory_space<vmem>> -> memref<128x32xf32, #tpu.memory_space<vmem>>
      %dma_wait3A_462 = arith.constant 0 : i32
      %dma_wait3A_463 = tpu.memref_slice %arg10[%add3A_458, %dma_wait3A_462] : memref<160x128xi32, #tpu.memory_space<vmem>> -> memref<1x128xi32, #tpu.memory_space<vmem>>
      %dma_wait3A_464 = tpu.memref_squeeze %dma_wait3A_463 : memref<1x128xi32, #tpu.memory_space<vmem>> -> memref<128xi32, #tpu.memory_space<vmem>>
      %dma_wait3A_465 = arith.constant 0 : i32
      %dma_wait3A_466 = arith.constant 0 : i32
      %dma_wait3A_467 = tpu.memref_slice %arg14[%dma_wait3A_465, %dma_wait3A_466] : memref<10000x32xf32, #tpu.memory_space<vmem_shared>> -> memref<10000x32xf32, #tpu.memory_space<vmem_shared>>
      tpu.wait_indirect_dma semaphore(%arg23 : memref<!tpu.dma_semaphore, #tpu.memory_space<semaphore_mem>>) src(%dma_wait3A_467 : memref<10000x32xf32, #tpu.memory_space<vmem_shared>>) dst(%dma_wait3A_461 : memref<128x32xf32, #tpu.memory_space<vmem>>)
      %dma_start3A_468 = arith.constant 768 : i32
      %dma_start3A_469 = arith.constant 0 : i32
      %dma_start3A_470 = tpu.memref_slice %arg12[%dma_start3A_468, %dma_start3A_469] : memref<1024x32xf32, #tpu.memory_space<vmem>> -> memref<128x32xf32, #tpu.memory_space<vmem>>
      %dma_start3A_471 = arith.constant 0 : i32
      %dma_start3A_472 = tpu.memref_slice %arg11[%add3A_458, %dma_start3A_471] : memref<160x128xi32, #tpu.memory_space<vmem>> -> memref<1x128xi32, #tpu.memory_space<vmem>>
      %dma_start3A_473 = tpu.memref_squeeze %dma_start3A_472 : memref<1x128xi32, #tpu.memory_space<vmem>> -> memref<128xi32, #tpu.memory_space<vmem>>
      %dma_start3A_474 = arith.constant 0 : i32
      %dma_start3A_475 = arith.constant 0 : i32
      %dma_start3A_476 = tpu.memref_slice %arg15[%dma_start3A_474, %dma_start3A_475] : memref<10240x32xf32, #tpu.memory_space<vmem_shared>> -> memref<10240x32xf32, #tpu.memory_space<vmem_shared>>
      tpu.enqueue_indirect_dma source(%dma_start3A_470 : memref<128x32xf32, #tpu.memory_space<vmem>>) target(%dma_start3A_476 : memref<10240x32xf32, #tpu.memory_space<vmem_shared>>) offsets(%dma_start3A_473 : memref<128xi32, #tpu.memory_space<vmem>>) semaphore(%arg31 : memref<!tpu.dma_semaphore, #tpu.memory_space<semaphore_mem>>) {add = true}
      %convert_element_type3A_477 = arith.extui %eq3A_264 : i1 to i32
      %cond3A_478 = arith.constant 0 : i32
      %cond3A_479 = arith.cmpi ne, %convert_element_type3A_477, %cond3A_478 : i32
      scf.if %cond3A_479 {
        "tpu.region"() ({
          %run_scoped3A = tpu.sem_alloc : memref<!tpu.dma_semaphore, #tpu.memory_space<semaphore_mem>>
          %dma_start3A_519 = arith.constant 0 : i32
          %dma_start3A_520 = tpu.memref_slice %arg11[%add3A_458, %dma_start3A_519] : memref<160x128xi32, #tpu.memory_space<vmem>> -> memref<1x128xi32, #tpu.memory_space<vmem>>
          %dma_start3A_521 = tpu.memref_squeeze %dma_start3A_520 : memref<1x128xi32, #tpu.memory_space<vmem>> -> memref<128xi32, #tpu.memory_space<vmem>>
          %dma_start3A_522 = arith.constant 0 : i32
          %dma_start3A_523 = arith.constant 0 : i32
          %dma_start3A_524 = tpu.memref_slice %arg16[%dma_start3A_522, %dma_start3A_523] : memref<10240x16xf32, #tpu.memory_space<vmem_shared>> -> memref<10240x16xf32, #tpu.memory_space<vmem_shared>>
          tpu.enqueue_indirect_dma source(%arg13 : memref<128x16xf32, #tpu.memory_space<vmem>>) target(%dma_start3A_524 : memref<10240x16xf32, #tpu.memory_space<vmem_shared>>) offsets(%dma_start3A_521 : memref<128xi32, #tpu.memory_space<vmem>>) semaphore(%run_scoped3A : memref<!tpu.dma_semaphore, #tpu.memory_space<semaphore_mem>>) {add = true}
          %dma_wait3A_525 = arith.constant 0 : i32
          %dma_wait3A_526 = tpu.memref_slice %arg11[%add3A_458, %dma_wait3A_525] : memref<160x128xi32, #tpu.memory_space<vmem>> -> memref<1x128xi32, #tpu.memory_space<vmem>>
          %dma_wait3A_527 = tpu.memref_squeeze %dma_wait3A_526 : memref<1x128xi32, #tpu.memory_space<vmem>> -> memref<128xi32, #tpu.memory_space<vmem>>
          %dma_wait3A_528 = arith.constant 0 : i32
          %dma_wait3A_529 = arith.constant 0 : i32
          %dma_wait3A_530 = tpu.memref_slice %arg16[%dma_wait3A_528, %dma_wait3A_529] : memref<10240x16xf32, #tpu.memory_space<vmem_shared>> -> memref<10240x16xf32, #tpu.memory_space<vmem_shared>>
          tpu.wait_indirect_dma semaphore(%run_scoped3A : memref<!tpu.dma_semaphore, #tpu.memory_space<semaphore_mem>>) src(%arg13 : memref<128x16xf32, #tpu.memory_space<vmem>>) dst(%dma_wait3A_530 : memref<10240x16xf32, #tpu.memory_space<vmem_shared>>)
          tpu.yield
        }) : () -> ()
      } else {
      }
      %add3A_480 = arith.constant 4 : i32
      %add3A_481 = arith.addi %add3A_458, %add3A_480 : i32
      %lt3A_482 = arith.constant 160 : i32
      %lt3A_483 = arith.cmpi slt, %add3A_481, %lt3A_482 : i32
      %convert_element_type3A_484 = arith.extui %lt3A_483 : i1 to i32
      %cond3A_485 = arith.constant 0 : i32
      %cond3A_486 = arith.cmpi ne, %convert_element_type3A_484, %cond3A_485 : i32
      scf.if %cond3A_486 {
        %add3A_519 = arith.constant 4 : i32
        %add3A_520 = arith.addi %add3A_458, %add3A_519 : i32
        %ge3A = arith.constant 8 : i32
        %ge3A_521 = arith.cmpi sge, %add3A_520, %ge3A : i32
        %convert_element_type3A_522 = arith.extui %ge3A_521 : i1 to i32
        %cond3A_523 = arith.constant 0 : i32
        %cond3A_524 = arith.cmpi ne, %convert_element_type3A_522, %cond3A_523 : i32
        scf.if %cond3A_524 {
          %add3A_536 = arith.constant 4 : i32
          %add3A_537 = arith.addi %add3A_458, %add3A_536 : i32
          %sub3A = arith.constant 8 : i32
          %sub3A_538 = arith.subi %add3A_537, %sub3A : i32
          %dma_wait3A_539 = arith.constant 256 : i32
          %dma_wait3A_540 = arith.constant 0 : i32
          %dma_wait3A_541 = tpu.memref_slice %arg12[%dma_wait3A_539, %dma_wait3A_540] : memref<1024x32xf32, #tpu.memory_space<vmem>> -> memref<128x32xf32, #tpu.memory_space<vmem>>
          %dma_wait3A_542 = arith.constant 0 : i32
          %dma_wait3A_543 = tpu.memref_slice %arg11[%sub3A_538, %dma_wait3A_542] : memref<160x128xi32, #tpu.memory_space<vmem>> -> memref<1x128xi32, #tpu.memory_space<vmem>>
          %dma_wait3A_544 = tpu.memref_squeeze %dma_wait3A_543 : memref<1x128xi32, #tpu.memory_space<vmem>> -> memref<128xi32, #tpu.memory_space<vmem>>
          %dma_wait3A_545 = arith.constant 0 : i32
          %dma_wait3A_546 = arith.constant 0 : i32
          %dma_wait3A_547 = tpu.memref_slice %arg15[%dma_wait3A_545, %dma_wait3A_546] : memref<10240x32xf32, #tpu.memory_space<vmem_shared>> -> memref<10240x32xf32, #tpu.memory_space<vmem_shared>>
          tpu.wait_indirect_dma semaphore(%arg27 : memref<!tpu.dma_semaphore, #tpu.memory_space<semaphore_mem>>) src(%dma_wait3A_541 : memref<128x32xf32, #tpu.memory_space<vmem>>) dst(%dma_wait3A_547 : memref<10240x32xf32, #tpu.memory_space<vmem_shared>>)
        } else {
        }
        %add3A_525 = arith.constant 4 : i32
        %add3A_526 = arith.addi %add3A_458, %add3A_525 : i32
        %dma_start3A_527 = arith.constant 256 : i32
        %dma_start3A_528 = arith.constant 0 : i32
        %dma_start3A_529 = tpu.memref_slice %arg12[%dma_start3A_527, %dma_start3A_528] : memref<1024x32xf32, #tpu.memory_space<vmem>> -> memref<128x32xf32, #tpu.memory_space<vmem>>
        %dma_start3A_530 = arith.constant 0 : i32
        %dma_start3A_531 = tpu.memref_slice %arg10[%add3A_526, %dma_start3A_530] : memref<160x128xi32, #tpu.memory_space<vmem>> -> memref<1x128xi32, #tpu.memory_space<vmem>>
        %dma_start3A_532 = tpu.memref_squeeze %dma_start3A_531 : memref<1x128xi32, #tpu.memory_space<vmem>> -> memref<128xi32, #tpu.memory_space<vmem>>
        %dma_start3A_533 = arith.constant 0 : i32
        %dma_start3A_534 = arith.constant 0 : i32
        %dma_start3A_535 = tpu.memref_slice %arg14[%dma_start3A_533, %dma_start3A_534] : memref<10000x32xf32, #tpu.memory_space<vmem_shared>> -> memref<10000x32xf32, #tpu.memory_space<vmem_shared>>
        tpu.enqueue_indirect_dma source(%dma_start3A_535 : memref<10000x32xf32, #tpu.memory_space<vmem_shared>>) target(%dma_start3A_529 : memref<128x32xf32, #tpu.memory_space<vmem>>) offsets(%dma_start3A_532 : memref<128xi32, #tpu.memory_space<vmem>>) semaphore(%arg19 : memref<!tpu.dma_semaphore, #tpu.memory_space<semaphore_mem>>)
      } else {
      }
      %mul3A_487 = arith.constant 8 : i32
      %mul3A_488 = arith.muli %mul3A_487, %scan3A_259 : i32
      %add3A_489 = arith.constant 7 : i32
      %add3A_490 = arith.addi %mul3A_488, %add3A_489 : i32
      %dma_wait3A_491 = arith.constant 896 : i32
      %dma_wait3A_492 = arith.constant 0 : i32
      %dma_wait3A_493 = tpu.memref_slice %arg12[%dma_wait3A_491, %dma_wait3A_492] : memref<1024x32xf32, #tpu.memory_space<vmem>> -> memref<128x32xf32, #tpu.memory_space<vmem>>
      %dma_wait3A_494 = arith.constant 0 : i32
      %dma_wait3A_495 = tpu.memref_slice %arg10[%add3A_490, %dma_wait3A_494] : memref<160x128xi32, #tpu.memory_space<vmem>> -> memref<1x128xi32, #tpu.memory_space<vmem>>
      %dma_wait3A_496 = tpu.memref_squeeze %dma_wait3A_495 : memref<1x128xi32, #tpu.memory_space<vmem>> -> memref<128xi32, #tpu.memory_space<vmem>>
      %dma_wait3A_497 = arith.constant 0 : i32
      %dma_wait3A_498 = arith.constant 0 : i32
      %dma_wait3A_499 = tpu.memref_slice %arg14[%dma_wait3A_497, %dma_wait3A_498] : memref<10000x32xf32, #tpu.memory_space<vmem_shared>> -> memref<10000x32xf32, #tpu.memory_space<vmem_shared>>
      tpu.wait_indirect_dma semaphore(%arg24 : memref<!tpu.dma_semaphore, #tpu.memory_space<semaphore_mem>>) src(%dma_wait3A_499 : memref<10000x32xf32, #tpu.memory_space<vmem_shared>>) dst(%dma_wait3A_493 : memref<128x32xf32, #tpu.memory_space<vmem>>)
      %dma_start3A_500 = arith.constant 896 : i32
      %dma_start3A_501 = arith.constant 0 : i32
      %dma_start3A_502 = tpu.memref_slice %arg12[%dma_start3A_500, %dma_start3A_501] : memref<1024x32xf32, #tpu.memory_space<vmem>> -> memref<128x32xf32, #tpu.memory_space<vmem>>
      %dma_start3A_503 = arith.constant 0 : i32
      %dma_start3A_504 = tpu.memref_slice %arg11[%add3A_490, %dma_start3A_503] : memref<160x128xi32, #tpu.memory_space<vmem>> -> memref<1x128xi32, #tpu.memory_space<vmem>>
      %dma_start3A_505 = tpu.memref_squeeze %dma_start3A_504 : memref<1x128xi32, #tpu.memory_space<vmem>> -> memref<128xi32, #tpu.memory_space<vmem>>
      %dma_start3A_506 = arith.constant 0 : i32
      %dma_start3A_507 = arith.constant 0 : i32
      %dma_start3A_508 = tpu.memref_slice %arg15[%dma_start3A_506, %dma_start3A_507] : memref<10240x32xf32, #tpu.memory_space<vmem_shared>> -> memref<10240x32xf32, #tpu.memory_space<vmem_shared>>
      tpu.enqueue_indirect_dma source(%dma_start3A_502 : memref<128x32xf32, #tpu.memory_space<vmem>>) target(%dma_start3A_508 : memref<10240x32xf32, #tpu.memory_space<vmem_shared>>) offsets(%dma_start3A_505 : memref<128xi32, #tpu.memory_space<vmem>>) semaphore(%arg32 : memref<!tpu.dma_semaphore, #tpu.memory_space<semaphore_mem>>) {add = true}
      %convert_element_type3A_509 = arith.extui %eq3A_264 : i1 to i32
      %cond3A_510 = arith.constant 0 : i32
      %cond3A_511 = arith.cmpi ne, %convert_element_type3A_509, %cond3A_510 : i32
      scf.if %cond3A_511 {
        "tpu.region"() ({
          %run_scoped3A = tpu.sem_alloc : memref<!tpu.dma_semaphore, #tpu.memory_space<semaphore_mem>>
          %dma_start3A_519 = arith.constant 0 : i32
          %dma_start3A_520 = tpu.memref_slice %arg11[%add3A_490, %dma_start3A_519] : memref<160x128xi32, #tpu.memory_space<vmem>> -> memref<1x128xi32, #tpu.memory_space<vmem>>
          %dma_start3A_521 = tpu.memref_squeeze %dma_start3A_520 : memref<1x128xi32, #tpu.memory_space<vmem>> -> memref<128xi32, #tpu.memory_space<vmem>>
          %dma_start3A_522 = arith.constant 0 : i32
          %dma_start3A_523 = arith.constant 0 : i32
          %dma_start3A_524 = tpu.memref_slice %arg16[%dma_start3A_522, %dma_start3A_523] : memref<10240x16xf32, #tpu.memory_space<vmem_shared>> -> memref<10240x16xf32, #tpu.memory_space<vmem_shared>>
          tpu.enqueue_indirect_dma source(%arg13 : memref<128x16xf32, #tpu.memory_space<vmem>>) target(%dma_start3A_524 : memref<10240x16xf32, #tpu.memory_space<vmem_shared>>) offsets(%dma_start3A_521 : memref<128xi32, #tpu.memory_space<vmem>>) semaphore(%run_scoped3A : memref<!tpu.dma_semaphore, #tpu.memory_space<semaphore_mem>>) {add = true}
          %dma_wait3A_525 = arith.constant 0 : i32
          %dma_wait3A_526 = tpu.memref_slice %arg11[%add3A_490, %dma_wait3A_525] : memref<160x128xi32, #tpu.memory_space<vmem>> -> memref<1x128xi32, #tpu.memory_space<vmem>>
          %dma_wait3A_527 = tpu.memref_squeeze %dma_wait3A_526 : memref<1x128xi32, #tpu.memory_space<vmem>> -> memref<128xi32, #tpu.memory_space<vmem>>
          %dma_wait3A_528 = arith.constant 0 : i32
          %dma_wait3A_529 = arith.constant 0 : i32
          %dma_wait3A_530 = tpu.memref_slice %arg16[%dma_wait3A_528, %dma_wait3A_529] : memref<10240x16xf32, #tpu.memory_space<vmem_shared>> -> memref<10240x16xf32, #tpu.memory_space<vmem_shared>>
          tpu.wait_indirect_dma semaphore(%run_scoped3A : memref<!tpu.dma_semaphore, #tpu.memory_space<semaphore_mem>>) src(%arg13 : memref<128x16xf32, #tpu.memory_space<vmem>>) dst(%dma_wait3A_530 : memref<10240x16xf32, #tpu.memory_space<vmem_shared>>)
          tpu.yield
        }) : () -> ()
      } else {
      }
      %add3A_512 = arith.constant 4 : i32
      %add3A_513 = arith.addi %add3A_490, %add3A_512 : i32
      %lt3A_514 = arith.constant 160 : i32
      %lt3A_515 = arith.cmpi slt, %add3A_513, %lt3A_514 : i32
      %convert_element_type3A_516 = arith.extui %lt3A_515 : i1 to i32
      %cond3A_517 = arith.constant 0 : i32
      %cond3A_518 = arith.cmpi ne, %convert_element_type3A_516, %cond3A_517 : i32
      scf.if %cond3A_518 {
        %add3A_519 = arith.constant 4 : i32
        %add3A_520 = arith.addi %add3A_490, %add3A_519 : i32
        %ge3A = arith.constant 8 : i32
        %ge3A_521 = arith.cmpi sge, %add3A_520, %ge3A : i32
        %convert_element_type3A_522 = arith.extui %ge3A_521 : i1 to i32
        %cond3A_523 = arith.constant 0 : i32
        %cond3A_524 = arith.cmpi ne, %convert_element_type3A_522, %cond3A_523 : i32
        scf.if %cond3A_524 {
          %add3A_536 = arith.constant 4 : i32
          %add3A_537 = arith.addi %add3A_490, %add3A_536 : i32
          %sub3A = arith.constant 8 : i32
          %sub3A_538 = arith.subi %add3A_537, %sub3A : i32
          %dma_wait3A_539 = arith.constant 384 : i32
          %dma_wait3A_540 = arith.constant 0 : i32
          %dma_wait3A_541 = tpu.memref_slice %arg12[%dma_wait3A_539, %dma_wait3A_540] : memref<1024x32xf32, #tpu.memory_space<vmem>> -> memref<128x32xf32, #tpu.memory_space<vmem>>
          %dma_wait3A_542 = arith.constant 0 : i32
          %dma_wait3A_543 = tpu.memref_slice %arg11[%sub3A_538, %dma_wait3A_542] : memref<160x128xi32, #tpu.memory_space<vmem>> -> memref<1x128xi32, #tpu.memory_space<vmem>>
          %dma_wait3A_544 = tpu.memref_squeeze %dma_wait3A_543 : memref<1x128xi32, #tpu.memory_space<vmem>> -> memref<128xi32, #tpu.memory_space<vmem>>
          %dma_wait3A_545 = arith.constant 0 : i32
          %dma_wait3A_546 = arith.constant 0 : i32
          %dma_wait3A_547 = tpu.memref_slice %arg15[%dma_wait3A_545, %dma_wait3A_546] : memref<10240x32xf32, #tpu.memory_space<vmem_shared>> -> memref<10240x32xf32, #tpu.memory_space<vmem_shared>>
          tpu.wait_indirect_dma semaphore(%arg28 : memref<!tpu.dma_semaphore, #tpu.memory_space<semaphore_mem>>) src(%dma_wait3A_541 : memref<128x32xf32, #tpu.memory_space<vmem>>) dst(%dma_wait3A_547 : memref<10240x32xf32, #tpu.memory_space<vmem_shared>>)
        } else {
        }
        %add3A_525 = arith.constant 4 : i32
        %add3A_526 = arith.addi %add3A_490, %add3A_525 : i32
        %dma_start3A_527 = arith.constant 384 : i32
        %dma_start3A_528 = arith.constant 0 : i32
        %dma_start3A_529 = tpu.memref_slice %arg12[%dma_start3A_527, %dma_start3A_528] : memref<1024x32xf32, #tpu.memory_space<vmem>> -> memref<128x32xf32, #tpu.memory_space<vmem>>
        %dma_start3A_530 = arith.constant 0 : i32
        %dma_start3A_531 = tpu.memref_slice %arg10[%add3A_526, %dma_start3A_530] : memref<160x128xi32, #tpu.memory_space<vmem>> -> memref<1x128xi32, #tpu.memory_space<vmem>>
        %dma_start3A_532 = tpu.memref_squeeze %dma_start3A_531 : memref<1x128xi32, #tpu.memory_space<vmem>> -> memref<128xi32, #tpu.memory_space<vmem>>
        %dma_start3A_533 = arith.constant 0 : i32
        %dma_start3A_534 = arith.constant 0 : i32
        %dma_start3A_535 = tpu.memref_slice %arg14[%dma_start3A_533, %dma_start3A_534] : memref<10000x32xf32, #tpu.memory_space<vmem_shared>> -> memref<10000x32xf32, #tpu.memory_space<vmem_shared>>
        tpu.enqueue_indirect_dma source(%dma_start3A_535 : memref<10000x32xf32, #tpu.memory_space<vmem_shared>>) target(%dma_start3A_529 : memref<128x32xf32, #tpu.memory_space<vmem>>) offsets(%dma_start3A_532 : memref<128xi32, #tpu.memory_space<vmem>>) semaphore(%arg20 : memref<!tpu.dma_semaphore, #tpu.memory_space<semaphore_mem>>)
      } else {
      }
    }
    %scan3A_47 = arith.constant 20 : i32
    %dma_wait3A = arith.constant 152 : i32
    %dma_wait3A_48 = arith.constant 0 : i32
    %dma_wait3A_49 = arith.constant 0 : i32
    %dma_wait3A_50 = tpu.memref_slice %arg12[%dma_wait3A_48, %dma_wait3A_49] : memref<1024x32xf32, #tpu.memory_space<vmem>> -> memref<128x32xf32, #tpu.memory_space<vmem>>
    %dma_wait3A_51 = arith.constant 0 : i32
    %dma_wait3A_52 = tpu.memref_slice %arg11[%dma_wait3A, %dma_wait3A_51] : memref<160x128xi32, #tpu.memory_space<vmem>> -> memref<1x128xi32, #tpu.memory_space<vmem>>
    %dma_wait3A_53 = tpu.memref_squeeze %dma_wait3A_52 : memref<1x128xi32, #tpu.memory_space<vmem>> -> memref<128xi32, #tpu.memory_space<vmem>>
    %dma_wait3A_54 = arith.constant 0 : i32
    %dma_wait3A_55 = arith.constant 0 : i32
    %dma_wait3A_56 = tpu.memref_slice %arg15[%dma_wait3A_54, %dma_wait3A_55] : memref<10240x32xf32, #tpu.memory_space<vmem_shared>> -> memref<10240x32xf32, #tpu.memory_space<vmem_shared>>
    tpu.wait_indirect_dma semaphore(%arg25 : memref<!tpu.dma_semaphore, #tpu.memory_space<semaphore_mem>>) src(%dma_wait3A_50 : memref<128x32xf32, #tpu.memory_space<vmem>>) dst(%dma_wait3A_56 : memref<10240x32xf32, #tpu.memory_space<vmem_shared>>)
    %dma_wait3A_57 = arith.constant 153 : i32
    %dma_wait3A_58 = arith.constant 128 : i32
    %dma_wait3A_59 = arith.constant 0 : i32
    %dma_wait3A_60 = tpu.memref_slice %arg12[%dma_wait3A_58, %dma_wait3A_59] : memref<1024x32xf32, #tpu.memory_space<vmem>> -> memref<128x32xf32, #tpu.memory_space<vmem>>
    %dma_wait3A_61 = arith.constant 0 : i32
    %dma_wait3A_62 = tpu.memref_slice %arg11[%dma_wait3A_57, %dma_wait3A_61] : memref<160x128xi32, #tpu.memory_space<vmem>> -> memref<1x128xi32, #tpu.memory_space<vmem>>
    %dma_wait3A_63 = tpu.memref_squeeze %dma_wait3A_62 : memref<1x128xi32, #tpu.memory_space<vmem>> -> memref<128xi32, #tpu.memory_space<vmem>>
    %dma_wait3A_64 = arith.constant 0 : i32
    %dma_wait3A_65 = arith.constant 0 : i32
    %dma_wait3A_66 = tpu.memref_slice %arg15[%dma_wait3A_64, %dma_wait3A_65] : memref<10240x32xf32, #tpu.memory_space<vmem_shared>> -> memref<10240x32xf32, #tpu.memory_space<vmem_shared>>
    tpu.wait_indirect_dma semaphore(%arg26 : memref<!tpu.dma_semaphore, #tpu.memory_space<semaphore_mem>>) src(%dma_wait3A_60 : memref<128x32xf32, #tpu.memory_space<vmem>>) dst(%dma_wait3A_66 : memref<10240x32xf32, #tpu.memory_space<vmem_shared>>)
    %dma_wait3A_67 = arith.constant 154 : i32
    %dma_wait3A_68 = arith.constant 256 : i32
    %dma_wait3A_69 = arith.constant 0 : i32
    %dma_wait3A_70 = tpu.memref_slice %arg12[%dma_wait3A_68, %dma_wait3A_69] : memref<1024x32xf32, #tpu.memory_space<vmem>> -> memref<128x32xf32, #tpu.memory_space<vmem>>
    %dma_wait3A_71 = arith.constant 0 : i32
    %dma_wait3A_72 = tpu.memref_slice %arg11[%dma_wait3A_67, %dma_wait3A_71] : memref<160x128xi32, #tpu.memory_space<vmem>> -> memref<1x128xi32, #tpu.memory_space<vmem>>
    %dma_wait3A_73 = tpu.memref_squeeze %dma_wait3A_72 : memref<1x128xi32, #tpu.memory_space<vmem>> -> memref<128xi32, #tpu.memory_space<vmem>>
    %dma_wait3A_74 = arith.constant 0 : i32
    %dma_wait3A_75 = arith.constant 0 : i32
    %dma_wait3A_76 = tpu.memref_slice %arg15[%dma_wait3A_74, %dma_wait3A_75] : memref<10240x32xf32, #tpu.memory_space<vmem_shared>> -> memref<10240x32xf32, #tpu.memory_space<vmem_shared>>
    tpu.wait_indirect_dma semaphore(%arg27 : memref<!tpu.dma_semaphore, #tpu.memory_space<semaphore_mem>>) src(%dma_wait3A_70 : memref<128x32xf32, #tpu.memory_space<vmem>>) dst(%dma_wait3A_76 : memref<10240x32xf32, #tpu.memory_space<vmem_shared>>)
    %dma_wait3A_77 = arith.constant 155 : i32
    %dma_wait3A_78 = arith.constant 384 : i32
    %dma_wait3A_79 = arith.constant 0 : i32
    %dma_wait3A_80 = tpu.memref_slice %arg12[%dma_wait3A_78, %dma_wait3A_79] : memref<1024x32xf32, #tpu.memory_space<vmem>> -> memref<128x32xf32, #tpu.memory_space<vmem>>
    %dma_wait3A_81 = arith.constant 0 : i32
    %dma_wait3A_82 = tpu.memref_slice %arg11[%dma_wait3A_77, %dma_wait3A_81] : memref<160x128xi32, #tpu.memory_space<vmem>> -> memref<1x128xi32, #tpu.memory_space<vmem>>
    %dma_wait3A_83 = tpu.memref_squeeze %dma_wait3A_82 : memref<1x128xi32, #tpu.memory_space<vmem>> -> memref<128xi32, #tpu.memory_space<vmem>>
    %dma_wait3A_84 = arith.constant 0 : i32
    %dma_wait3A_85 = arith.constant 0 : i32
    %dma_wait3A_86 = tpu.memref_slice %arg15[%dma_wait3A_84, %dma_wait3A_85] : memref<10240x32xf32, #tpu.memory_space<vmem_shared>> -> memref<10240x32xf32, #tpu.memory_space<vmem_shared>>
    tpu.wait_indirect_dma semaphore(%arg28 : memref<!tpu.dma_semaphore, #tpu.memory_space<semaphore_mem>>) src(%dma_wait3A_80 : memref<128x32xf32, #tpu.memory_space<vmem>>) dst(%dma_wait3A_86 : memref<10240x32xf32, #tpu.memory_space<vmem_shared>>)
    %dma_wait3A_87 = arith.constant 156 : i32
    %dma_wait3A_88 = arith.constant 512 : i32
    %dma_wait3A_89 = arith.constant 0 : i32
    %dma_wait3A_90 = tpu.memref_slice %arg12[%dma_wait3A_88, %dma_wait3A_89] : memref<1024x32xf32, #tpu.memory_space<vmem>> -> memref<128x32xf32, #tpu.memory_space<vmem>>
    %dma_wait3A_91 = arith.constant 0 : i32
    %dma_wait3A_92 = tpu.memref_slice %arg11[%dma_wait3A_87, %dma_wait3A_91] : memref<160x128xi32, #tpu.memory_space<vmem>> -> memref<1x128xi32, #tpu.memory_space<vmem>>
    %dma_wait3A_93 = tpu.memref_squeeze %dma_wait3A_92 : memref<1x128xi32, #tpu.memory_space<vmem>> -> memref<128xi32, #tpu.memory_space<vmem>>
    %dma_wait3A_94 = arith.constant 0 : i32
    %dma_wait3A_95 = arith.constant 0 : i32
    %dma_wait3A_96 = tpu.memref_slice %arg15[%dma_wait3A_94, %dma_wait3A_95] : memref<10240x32xf32, #tpu.memory_space<vmem_shared>> -> memref<10240x32xf32, #tpu.memory_space<vmem_shared>>
    tpu.wait_indirect_dma semaphore(%arg29 : memref<!tpu.dma_semaphore, #tpu.memory_space<semaphore_mem>>) src(%dma_wait3A_90 : memref<128x32xf32, #tpu.memory_space<vmem>>) dst(%dma_wait3A_96 : memref<10240x32xf32, #tpu.memory_space<vmem_shared>>)
    %dma_wait3A_97 = arith.constant 157 : i32
    %dma_wait3A_98 = arith.constant 640 : i32
    %dma_wait3A_99 = arith.constant 0 : i32
    %dma_wait3A_100 = tpu.memref_slice %arg12[%dma_wait3A_98, %dma_wait3A_99] : memref<1024x32xf32, #tpu.memory_space<vmem>> -> memref<128x32xf32, #tpu.memory_space<vmem>>
    %dma_wait3A_101 = arith.constant 0 : i32
    %dma_wait3A_102 = tpu.memref_slice %arg11[%dma_wait3A_97, %dma_wait3A_101] : memref<160x128xi32, #tpu.memory_space<vmem>> -> memref<1x128xi32, #tpu.memory_space<vmem>>
    %dma_wait3A_103 = tpu.memref_squeeze %dma_wait3A_102 : memref<1x128xi32, #tpu.memory_space<vmem>> -> memref<128xi32, #tpu.memory_space<vmem>>
    %dma_wait3A_104 = arith.constant 0 : i32
    %dma_wait3A_105 = arith.constant 0 : i32
    %dma_wait3A_106 = tpu.memref_slice %arg15[%dma_wait3A_104, %dma_wait3A_105] : memref<10240x32xf32, #tpu.memory_space<vmem_shared>> -> memref<10240x32xf32, #tpu.memory_space<vmem_shared>>
    tpu.wait_indirect_dma semaphore(%arg30 : memref<!tpu.dma_semaphore, #tpu.memory_space<semaphore_mem>>) src(%dma_wait3A_100 : memref<128x32xf32, #tpu.memory_space<vmem>>) dst(%dma_wait3A_106 : memref<10240x32xf32, #tpu.memory_space<vmem_shared>>)
    %dma_wait3A_107 = arith.constant 158 : i32
    %dma_wait3A_108 = arith.constant 768 : i32
    %dma_wait3A_109 = arith.constant 0 : i32
    %dma_wait3A_110 = tpu.memref_slice %arg12[%dma_wait3A_108, %dma_wait3A_109] : memref<1024x32xf32, #tpu.memory_space<vmem>> -> memref<128x32xf32, #tpu.memory_space<vmem>>
    %dma_wait3A_111 = arith.constant 0 : i32
    %dma_wait3A_112 = tpu.memref_slice %arg11[%dma_wait3A_107, %dma_wait3A_111] : memref<160x128xi32, #tpu.memory_space<vmem>> -> memref<1x128xi32, #tpu.memory_space<vmem>>
    %dma_wait3A_113 = tpu.memref_squeeze %dma_wait3A_112 : memref<1x128xi32, #tpu.memory_space<vmem>> -> memref<128xi32, #tpu.memory_space<vmem>>
    %dma_wait3A_114 = arith.constant 0 : i32
    %dma_wait3A_115 = arith.constant 0 : i32
    %dma_wait3A_116 = tpu.memref_slice %arg15[%dma_wait3A_114, %dma_wait3A_115] : memref<10240x32xf32, #tpu.memory_space<vmem_shared>> -> memref<10240x32xf32, #tpu.memory_space<vmem_shared>>
    tpu.wait_indirect_dma semaphore(%arg31 : memref<!tpu.dma_semaphore, #tpu.memory_space<semaphore_mem>>) src(%dma_wait3A_110 : memref<128x32xf32, #tpu.memory_space<vmem>>) dst(%dma_wait3A_116 : memref<10240x32xf32, #tpu.memory_space<vmem_shared>>)
    %dma_wait3A_117 = arith.constant 159 : i32
    %dma_wait3A_118 = arith.constant 896 : i32
    %dma_wait3A_119 = arith.constant 0 : i32
    %dma_wait3A_120 = tpu.memref_slice %arg12[%dma_wait3A_118, %dma_wait3A_119] : memref<1024x32xf32, #tpu.memory_space<vmem>> -> memref<128x32xf32, #tpu.memory_space<vmem>>
    %dma_wait3A_121 = arith.constant 0 : i32
    %dma_wait3A_122 = tpu.memref_slice %arg11[%dma_wait3A_117, %dma_wait3A_121] : memref<160x128xi32, #tpu.memory_space<vmem>> -> memref<1x128xi32, #tpu.memory_space<vmem>>
    %dma_wait3A_123 = tpu.memref_squeeze %dma_wait3A_122 : memref<1x128xi32, #tpu.memory_space<vmem>> -> memref<128xi32, #tpu.memory_space<vmem>>
    %dma_wait3A_124 = arith.constant 0 : i32
    %dma_wait3A_125 = arith.constant 0 : i32
    %dma_wait3A_126 = tpu.memref_slice %arg15[%dma_wait3A_124, %dma_wait3A_125] : memref<10240x32xf32, #tpu.memory_space<vmem_shared>> -> memref<10240x32xf32, #tpu.memory_space<vmem_shared>>
    tpu.wait_indirect_dma semaphore(%arg32 : memref<!tpu.dma_semaphore, #tpu.memory_space<semaphore_mem>>) src(%dma_wait3A_120 : memref<128x32xf32, #tpu.memory_space<vmem>>) dst(%dma_wait3A_126 : memref<10240x32xf32, #tpu.memory_space<vmem_shared>>)
    %barrier3A_127 = arith.constant 0 : index
    tpu.barrier barrier_id(%barrier3A_127)
    "tpu.region"() ({
      %run_scoped3A = tpu.sem_alloc : memref<!tpu.dma_semaphore, #tpu.memory_space<semaphore_mem>>
      %dma_start3A_259 = arith.constant 0 : i32
      %dma_start3A_260 = tpu.memref_slice %arg8[%add3A_3, %mul3A_0, %dma_start3A_259] : memref<4x10240x32xf32, #tpu.memory_space<hbm>> -> memref<1x640x32xf32, #tpu.memory_space<hbm>>
      %dma_start3A_261 = tpu.memref_squeeze %dma_start3A_260 : memref<1x640x32xf32, #tpu.memory_space<hbm>> -> memref<640x32xf32, #tpu.memory_space<hbm>>
      %dma_start3A_262 = arith.constant 0 : i32
      %dma_start3A_263 = tpu.memref_slice %arg15[%mul3A_0, %dma_start3A_262] : memref<10240x32xf32, #tpu.memory_space<vmem_shared>> -> memref<640x32xf32, #tpu.memory_space<vmem_shared>>
      tpu.enqueue_dma source(%dma_start3A_263 : memref<640x32xf32, #tpu.memory_space<vmem_shared>>) target(%dma_start3A_261 : memref<640x32xf32, #tpu.memory_space<hbm>>) target_semaphore(%run_scoped3A : memref<!tpu.dma_semaphore, #tpu.memory_space<semaphore_mem>>)
      %dma_wait3A_264 = arith.constant 0 : i32
      %dma_wait3A_265 = tpu.memref_slice %arg8[%add3A_3, %mul3A_0, %dma_wait3A_264] : memref<4x10240x32xf32, #tpu.memory_space<hbm>> -> memref<1x640x32xf32, #tpu.memory_space<hbm>>
      %dma_wait3A_266 = tpu.memref_squeeze %dma_wait3A_265 : memref<1x640x32xf32, #tpu.memory_space<hbm>> -> memref<640x32xf32, #tpu.memory_space<hbm>>
      %dma_wait3A_267 = arith.constant 0 : i32
      %dma_wait3A_268 = tpu.memref_slice %arg15[%mul3A_0, %dma_wait3A_267] : memref<10240x32xf32, #tpu.memory_space<vmem_shared>> -> memref<640x32xf32, #tpu.memory_space<vmem_shared>>
      tpu.wait_dma2 semaphore(%run_scoped3A : memref<!tpu.dma_semaphore, #tpu.memory_space<semaphore_mem>>) src(%dma_wait3A_268 : memref<640x32xf32, #tpu.memory_space<vmem_shared>>) dst(%dma_wait3A_266 : memref<640x32xf32, #tpu.memory_space<hbm>>)
      tpu.yield
    }) : () -> ()
    "tpu.region"() ({
      %run_scoped3A = tpu.sem_alloc : memref<!tpu.dma_semaphore, #tpu.memory_space<semaphore_mem>>
      %dma_start3A_259 = arith.constant 0 : i32
      %dma_start3A_260 = tpu.memref_slice %arg9[%arg0, %mul3A_0, %dma_start3A_259] : memref<2x10240x16xf32, #tpu.memory_space<hbm>> -> memref<1x640x16xf32, #tpu.memory_space<hbm>>
      %dma_start3A_261 = tpu.memref_squeeze %dma_start3A_260 : memref<1x640x16xf32, #tpu.memory_space<hbm>> -> memref<640x16xf32, #tpu.memory_space<hbm>>
      %dma_start3A_262 = arith.constant 0 : i32
      %dma_start3A_263 = tpu.memref_slice %arg16[%mul3A_0, %dma_start3A_262] : memref<10240x16xf32, #tpu.memory_space<vmem_shared>> -> memref<640x16xf32, #tpu.memory_space<vmem_shared>>
      tpu.enqueue_dma source(%dma_start3A_263 : memref<640x16xf32, #tpu.memory_space<vmem_shared>>) target(%dma_start3A_261 : memref<640x16xf32, #tpu.memory_space<hbm>>) target_semaphore(%run_scoped3A : memref<!tpu.dma_semaphore, #tpu.memory_space<semaphore_mem>>)
      %dma_wait3A_264 = arith.constant 0 : i32
      %dma_wait3A_265 = tpu.memref_slice %arg9[%arg0, %mul3A_0, %dma_wait3A_264] : memref<2x10240x16xf32, #tpu.memory_space<hbm>> -> memref<1x640x16xf32, #tpu.memory_space<hbm>>
      %dma_wait3A_266 = tpu.memref_squeeze %dma_wait3A_265 : memref<1x640x16xf32, #tpu.memory_space<hbm>> -> memref<640x16xf32, #tpu.memory_space<hbm>>
      %dma_wait3A_267 = arith.constant 0 : i32
      %dma_wait3A_268 = tpu.memref_slice %arg16[%mul3A_0, %dma_wait3A_267] : memref<10240x16xf32, #tpu.memory_space<vmem_shared>> -> memref<640x16xf32, #tpu.memory_space<vmem_shared>>
      tpu.wait_dma2 semaphore(%run_scoped3A : memref<!tpu.dma_semaphore, #tpu.memory_space<semaphore_mem>>) src(%dma_wait3A_268 : memref<640x16xf32, #tpu.memory_space<vmem_shared>>) dst(%dma_wait3A_266 : memref<640x16xf32, #tpu.memory_space<hbm>>)
      tpu.yield
    }) : () -> ()
    %barrier3A_128 = arith.constant 0 : index
    tpu.barrier barrier_id(%barrier3A_128)
    %add3A_129 = arith.constant 2 : i32
    %add3A_130 = arith.addi %add3A_129, %arg0 : i32
    "tpu.region"() ({
      %run_scoped3A = tpu.sem_alloc : memref<!tpu.dma_semaphore, #tpu.memory_space<semaphore_mem>>
      %dma_start3A_259 = arith.constant 0 : i32
      %dma_start3A_260 = tpu.memref_slice %arg14[%mul3A_2, %dma_start3A_259] : memref<10000x32xf32, #tpu.memory_space<vmem_shared>> -> memref<625x32xf32, #tpu.memory_space<vmem_shared>>
      %dma_start3A_261 = arith.constant 0 : i32
      %dma_start3A_262 = tpu.memref_slice %arg2[%add3A_130, %mul3A_2, %dma_start3A_261] : memref<4x10000x32xf32, #tpu.memory_space<hbm>> -> memref<1x625x32xf32, #tpu.memory_space<hbm>>
      %dma_start3A_263 = tpu.memref_squeeze %dma_start3A_262 : memref<1x625x32xf32, #tpu.memory_space<hbm>> -> memref<625x32xf32, #tpu.memory_space<hbm>>
      tpu.enqueue_dma source(%dma_start3A_263 : memref<625x32xf32, #tpu.memory_space<hbm>>) target(%dma_start3A_260 : memref<625x32xf32, #tpu.memory_space<vmem_shared>>) target_semaphore(%run_scoped3A : memref<!tpu.dma_semaphore, #tpu.memory_space<semaphore_mem>>)
      %dma_wait3A_264 = arith.constant 0 : i32
      %dma_wait3A_265 = tpu.memref_slice %arg14[%mul3A_2, %dma_wait3A_264] : memref<10000x32xf32, #tpu.memory_space<vmem_shared>> -> memref<625x32xf32, #tpu.memory_space<vmem_shared>>
      %dma_wait3A_266 = arith.constant 0 : i32
      %dma_wait3A_267 = tpu.memref_slice %arg2[%add3A_130, %mul3A_2, %dma_wait3A_266] : memref<4x10000x32xf32, #tpu.memory_space<hbm>> -> memref<1x625x32xf32, #tpu.memory_space<hbm>>
      %dma_wait3A_268 = tpu.memref_squeeze %dma_wait3A_267 : memref<1x625x32xf32, #tpu.memory_space<hbm>> -> memref<625x32xf32, #tpu.memory_space<hbm>>
      tpu.wait_dma2 semaphore(%run_scoped3A : memref<!tpu.dma_semaphore, #tpu.memory_space<semaphore_mem>>) src(%dma_wait3A_268 : memref<625x32xf32, #tpu.memory_space<hbm>>) dst(%dma_wait3A_265 : memref<625x32xf32, #tpu.memory_space<vmem_shared>>)
      tpu.yield
    }) : () -> ()
    "tpu.region"() ({
      %run_scoped3A = tpu.sem_alloc : memref<!tpu.dma_semaphore, #tpu.memory_space<semaphore_mem>>
      %dma_start3A_259 = arith.constant 0 : i32
      %dma_start3A_260 = tpu.memref_slice %arg15[%mul3A_0, %dma_start3A_259] : memref<10240x32xf32, #tpu.memory_space<vmem_shared>> -> memref<640x32xf32, #tpu.memory_space<vmem_shared>>
      tpu.enqueue_dma source(%arg5 : memref<640x32xf32, #tpu.memory_space<hbm>>) target(%dma_start3A_260 : memref<640x32xf32, #tpu.memory_space<vmem_shared>>) target_semaphore(%run_scoped3A : memref<!tpu.dma_semaphore, #tpu.memory_space<semaphore_mem>>)
      %dma_wait3A_261 = arith.constant 0 : i32
      %dma_wait3A_262 = tpu.memref_slice %arg15[%mul3A_0, %dma_wait3A_261] : memref<10240x32xf32, #tpu.memory_space<vmem_shared>> -> memref<640x32xf32, #tpu.memory_space<vmem_shared>>
      tpu.wait_dma2 semaphore(%run_scoped3A : memref<!tpu.dma_semaphore, #tpu.memory_space<semaphore_mem>>) src(%arg5 : memref<640x32xf32, #tpu.memory_space<hbm>>) dst(%dma_wait3A_262 : memref<640x32xf32, #tpu.memory_space<vmem_shared>>)
      tpu.yield
    }) : () -> ()
    %barrier3A_131 = arith.constant 0 : index
    tpu.barrier barrier_id(%barrier3A_131)
    %dma_start3A_132 = arith.constant 0 : i32
    %dma_start3A_133 = arith.constant 0 : i32
    %dma_start3A_134 = arith.constant 0 : i32
    %dma_start3A_135 = tpu.memref_slice %arg12[%dma_start3A_133, %dma_start3A_134] : memref<1024x32xf32, #tpu.memory_space<vmem>> -> memref<128x32xf32, #tpu.memory_space<vmem>>
    %dma_start3A_136 = arith.constant 0 : i32
    %dma_start3A_137 = tpu.memref_slice %arg10[%dma_start3A_132, %dma_start3A_136] : memref<160x128xi32, #tpu.memory_space<vmem>> -> memref<1x128xi32, #tpu.memory_space<vmem>>
    %dma_start3A_138 = tpu.memref_squeeze %dma_start3A_137 : memref<1x128xi32, #tpu.memory_space<vmem>> -> memref<128xi32, #tpu.memory_space<vmem>>
    %dma_start3A_139 = arith.constant 0 : i32
    %dma_start3A_140 = arith.constant 0 : i32
    %dma_start3A_141 = tpu.memref_slice %arg14[%dma_start3A_139, %dma_start3A_140] : memref<10000x32xf32, #tpu.memory_space<vmem_shared>> -> memref<10000x32xf32, #tpu.memory_space<vmem_shared>>
    tpu.enqueue_indirect_dma source(%dma_start3A_141 : memref<10000x32xf32, #tpu.memory_space<vmem_shared>>) target(%dma_start3A_135 : memref<128x32xf32, #tpu.memory_space<vmem>>) offsets(%dma_start3A_138 : memref<128xi32, #tpu.memory_space<vmem>>) semaphore(%arg17 : memref<!tpu.dma_semaphore, #tpu.memory_space<semaphore_mem>>)
    %dma_start3A_142 = arith.constant 1 : i32
    %dma_start3A_143 = arith.constant 128 : i32
    %dma_start3A_144 = arith.constant 0 : i32
    %dma_start3A_145 = tpu.memref_slice %arg12[%dma_start3A_143, %dma_start3A_144] : memref<1024x32xf32, #tpu.memory_space<vmem>> -> memref<128x32xf32, #tpu.memory_space<vmem>>
    %dma_start3A_146 = arith.constant 0 : i32
    %dma_start3A_147 = tpu.memref_slice %arg10[%dma_start3A_142, %dma_start3A_146] : memref<160x128xi32, #tpu.memory_space<vmem>> -> memref<1x128xi32, #tpu.memory_space<vmem>>
    %dma_start3A_148 = tpu.memref_squeeze %dma_start3A_147 : memref<1x128xi32, #tpu.memory_space<vmem>> -> memref<128xi32, #tpu.memory_space<vmem>>
    %dma_start3A_149 = arith.constant 0 : i32
    %dma_start3A_150 = arith.constant 0 : i32
    %dma_start3A_151 = tpu.memref_slice %arg14[%dma_start3A_149, %dma_start3A_150] : memref<10000x32xf32, #tpu.memory_space<vmem_shared>> -> memref<10000x32xf32, #tpu.memory_space<vmem_shared>>
    tpu.enqueue_indirect_dma source(%dma_start3A_151 : memref<10000x32xf32, #tpu.memory_space<vmem_shared>>) target(%dma_start3A_145 : memref<128x32xf32, #tpu.memory_space<vmem>>) offsets(%dma_start3A_148 : memref<128xi32, #tpu.memory_space<vmem>>) semaphore(%arg18 : memref<!tpu.dma_semaphore, #tpu.memory_space<semaphore_mem>>)
    %dma_start3A_152 = arith.constant 2 : i32
    %dma_start3A_153 = arith.constant 256 : i32
    %dma_start3A_154 = arith.constant 0 : i32
    %dma_start3A_155 = tpu.memref_slice %arg12[%dma_start3A_153, %dma_start3A_154] : memref<1024x32xf32, #tpu.memory_space<vmem>> -> memref<128x32xf32, #tpu.memory_space<vmem>>
    %dma_start3A_156 = arith.constant 0 : i32
    %dma_start3A_157 = tpu.memref_slice %arg10[%dma_start3A_152, %dma_start3A_156] : memref<160x128xi32, #tpu.memory_space<vmem>> -> memref<1x128xi32, #tpu.memory_space<vmem>>
    %dma_start3A_158 = tpu.memref_squeeze %dma_start3A_157 : memref<1x128xi32, #tpu.memory_space<vmem>> -> memref<128xi32, #tpu.memory_space<vmem>>
    %dma_start3A_159 = arith.constant 0 : i32
    %dma_start3A_160 = arith.constant 0 : i32
    %dma_start3A_161 = tpu.memref_slice %arg14[%dma_start3A_159, %dma_start3A_160] : memref<10000x32xf32, #tpu.memory_space<vmem_shared>> -> memref<10000x32xf32, #tpu.memory_space<vmem_shared>>
    tpu.enqueue_indirect_dma source(%dma_start3A_161 : memref<10000x32xf32, #tpu.memory_space<vmem_shared>>) target(%dma_start3A_155 : memref<128x32xf32, #tpu.memory_space<vmem>>) offsets(%dma_start3A_158 : memref<128xi32, #tpu.memory_space<vmem>>) semaphore(%arg19 : memref<!tpu.dma_semaphore, #tpu.memory_space<semaphore_mem>>)
    %dma_start3A_162 = arith.constant 3 : i32
    %dma_start3A_163 = arith.constant 384 : i32
    %dma_start3A_164 = arith.constant 0 : i32
    %dma_start3A_165 = tpu.memref_slice %arg12[%dma_start3A_163, %dma_start3A_164] : memref<1024x32xf32, #tpu.memory_space<vmem>> -> memref<128x32xf32, #tpu.memory_space<vmem>>
    %dma_start3A_166 = arith.constant 0 : i32
    %dma_start3A_167 = tpu.memref_slice %arg10[%dma_start3A_162, %dma_start3A_166] : memref<160x128xi32, #tpu.memory_space<vmem>> -> memref<1x128xi32, #tpu.memory_space<vmem>>
    %dma_start3A_168 = tpu.memref_squeeze %dma_start3A_167 : memref<1x128xi32, #tpu.memory_space<vmem>> -> memref<128xi32, #tpu.memory_space<vmem>>
    %dma_start3A_169 = arith.constant 0 : i32
    %dma_start3A_170 = arith.constant 0 : i32
    %dma_start3A_171 = tpu.memref_slice %arg14[%dma_start3A_169, %dma_start3A_170] : memref<10000x32xf32, #tpu.memory_space<vmem_shared>> -> memref<10000x32xf32, #tpu.memory_space<vmem_shared>>
    tpu.enqueue_indirect_dma source(%dma_start3A_171 : memref<10000x32xf32, #tpu.memory_space<vmem_shared>>) target(%dma_start3A_165 : memref<128x32xf32, #tpu.memory_space<vmem>>) offsets(%dma_start3A_168 : memref<128xi32, #tpu.memory_space<vmem>>) semaphore(%arg20 : memref<!tpu.dma_semaphore, #tpu.memory_space<semaphore_mem>>)
    %scan3A_172 = arith.constant 0 : i32
    %scan3A_173 = arith.constant 0 : i32
    %scan3A_174 = arith.constant 20 : i32
    %scan3A_175 = arith.addi %scan3A_173, %scan3A_174 : i32
    %scan3A_176 = arith.constant 1 : i32
    scf.for %scan3A_259 = %scan3A_173 to %scan3A_175 step %scan3A_176  : i32 {
      %lt3A = arith.constant 10 : i32
      %lt3A_260 = arith.cmpi slt, %scan3A_259, %lt3A : i32
      %eq3A = arith.constant 0 : i32
      %eq3A_261 = arith.cmpi eq, %arg0, %eq3A : i32
      %eq3A_262 = arith.xori %lt3A_260, %eq3A_261 : i1
      %eq3A_263 = arith.constant true
      %eq3A_264 = arith.xori %eq3A_262, %eq3A_263 : i1
      %mul3A_265 = arith.constant 8 : i32
      %mul3A_266 = arith.muli %mul3A_265, %scan3A_259 : i32
      %add3A_267 = arith.constant 0 : i32
      %add3A_268 = arith.addi %mul3A_266, %add3A_267 : i32
      %dma_wait3A_269 = arith.constant 0 : i32
      %dma_wait3A_270 = arith.constant 0 : i32
      %dma_wait3A_271 = tpu.memref_slice %arg12[%dma_wait3A_269, %dma_wait3A_270] : memref<1024x32xf32, #tpu.memory_space<vmem>> -> memref<128x32xf32, #tpu.memory_space<vmem>>
      %dma_wait3A_272 = arith.constant 0 : i32
      %dma_wait3A_273 = tpu.memref_slice %arg10[%add3A_268, %dma_wait3A_272] : memref<160x128xi32, #tpu.memory_space<vmem>> -> memref<1x128xi32, #tpu.memory_space<vmem>>
      %dma_wait3A_274 = tpu.memref_squeeze %dma_wait3A_273 : memref<1x128xi32, #tpu.memory_space<vmem>> -> memref<128xi32, #tpu.memory_space<vmem>>
      %dma_wait3A_275 = arith.constant 0 : i32
      %dma_wait3A_276 = arith.constant 0 : i32
      %dma_wait3A_277 = tpu.memref_slice %arg14[%dma_wait3A_275, %dma_wait3A_276] : memref<10000x32xf32, #tpu.memory_space<vmem_shared>> -> memref<10000x32xf32, #tpu.memory_space<vmem_shared>>
      tpu.wait_indirect_dma semaphore(%arg17 : memref<!tpu.dma_semaphore, #tpu.memory_space<semaphore_mem>>) src(%dma_wait3A_277 : memref<10000x32xf32, #tpu.memory_space<vmem_shared>>) dst(%dma_wait3A_271 : memref<128x32xf32, #tpu.memory_space<vmem>>)
      %dma_start3A_278 = arith.constant 0 : i32
      %dma_start3A_279 = arith.constant 0 : i32
      %dma_start3A_280 = tpu.memref_slice %arg12[%dma_start3A_278, %dma_start3A_279] : memref<1024x32xf32, #tpu.memory_space<vmem>> -> memref<128x32xf32, #tpu.memory_space<vmem>>
      %dma_start3A_281 = arith.constant 0 : i32
      %dma_start3A_282 = tpu.memref_slice %arg11[%add3A_268, %dma_start3A_281] : memref<160x128xi32, #tpu.memory_space<vmem>> -> memref<1x128xi32, #tpu.memory_space<vmem>>
      %dma_start3A_283 = tpu.memref_squeeze %dma_start3A_282 : memref<1x128xi32, #tpu.memory_space<vmem>> -> memref<128xi32, #tpu.memory_space<vmem>>
      %dma_start3A_284 = arith.constant 0 : i32
      %dma_start3A_285 = arith.constant 0 : i32
      %dma_start3A_286 = tpu.memref_slice %arg15[%dma_start3A_284, %dma_start3A_285] : memref<10240x32xf32, #tpu.memory_space<vmem_shared>> -> memref<10240x32xf32, #tpu.memory_space<vmem_shared>>
      tpu.enqueue_indirect_dma source(%dma_start3A_280 : memref<128x32xf32, #tpu.memory_space<vmem>>) target(%dma_start3A_286 : memref<10240x32xf32, #tpu.memory_space<vmem_shared>>) offsets(%dma_start3A_283 : memref<128xi32, #tpu.memory_space<vmem>>) semaphore(%arg25 : memref<!tpu.dma_semaphore, #tpu.memory_space<semaphore_mem>>) {add = true}
      %add3A_287 = arith.constant 4 : i32
      %add3A_288 = arith.addi %add3A_268, %add3A_287 : i32
      %lt3A_289 = arith.constant 160 : i32
      %lt3A_290 = arith.cmpi slt, %add3A_288, %lt3A_289 : i32
      %convert_element_type3A = arith.extui %lt3A_290 : i1 to i32
      %cond3A = arith.constant 0 : i32
      %cond3A_291 = arith.cmpi ne, %convert_element_type3A, %cond3A : i32
      scf.if %cond3A_291 {
        %add3A_495 = arith.constant 4 : i32
        %add3A_496 = arith.addi %add3A_268, %add3A_495 : i32
        %ge3A = arith.constant 8 : i32
        %ge3A_497 = arith.cmpi sge, %add3A_496, %ge3A : i32
        %convert_element_type3A_498 = arith.extui %ge3A_497 : i1 to i32
        %cond3A_499 = arith.constant 0 : i32
        %cond3A_500 = arith.cmpi ne, %convert_element_type3A_498, %cond3A_499 : i32
        scf.if %cond3A_500 {
          %add3A_512 = arith.constant 4 : i32
          %add3A_513 = arith.addi %add3A_268, %add3A_512 : i32
          %sub3A = arith.constant 8 : i32
          %sub3A_514 = arith.subi %add3A_513, %sub3A : i32
          %dma_wait3A_515 = arith.constant 512 : i32
          %dma_wait3A_516 = arith.constant 0 : i32
          %dma_wait3A_517 = tpu.memref_slice %arg12[%dma_wait3A_515, %dma_wait3A_516] : memref<1024x32xf32, #tpu.memory_space<vmem>> -> memref<128x32xf32, #tpu.memory_space<vmem>>
          %dma_wait3A_518 = arith.constant 0 : i32
          %dma_wait3A_519 = tpu.memref_slice %arg11[%sub3A_514, %dma_wait3A_518] : memref<160x128xi32, #tpu.memory_space<vmem>> -> memref<1x128xi32, #tpu.memory_space<vmem>>
          %dma_wait3A_520 = tpu.memref_squeeze %dma_wait3A_519 : memref<1x128xi32, #tpu.memory_space<vmem>> -> memref<128xi32, #tpu.memory_space<vmem>>
          %dma_wait3A_521 = arith.constant 0 : i32
          %dma_wait3A_522 = arith.constant 0 : i32
          %dma_wait3A_523 = tpu.memref_slice %arg15[%dma_wait3A_521, %dma_wait3A_522] : memref<10240x32xf32, #tpu.memory_space<vmem_shared>> -> memref<10240x32xf32, #tpu.memory_space<vmem_shared>>
          tpu.wait_indirect_dma semaphore(%arg29 : memref<!tpu.dma_semaphore, #tpu.memory_space<semaphore_mem>>) src(%dma_wait3A_517 : memref<128x32xf32, #tpu.memory_space<vmem>>) dst(%dma_wait3A_523 : memref<10240x32xf32, #tpu.memory_space<vmem_shared>>)
        } else {
        }
        %add3A_501 = arith.constant 4 : i32
        %add3A_502 = arith.addi %add3A_268, %add3A_501 : i32
        %dma_start3A_503 = arith.constant 512 : i32
        %dma_start3A_504 = arith.constant 0 : i32
        %dma_start3A_505 = tpu.memref_slice %arg12[%dma_start3A_503, %dma_start3A_504] : memref<1024x32xf32, #tpu.memory_space<vmem>> -> memref<128x32xf32, #tpu.memory_space<vmem>>
        %dma_start3A_506 = arith.constant 0 : i32
        %dma_start3A_507 = tpu.memref_slice %arg10[%add3A_502, %dma_start3A_506] : memref<160x128xi32, #tpu.memory_space<vmem>> -> memref<1x128xi32, #tpu.memory_space<vmem>>
        %dma_start3A_508 = tpu.memref_squeeze %dma_start3A_507 : memref<1x128xi32, #tpu.memory_space<vmem>> -> memref<128xi32, #tpu.memory_space<vmem>>
        %dma_start3A_509 = arith.constant 0 : i32
        %dma_start3A_510 = arith.constant 0 : i32
        %dma_start3A_511 = tpu.memref_slice %arg14[%dma_start3A_509, %dma_start3A_510] : memref<10000x32xf32, #tpu.memory_space<vmem_shared>> -> memref<10000x32xf32, #tpu.memory_space<vmem_shared>>
        tpu.enqueue_indirect_dma source(%dma_start3A_511 : memref<10000x32xf32, #tpu.memory_space<vmem_shared>>) target(%dma_start3A_505 : memref<128x32xf32, #tpu.memory_space<vmem>>) offsets(%dma_start3A_508 : memref<128xi32, #tpu.memory_space<vmem>>) semaphore(%arg21 : memref<!tpu.dma_semaphore, #tpu.memory_space<semaphore_mem>>)
      } else {
      }
      %mul3A_292 = arith.constant 8 : i32
      %mul3A_293 = arith.muli %mul3A_292, %scan3A_259 : i32
      %add3A_294 = arith.constant 1 : i32
      %add3A_295 = arith.addi %mul3A_293, %add3A_294 : i32
      %dma_wait3A_296 = arith.constant 128 : i32
      %dma_wait3A_297 = arith.constant 0 : i32
      %dma_wait3A_298 = tpu.memref_slice %arg12[%dma_wait3A_296, %dma_wait3A_297] : memref<1024x32xf32, #tpu.memory_space<vmem>> -> memref<128x32xf32, #tpu.memory_space<vmem>>
      %dma_wait3A_299 = arith.constant 0 : i32
      %dma_wait3A_300 = tpu.memref_slice %arg10[%add3A_295, %dma_wait3A_299] : memref<160x128xi32, #tpu.memory_space<vmem>> -> memref<1x128xi32, #tpu.memory_space<vmem>>
      %dma_wait3A_301 = tpu.memref_squeeze %dma_wait3A_300 : memref<1x128xi32, #tpu.memory_space<vmem>> -> memref<128xi32, #tpu.memory_space<vmem>>
      %dma_wait3A_302 = arith.constant 0 : i32
      %dma_wait3A_303 = arith.constant 0 : i32
      %dma_wait3A_304 = tpu.memref_slice %arg14[%dma_wait3A_302, %dma_wait3A_303] : memref<10000x32xf32, #tpu.memory_space<vmem_shared>> -> memref<10000x32xf32, #tpu.memory_space<vmem_shared>>
      tpu.wait_indirect_dma semaphore(%arg18 : memref<!tpu.dma_semaphore, #tpu.memory_space<semaphore_mem>>) src(%dma_wait3A_304 : memref<10000x32xf32, #tpu.memory_space<vmem_shared>>) dst(%dma_wait3A_298 : memref<128x32xf32, #tpu.memory_space<vmem>>)
      %dma_start3A_305 = arith.constant 128 : i32
      %dma_start3A_306 = arith.constant 0 : i32
      %dma_start3A_307 = tpu.memref_slice %arg12[%dma_start3A_305, %dma_start3A_306] : memref<1024x32xf32, #tpu.memory_space<vmem>> -> memref<128x32xf32, #tpu.memory_space<vmem>>
      %dma_start3A_308 = arith.constant 0 : i32
      %dma_start3A_309 = tpu.memref_slice %arg11[%add3A_295, %dma_start3A_308] : memref<160x128xi32, #tpu.memory_space<vmem>> -> memref<1x128xi32, #tpu.memory_space<vmem>>
      %dma_start3A_310 = tpu.memref_squeeze %dma_start3A_309 : memref<1x128xi32, #tpu.memory_space<vmem>> -> memref<128xi32, #tpu.memory_space<vmem>>
      %dma_start3A_311 = arith.constant 0 : i32
      %dma_start3A_312 = arith.constant 0 : i32
      %dma_start3A_313 = tpu.memref_slice %arg15[%dma_start3A_311, %dma_start3A_312] : memref<10240x32xf32, #tpu.memory_space<vmem_shared>> -> memref<10240x32xf32, #tpu.memory_space<vmem_shared>>
      tpu.enqueue_indirect_dma source(%dma_start3A_307 : memref<128x32xf32, #tpu.memory_space<vmem>>) target(%dma_start3A_313 : memref<10240x32xf32, #tpu.memory_space<vmem_shared>>) offsets(%dma_start3A_310 : memref<128xi32, #tpu.memory_space<vmem>>) semaphore(%arg26 : memref<!tpu.dma_semaphore, #tpu.memory_space<semaphore_mem>>) {add = true}
      %add3A_314 = arith.constant 4 : i32
      %add3A_315 = arith.addi %add3A_295, %add3A_314 : i32
      %lt3A_316 = arith.constant 160 : i32
      %lt3A_317 = arith.cmpi slt, %add3A_315, %lt3A_316 : i32
      %convert_element_type3A_318 = arith.extui %lt3A_317 : i1 to i32
      %cond3A_319 = arith.constant 0 : i32
      %cond3A_320 = arith.cmpi ne, %convert_element_type3A_318, %cond3A_319 : i32
      scf.if %cond3A_320 {
        %add3A_495 = arith.constant 4 : i32
        %add3A_496 = arith.addi %add3A_295, %add3A_495 : i32
        %ge3A = arith.constant 8 : i32
        %ge3A_497 = arith.cmpi sge, %add3A_496, %ge3A : i32
        %convert_element_type3A_498 = arith.extui %ge3A_497 : i1 to i32
        %cond3A_499 = arith.constant 0 : i32
        %cond3A_500 = arith.cmpi ne, %convert_element_type3A_498, %cond3A_499 : i32
        scf.if %cond3A_500 {
          %add3A_512 = arith.constant 4 : i32
          %add3A_513 = arith.addi %add3A_295, %add3A_512 : i32
          %sub3A = arith.constant 8 : i32
          %sub3A_514 = arith.subi %add3A_513, %sub3A : i32
          %dma_wait3A_515 = arith.constant 640 : i32
          %dma_wait3A_516 = arith.constant 0 : i32
          %dma_wait3A_517 = tpu.memref_slice %arg12[%dma_wait3A_515, %dma_wait3A_516] : memref<1024x32xf32, #tpu.memory_space<vmem>> -> memref<128x32xf32, #tpu.memory_space<vmem>>
          %dma_wait3A_518 = arith.constant 0 : i32
          %dma_wait3A_519 = tpu.memref_slice %arg11[%sub3A_514, %dma_wait3A_518] : memref<160x128xi32, #tpu.memory_space<vmem>> -> memref<1x128xi32, #tpu.memory_space<vmem>>
          %dma_wait3A_520 = tpu.memref_squeeze %dma_wait3A_519 : memref<1x128xi32, #tpu.memory_space<vmem>> -> memref<128xi32, #tpu.memory_space<vmem>>
          %dma_wait3A_521 = arith.constant 0 : i32
          %dma_wait3A_522 = arith.constant 0 : i32
          %dma_wait3A_523 = tpu.memref_slice %arg15[%dma_wait3A_521, %dma_wait3A_522] : memref<10240x32xf32, #tpu.memory_space<vmem_shared>> -> memref<10240x32xf32, #tpu.memory_space<vmem_shared>>
          tpu.wait_indirect_dma semaphore(%arg30 : memref<!tpu.dma_semaphore, #tpu.memory_space<semaphore_mem>>) src(%dma_wait3A_517 : memref<128x32xf32, #tpu.memory_space<vmem>>) dst(%dma_wait3A_523 : memref<10240x32xf32, #tpu.memory_space<vmem_shared>>)
        } else {
        }
        %add3A_501 = arith.constant 4 : i32
        %add3A_502 = arith.addi %add3A_295, %add3A_501 : i32
        %dma_start3A_503 = arith.constant 640 : i32
        %dma_start3A_504 = arith.constant 0 : i32
        %dma_start3A_505 = tpu.memref_slice %arg12[%dma_start3A_503, %dma_start3A_504] : memref<1024x32xf32, #tpu.memory_space<vmem>> -> memref<128x32xf32, #tpu.memory_space<vmem>>
        %dma_start3A_506 = arith.constant 0 : i32
        %dma_start3A_507 = tpu.memref_slice %arg10[%add3A_502, %dma_start3A_506] : memref<160x128xi32, #tpu.memory_space<vmem>> -> memref<1x128xi32, #tpu.memory_space<vmem>>
        %dma_start3A_508 = tpu.memref_squeeze %dma_start3A_507 : memref<1x128xi32, #tpu.memory_space<vmem>> -> memref<128xi32, #tpu.memory_space<vmem>>
        %dma_start3A_509 = arith.constant 0 : i32
        %dma_start3A_510 = arith.constant 0 : i32
        %dma_start3A_511 = tpu.memref_slice %arg14[%dma_start3A_509, %dma_start3A_510] : memref<10000x32xf32, #tpu.memory_space<vmem_shared>> -> memref<10000x32xf32, #tpu.memory_space<vmem_shared>>
        tpu.enqueue_indirect_dma source(%dma_start3A_511 : memref<10000x32xf32, #tpu.memory_space<vmem_shared>>) target(%dma_start3A_505 : memref<128x32xf32, #tpu.memory_space<vmem>>) offsets(%dma_start3A_508 : memref<128xi32, #tpu.memory_space<vmem>>) semaphore(%arg22 : memref<!tpu.dma_semaphore, #tpu.memory_space<semaphore_mem>>)
      } else {
      }
      %mul3A_321 = arith.constant 8 : i32
      %mul3A_322 = arith.muli %mul3A_321, %scan3A_259 : i32
      %add3A_323 = arith.constant 2 : i32
      %add3A_324 = arith.addi %mul3A_322, %add3A_323 : i32
      %dma_wait3A_325 = arith.constant 256 : i32
      %dma_wait3A_326 = arith.constant 0 : i32
      %dma_wait3A_327 = tpu.memref_slice %arg12[%dma_wait3A_325, %dma_wait3A_326] : memref<1024x32xf32, #tpu.memory_space<vmem>> -> memref<128x32xf32, #tpu.memory_space<vmem>>
      %dma_wait3A_328 = arith.constant 0 : i32
      %dma_wait3A_329 = tpu.memref_slice %arg10[%add3A_324, %dma_wait3A_328] : memref<160x128xi32, #tpu.memory_space<vmem>> -> memref<1x128xi32, #tpu.memory_space<vmem>>
      %dma_wait3A_330 = tpu.memref_squeeze %dma_wait3A_329 : memref<1x128xi32, #tpu.memory_space<vmem>> -> memref<128xi32, #tpu.memory_space<vmem>>
      %dma_wait3A_331 = arith.constant 0 : i32
      %dma_wait3A_332 = arith.constant 0 : i32
      %dma_wait3A_333 = tpu.memref_slice %arg14[%dma_wait3A_331, %dma_wait3A_332] : memref<10000x32xf32, #tpu.memory_space<vmem_shared>> -> memref<10000x32xf32, #tpu.memory_space<vmem_shared>>
      tpu.wait_indirect_dma semaphore(%arg19 : memref<!tpu.dma_semaphore, #tpu.memory_space<semaphore_mem>>) src(%dma_wait3A_333 : memref<10000x32xf32, #tpu.memory_space<vmem_shared>>) dst(%dma_wait3A_327 : memref<128x32xf32, #tpu.memory_space<vmem>>)
      %dma_start3A_334 = arith.constant 256 : i32
      %dma_start3A_335 = arith.constant 0 : i32
      %dma_start3A_336 = tpu.memref_slice %arg12[%dma_start3A_334, %dma_start3A_335] : memref<1024x32xf32, #tpu.memory_space<vmem>> -> memref<128x32xf32, #tpu.memory_space<vmem>>
      %dma_start3A_337 = arith.constant 0 : i32
      %dma_start3A_338 = tpu.memref_slice %arg11[%add3A_324, %dma_start3A_337] : memref<160x128xi32, #tpu.memory_space<vmem>> -> memref<1x128xi32, #tpu.memory_space<vmem>>
      %dma_start3A_339 = tpu.memref_squeeze %dma_start3A_338 : memref<1x128xi32, #tpu.memory_space<vmem>> -> memref<128xi32, #tpu.memory_space<vmem>>
      %dma_start3A_340 = arith.constant 0 : i32
      %dma_start3A_341 = arith.constant 0 : i32
      %dma_start3A_342 = tpu.memref_slice %arg15[%dma_start3A_340, %dma_start3A_341] : memref<10240x32xf32, #tpu.memory_space<vmem_shared>> -> memref<10240x32xf32, #tpu.memory_space<vmem_shared>>
      tpu.enqueue_indirect_dma source(%dma_start3A_336 : memref<128x32xf32, #tpu.memory_space<vmem>>) target(%dma_start3A_342 : memref<10240x32xf32, #tpu.memory_space<vmem_shared>>) offsets(%dma_start3A_339 : memref<128xi32, #tpu.memory_space<vmem>>) semaphore(%arg27 : memref<!tpu.dma_semaphore, #tpu.memory_space<semaphore_mem>>) {add = true}
      %add3A_343 = arith.constant 4 : i32
      %add3A_344 = arith.addi %add3A_324, %add3A_343 : i32
      %lt3A_345 = arith.constant 160 : i32
      %lt3A_346 = arith.cmpi slt, %add3A_344, %lt3A_345 : i32
      %convert_element_type3A_347 = arith.extui %lt3A_346 : i1 to i32
      %cond3A_348 = arith.constant 0 : i32
      %cond3A_349 = arith.cmpi ne, %convert_element_type3A_347, %cond3A_348 : i32
      scf.if %cond3A_349 {
        %add3A_495 = arith.constant 4 : i32
        %add3A_496 = arith.addi %add3A_324, %add3A_495 : i32
        %ge3A = arith.constant 8 : i32
        %ge3A_497 = arith.cmpi sge, %add3A_496, %ge3A : i32
        %convert_element_type3A_498 = arith.extui %ge3A_497 : i1 to i32
        %cond3A_499 = arith.constant 0 : i32
        %cond3A_500 = arith.cmpi ne, %convert_element_type3A_498, %cond3A_499 : i32
        scf.if %cond3A_500 {
          %add3A_512 = arith.constant 4 : i32
          %add3A_513 = arith.addi %add3A_324, %add3A_512 : i32
          %sub3A = arith.constant 8 : i32
          %sub3A_514 = arith.subi %add3A_513, %sub3A : i32
          %dma_wait3A_515 = arith.constant 768 : i32
          %dma_wait3A_516 = arith.constant 0 : i32
          %dma_wait3A_517 = tpu.memref_slice %arg12[%dma_wait3A_515, %dma_wait3A_516] : memref<1024x32xf32, #tpu.memory_space<vmem>> -> memref<128x32xf32, #tpu.memory_space<vmem>>
          %dma_wait3A_518 = arith.constant 0 : i32
          %dma_wait3A_519 = tpu.memref_slice %arg11[%sub3A_514, %dma_wait3A_518] : memref<160x128xi32, #tpu.memory_space<vmem>> -> memref<1x128xi32, #tpu.memory_space<vmem>>
          %dma_wait3A_520 = tpu.memref_squeeze %dma_wait3A_519 : memref<1x128xi32, #tpu.memory_space<vmem>> -> memref<128xi32, #tpu.memory_space<vmem>>
          %dma_wait3A_521 = arith.constant 0 : i32
          %dma_wait3A_522 = arith.constant 0 : i32
          %dma_wait3A_523 = tpu.memref_slice %arg15[%dma_wait3A_521, %dma_wait3A_522] : memref<10240x32xf32, #tpu.memory_space<vmem_shared>> -> memref<10240x32xf32, #tpu.memory_space<vmem_shared>>
          tpu.wait_indirect_dma semaphore(%arg31 : memref<!tpu.dma_semaphore, #tpu.memory_space<semaphore_mem>>) src(%dma_wait3A_517 : memref<128x32xf32, #tpu.memory_space<vmem>>) dst(%dma_wait3A_523 : memref<10240x32xf32, #tpu.memory_space<vmem_shared>>)
        } else {
        }
        %add3A_501 = arith.constant 4 : i32
        %add3A_502 = arith.addi %add3A_324, %add3A_501 : i32
        %dma_start3A_503 = arith.constant 768 : i32
        %dma_start3A_504 = arith.constant 0 : i32
        %dma_start3A_505 = tpu.memref_slice %arg12[%dma_start3A_503, %dma_start3A_504] : memref<1024x32xf32, #tpu.memory_space<vmem>> -> memref<128x32xf32, #tpu.memory_space<vmem>>
        %dma_start3A_506 = arith.constant 0 : i32
        %dma_start3A_507 = tpu.memref_slice %arg10[%add3A_502, %dma_start3A_506] : memref<160x128xi32, #tpu.memory_space<vmem>> -> memref<1x128xi32, #tpu.memory_space<vmem>>
        %dma_start3A_508 = tpu.memref_squeeze %dma_start3A_507 : memref<1x128xi32, #tpu.memory_space<vmem>> -> memref<128xi32, #tpu.memory_space<vmem>>
        %dma_start3A_509 = arith.constant 0 : i32
        %dma_start3A_510 = arith.constant 0 : i32
        %dma_start3A_511 = tpu.memref_slice %arg14[%dma_start3A_509, %dma_start3A_510] : memref<10000x32xf32, #tpu.memory_space<vmem_shared>> -> memref<10000x32xf32, #tpu.memory_space<vmem_shared>>
        tpu.enqueue_indirect_dma source(%dma_start3A_511 : memref<10000x32xf32, #tpu.memory_space<vmem_shared>>) target(%dma_start3A_505 : memref<128x32xf32, #tpu.memory_space<vmem>>) offsets(%dma_start3A_508 : memref<128xi32, #tpu.memory_space<vmem>>) semaphore(%arg23 : memref<!tpu.dma_semaphore, #tpu.memory_space<semaphore_mem>>)
      } else {
      }
      %mul3A_350 = arith.constant 8 : i32
      %mul3A_351 = arith.muli %mul3A_350, %scan3A_259 : i32
      %add3A_352 = arith.constant 3 : i32
      %add3A_353 = arith.addi %mul3A_351, %add3A_352 : i32
      %dma_wait3A_354 = arith.constant 384 : i32
      %dma_wait3A_355 = arith.constant 0 : i32
      %dma_wait3A_356 = tpu.memref_slice %arg12[%dma_wait3A_354, %dma_wait3A_355] : memref<1024x32xf32, #tpu.memory_space<vmem>> -> memref<128x32xf32, #tpu.memory_space<vmem>>
      %dma_wait3A_357 = arith.constant 0 : i32
      %dma_wait3A_358 = tpu.memref_slice %arg10[%add3A_353, %dma_wait3A_357] : memref<160x128xi32, #tpu.memory_space<vmem>> -> memref<1x128xi32, #tpu.memory_space<vmem>>
      %dma_wait3A_359 = tpu.memref_squeeze %dma_wait3A_358 : memref<1x128xi32, #tpu.memory_space<vmem>> -> memref<128xi32, #tpu.memory_space<vmem>>
      %dma_wait3A_360 = arith.constant 0 : i32
      %dma_wait3A_361 = arith.constant 0 : i32
      %dma_wait3A_362 = tpu.memref_slice %arg14[%dma_wait3A_360, %dma_wait3A_361] : memref<10000x32xf32, #tpu.memory_space<vmem_shared>> -> memref<10000x32xf32, #tpu.memory_space<vmem_shared>>
      tpu.wait_indirect_dma semaphore(%arg20 : memref<!tpu.dma_semaphore, #tpu.memory_space<semaphore_mem>>) src(%dma_wait3A_362 : memref<10000x32xf32, #tpu.memory_space<vmem_shared>>) dst(%dma_wait3A_356 : memref<128x32xf32, #tpu.memory_space<vmem>>)
      %dma_start3A_363 = arith.constant 384 : i32
      %dma_start3A_364 = arith.constant 0 : i32
      %dma_start3A_365 = tpu.memref_slice %arg12[%dma_start3A_363, %dma_start3A_364] : memref<1024x32xf32, #tpu.memory_space<vmem>> -> memref<128x32xf32, #tpu.memory_space<vmem>>
      %dma_start3A_366 = arith.constant 0 : i32
      %dma_start3A_367 = tpu.memref_slice %arg11[%add3A_353, %dma_start3A_366] : memref<160x128xi32, #tpu.memory_space<vmem>> -> memref<1x128xi32, #tpu.memory_space<vmem>>
      %dma_start3A_368 = tpu.memref_squeeze %dma_start3A_367 : memref<1x128xi32, #tpu.memory_space<vmem>> -> memref<128xi32, #tpu.memory_space<vmem>>
      %dma_start3A_369 = arith.constant 0 : i32
      %dma_start3A_370 = arith.constant 0 : i32
      %dma_start3A_371 = tpu.memref_slice %arg15[%dma_start3A_369, %dma_start3A_370] : memref<10240x32xf32, #tpu.memory_space<vmem_shared>> -> memref<10240x32xf32, #tpu.memory_space<vmem_shared>>
      tpu.enqueue_indirect_dma source(%dma_start3A_365 : memref<128x32xf32, #tpu.memory_space<vmem>>) target(%dma_start3A_371 : memref<10240x32xf32, #tpu.memory_space<vmem_shared>>) offsets(%dma_start3A_368 : memref<128xi32, #tpu.memory_space<vmem>>) semaphore(%arg28 : memref<!tpu.dma_semaphore, #tpu.memory_space<semaphore_mem>>) {add = true}
      %add3A_372 = arith.constant 4 : i32
      %add3A_373 = arith.addi %add3A_353, %add3A_372 : i32
      %lt3A_374 = arith.constant 160 : i32
      %lt3A_375 = arith.cmpi slt, %add3A_373, %lt3A_374 : i32
      %convert_element_type3A_376 = arith.extui %lt3A_375 : i1 to i32
      %cond3A_377 = arith.constant 0 : i32
      %cond3A_378 = arith.cmpi ne, %convert_element_type3A_376, %cond3A_377 : i32
      scf.if %cond3A_378 {
        %add3A_495 = arith.constant 4 : i32
        %add3A_496 = arith.addi %add3A_353, %add3A_495 : i32
        %ge3A = arith.constant 8 : i32
        %ge3A_497 = arith.cmpi sge, %add3A_496, %ge3A : i32
        %convert_element_type3A_498 = arith.extui %ge3A_497 : i1 to i32
        %cond3A_499 = arith.constant 0 : i32
        %cond3A_500 = arith.cmpi ne, %convert_element_type3A_498, %cond3A_499 : i32
        scf.if %cond3A_500 {
          %add3A_512 = arith.constant 4 : i32
          %add3A_513 = arith.addi %add3A_353, %add3A_512 : i32
          %sub3A = arith.constant 8 : i32
          %sub3A_514 = arith.subi %add3A_513, %sub3A : i32
          %dma_wait3A_515 = arith.constant 896 : i32
          %dma_wait3A_516 = arith.constant 0 : i32
          %dma_wait3A_517 = tpu.memref_slice %arg12[%dma_wait3A_515, %dma_wait3A_516] : memref<1024x32xf32, #tpu.memory_space<vmem>> -> memref<128x32xf32, #tpu.memory_space<vmem>>
          %dma_wait3A_518 = arith.constant 0 : i32
          %dma_wait3A_519 = tpu.memref_slice %arg11[%sub3A_514, %dma_wait3A_518] : memref<160x128xi32, #tpu.memory_space<vmem>> -> memref<1x128xi32, #tpu.memory_space<vmem>>
          %dma_wait3A_520 = tpu.memref_squeeze %dma_wait3A_519 : memref<1x128xi32, #tpu.memory_space<vmem>> -> memref<128xi32, #tpu.memory_space<vmem>>
          %dma_wait3A_521 = arith.constant 0 : i32
          %dma_wait3A_522 = arith.constant 0 : i32
          %dma_wait3A_523 = tpu.memref_slice %arg15[%dma_wait3A_521, %dma_wait3A_522] : memref<10240x32xf32, #tpu.memory_space<vmem_shared>> -> memref<10240x32xf32, #tpu.memory_space<vmem_shared>>
          tpu.wait_indirect_dma semaphore(%arg32 : memref<!tpu.dma_semaphore, #tpu.memory_space<semaphore_mem>>) src(%dma_wait3A_517 : memref<128x32xf32, #tpu.memory_space<vmem>>) dst(%dma_wait3A_523 : memref<10240x32xf32, #tpu.memory_space<vmem_shared>>)
        } else {
        }
        %add3A_501 = arith.constant 4 : i32
        %add3A_502 = arith.addi %add3A_353, %add3A_501 : i32
        %dma_start3A_503 = arith.constant 896 : i32
        %dma_start3A_504 = arith.constant 0 : i32
        %dma_start3A_505 = tpu.memref_slice %arg12[%dma_start3A_503, %dma_start3A_504] : memref<1024x32xf32, #tpu.memory_space<vmem>> -> memref<128x32xf32, #tpu.memory_space<vmem>>
        %dma_start3A_506 = arith.constant 0 : i32
        %dma_start3A_507 = tpu.memref_slice %arg10[%add3A_502, %dma_start3A_506] : memref<160x128xi32, #tpu.memory_space<vmem>> -> memref<1x128xi32, #tpu.memory_space<vmem>>
        %dma_start3A_508 = tpu.memref_squeeze %dma_start3A_507 : memref<1x128xi32, #tpu.memory_space<vmem>> -> memref<128xi32, #tpu.memory_space<vmem>>
        %dma_start3A_509 = arith.constant 0 : i32
        %dma_start3A_510 = arith.constant 0 : i32
        %dma_start3A_511 = tpu.memref_slice %arg14[%dma_start3A_509, %dma_start3A_510] : memref<10000x32xf32, #tpu.memory_space<vmem_shared>> -> memref<10000x32xf32, #tpu.memory_space<vmem_shared>>
        tpu.enqueue_indirect_dma source(%dma_start3A_511 : memref<10000x32xf32, #tpu.memory_space<vmem_shared>>) target(%dma_start3A_505 : memref<128x32xf32, #tpu.memory_space<vmem>>) offsets(%dma_start3A_508 : memref<128xi32, #tpu.memory_space<vmem>>) semaphore(%arg24 : memref<!tpu.dma_semaphore, #tpu.memory_space<semaphore_mem>>)
      } else {
      }
      %mul3A_379 = arith.constant 8 : i32
      %mul3A_380 = arith.muli %mul3A_379, %scan3A_259 : i32
      %add3A_381 = arith.constant 4 : i32
      %add3A_382 = arith.addi %mul3A_380, %add3A_381 : i32
      %dma_wait3A_383 = arith.constant 512 : i32
      %dma_wait3A_384 = arith.constant 0 : i32
      %dma_wait3A_385 = tpu.memref_slice %arg12[%dma_wait3A_383, %dma_wait3A_384] : memref<1024x32xf32, #tpu.memory_space<vmem>> -> memref<128x32xf32, #tpu.memory_space<vmem>>
      %dma_wait3A_386 = arith.constant 0 : i32
      %dma_wait3A_387 = tpu.memref_slice %arg10[%add3A_382, %dma_wait3A_386] : memref<160x128xi32, #tpu.memory_space<vmem>> -> memref<1x128xi32, #tpu.memory_space<vmem>>
      %dma_wait3A_388 = tpu.memref_squeeze %dma_wait3A_387 : memref<1x128xi32, #tpu.memory_space<vmem>> -> memref<128xi32, #tpu.memory_space<vmem>>
      %dma_wait3A_389 = arith.constant 0 : i32
      %dma_wait3A_390 = arith.constant 0 : i32
      %dma_wait3A_391 = tpu.memref_slice %arg14[%dma_wait3A_389, %dma_wait3A_390] : memref<10000x32xf32, #tpu.memory_space<vmem_shared>> -> memref<10000x32xf32, #tpu.memory_space<vmem_shared>>
      tpu.wait_indirect_dma semaphore(%arg21 : memref<!tpu.dma_semaphore, #tpu.memory_space<semaphore_mem>>) src(%dma_wait3A_391 : memref<10000x32xf32, #tpu.memory_space<vmem_shared>>) dst(%dma_wait3A_385 : memref<128x32xf32, #tpu.memory_space<vmem>>)
      %dma_start3A_392 = arith.constant 512 : i32
      %dma_start3A_393 = arith.constant 0 : i32
      %dma_start3A_394 = tpu.memref_slice %arg12[%dma_start3A_392, %dma_start3A_393] : memref<1024x32xf32, #tpu.memory_space<vmem>> -> memref<128x32xf32, #tpu.memory_space<vmem>>
      %dma_start3A_395 = arith.constant 0 : i32
      %dma_start3A_396 = tpu.memref_slice %arg11[%add3A_382, %dma_start3A_395] : memref<160x128xi32, #tpu.memory_space<vmem>> -> memref<1x128xi32, #tpu.memory_space<vmem>>
      %dma_start3A_397 = tpu.memref_squeeze %dma_start3A_396 : memref<1x128xi32, #tpu.memory_space<vmem>> -> memref<128xi32, #tpu.memory_space<vmem>>
      %dma_start3A_398 = arith.constant 0 : i32
      %dma_start3A_399 = arith.constant 0 : i32
      %dma_start3A_400 = tpu.memref_slice %arg15[%dma_start3A_398, %dma_start3A_399] : memref<10240x32xf32, #tpu.memory_space<vmem_shared>> -> memref<10240x32xf32, #tpu.memory_space<vmem_shared>>
      tpu.enqueue_indirect_dma source(%dma_start3A_394 : memref<128x32xf32, #tpu.memory_space<vmem>>) target(%dma_start3A_400 : memref<10240x32xf32, #tpu.memory_space<vmem_shared>>) offsets(%dma_start3A_397 : memref<128xi32, #tpu.memory_space<vmem>>) semaphore(%arg29 : memref<!tpu.dma_semaphore, #tpu.memory_space<semaphore_mem>>) {add = true}
      %add3A_401 = arith.constant 4 : i32
      %add3A_402 = arith.addi %add3A_382, %add3A_401 : i32
      %lt3A_403 = arith.constant 160 : i32
      %lt3A_404 = arith.cmpi slt, %add3A_402, %lt3A_403 : i32
      %convert_element_type3A_405 = arith.extui %lt3A_404 : i1 to i32
      %cond3A_406 = arith.constant 0 : i32
      %cond3A_407 = arith.cmpi ne, %convert_element_type3A_405, %cond3A_406 : i32
      scf.if %cond3A_407 {
        %add3A_495 = arith.constant 4 : i32
        %add3A_496 = arith.addi %add3A_382, %add3A_495 : i32
        %ge3A = arith.constant 8 : i32
        %ge3A_497 = arith.cmpi sge, %add3A_496, %ge3A : i32
        %convert_element_type3A_498 = arith.extui %ge3A_497 : i1 to i32
        %cond3A_499 = arith.constant 0 : i32
        %cond3A_500 = arith.cmpi ne, %convert_element_type3A_498, %cond3A_499 : i32
        scf.if %cond3A_500 {
          %add3A_512 = arith.constant 4 : i32
          %add3A_513 = arith.addi %add3A_382, %add3A_512 : i32
          %sub3A = arith.constant 8 : i32
          %sub3A_514 = arith.subi %add3A_513, %sub3A : i32
          %dma_wait3A_515 = arith.constant 0 : i32
          %dma_wait3A_516 = arith.constant 0 : i32
          %dma_wait3A_517 = tpu.memref_slice %arg12[%dma_wait3A_515, %dma_wait3A_516] : memref<1024x32xf32, #tpu.memory_space<vmem>> -> memref<128x32xf32, #tpu.memory_space<vmem>>
          %dma_wait3A_518 = arith.constant 0 : i32
          %dma_wait3A_519 = tpu.memref_slice %arg11[%sub3A_514, %dma_wait3A_518] : memref<160x128xi32, #tpu.memory_space<vmem>> -> memref<1x128xi32, #tpu.memory_space<vmem>>
          %dma_wait3A_520 = tpu.memref_squeeze %dma_wait3A_519 : memref<1x128xi32, #tpu.memory_space<vmem>> -> memref<128xi32, #tpu.memory_space<vmem>>
          %dma_wait3A_521 = arith.constant 0 : i32
          %dma_wait3A_522 = arith.constant 0 : i32
          %dma_wait3A_523 = tpu.memref_slice %arg15[%dma_wait3A_521, %dma_wait3A_522] : memref<10240x32xf32, #tpu.memory_space<vmem_shared>> -> memref<10240x32xf32, #tpu.memory_space<vmem_shared>>
          tpu.wait_indirect_dma semaphore(%arg25 : memref<!tpu.dma_semaphore, #tpu.memory_space<semaphore_mem>>) src(%dma_wait3A_517 : memref<128x32xf32, #tpu.memory_space<vmem>>) dst(%dma_wait3A_523 : memref<10240x32xf32, #tpu.memory_space<vmem_shared>>)
        } else {
        }
        %add3A_501 = arith.constant 4 : i32
        %add3A_502 = arith.addi %add3A_382, %add3A_501 : i32
        %dma_start3A_503 = arith.constant 0 : i32
        %dma_start3A_504 = arith.constant 0 : i32
        %dma_start3A_505 = tpu.memref_slice %arg12[%dma_start3A_503, %dma_start3A_504] : memref<1024x32xf32, #tpu.memory_space<vmem>> -> memref<128x32xf32, #tpu.memory_space<vmem>>
        %dma_start3A_506 = arith.constant 0 : i32
        %dma_start3A_507 = tpu.memref_slice %arg10[%add3A_502, %dma_start3A_506] : memref<160x128xi32, #tpu.memory_space<vmem>> -> memref<1x128xi32, #tpu.memory_space<vmem>>
        %dma_start3A_508 = tpu.memref_squeeze %dma_start3A_507 : memref<1x128xi32, #tpu.memory_space<vmem>> -> memref<128xi32, #tpu.memory_space<vmem>>
        %dma_start3A_509 = arith.constant 0 : i32
        %dma_start3A_510 = arith.constant 0 : i32
        %dma_start3A_511 = tpu.memref_slice %arg14[%dma_start3A_509, %dma_start3A_510] : memref<10000x32xf32, #tpu.memory_space<vmem_shared>> -> memref<10000x32xf32, #tpu.memory_space<vmem_shared>>
        tpu.enqueue_indirect_dma source(%dma_start3A_511 : memref<10000x32xf32, #tpu.memory_space<vmem_shared>>) target(%dma_start3A_505 : memref<128x32xf32, #tpu.memory_space<vmem>>) offsets(%dma_start3A_508 : memref<128xi32, #tpu.memory_space<vmem>>) semaphore(%arg17 : memref<!tpu.dma_semaphore, #tpu.memory_space<semaphore_mem>>)
      } else {
      }
      %mul3A_408 = arith.constant 8 : i32
      %mul3A_409 = arith.muli %mul3A_408, %scan3A_259 : i32
      %add3A_410 = arith.constant 5 : i32
      %add3A_411 = arith.addi %mul3A_409, %add3A_410 : i32
      %dma_wait3A_412 = arith.constant 640 : i32
      %dma_wait3A_413 = arith.constant 0 : i32
      %dma_wait3A_414 = tpu.memref_slice %arg12[%dma_wait3A_412, %dma_wait3A_413] : memref<1024x32xf32, #tpu.memory_space<vmem>> -> memref<128x32xf32, #tpu.memory_space<vmem>>
      %dma_wait3A_415 = arith.constant 0 : i32
      %dma_wait3A_416 = tpu.memref_slice %arg10[%add3A_411, %dma_wait3A_415] : memref<160x128xi32, #tpu.memory_space<vmem>> -> memref<1x128xi32, #tpu.memory_space<vmem>>
      %dma_wait3A_417 = tpu.memref_squeeze %dma_wait3A_416 : memref<1x128xi32, #tpu.memory_space<vmem>> -> memref<128xi32, #tpu.memory_space<vmem>>
      %dma_wait3A_418 = arith.constant 0 : i32
      %dma_wait3A_419 = arith.constant 0 : i32
      %dma_wait3A_420 = tpu.memref_slice %arg14[%dma_wait3A_418, %dma_wait3A_419] : memref<10000x32xf32, #tpu.memory_space<vmem_shared>> -> memref<10000x32xf32, #tpu.memory_space<vmem_shared>>
      tpu.wait_indirect_dma semaphore(%arg22 : memref<!tpu.dma_semaphore, #tpu.memory_space<semaphore_mem>>) src(%dma_wait3A_420 : memref<10000x32xf32, #tpu.memory_space<vmem_shared>>) dst(%dma_wait3A_414 : memref<128x32xf32, #tpu.memory_space<vmem>>)
      %dma_start3A_421 = arith.constant 640 : i32
      %dma_start3A_422 = arith.constant 0 : i32
      %dma_start3A_423 = tpu.memref_slice %arg12[%dma_start3A_421, %dma_start3A_422] : memref<1024x32xf32, #tpu.memory_space<vmem>> -> memref<128x32xf32, #tpu.memory_space<vmem>>
      %dma_start3A_424 = arith.constant 0 : i32
      %dma_start3A_425 = tpu.memref_slice %arg11[%add3A_411, %dma_start3A_424] : memref<160x128xi32, #tpu.memory_space<vmem>> -> memref<1x128xi32, #tpu.memory_space<vmem>>
      %dma_start3A_426 = tpu.memref_squeeze %dma_start3A_425 : memref<1x128xi32, #tpu.memory_space<vmem>> -> memref<128xi32, #tpu.memory_space<vmem>>
      %dma_start3A_427 = arith.constant 0 : i32
      %dma_start3A_428 = arith.constant 0 : i32
      %dma_start3A_429 = tpu.memref_slice %arg15[%dma_start3A_427, %dma_start3A_428] : memref<10240x32xf32, #tpu.memory_space<vmem_shared>> -> memref<10240x32xf32, #tpu.memory_space<vmem_shared>>
      tpu.enqueue_indirect_dma source(%dma_start3A_423 : memref<128x32xf32, #tpu.memory_space<vmem>>) target(%dma_start3A_429 : memref<10240x32xf32, #tpu.memory_space<vmem_shared>>) offsets(%dma_start3A_426 : memref<128xi32, #tpu.memory_space<vmem>>) semaphore(%arg30 : memref<!tpu.dma_semaphore, #tpu.memory_space<semaphore_mem>>) {add = true}
      %add3A_430 = arith.constant 4 : i32
      %add3A_431 = arith.addi %add3A_411, %add3A_430 : i32
      %lt3A_432 = arith.constant 160 : i32
      %lt3A_433 = arith.cmpi slt, %add3A_431, %lt3A_432 : i32
      %convert_element_type3A_434 = arith.extui %lt3A_433 : i1 to i32
      %cond3A_435 = arith.constant 0 : i32
      %cond3A_436 = arith.cmpi ne, %convert_element_type3A_434, %cond3A_435 : i32
      scf.if %cond3A_436 {
        %add3A_495 = arith.constant 4 : i32
        %add3A_496 = arith.addi %add3A_411, %add3A_495 : i32
        %ge3A = arith.constant 8 : i32
        %ge3A_497 = arith.cmpi sge, %add3A_496, %ge3A : i32
        %convert_element_type3A_498 = arith.extui %ge3A_497 : i1 to i32
        %cond3A_499 = arith.constant 0 : i32
        %cond3A_500 = arith.cmpi ne, %convert_element_type3A_498, %cond3A_499 : i32
        scf.if %cond3A_500 {
          %add3A_512 = arith.constant 4 : i32
          %add3A_513 = arith.addi %add3A_411, %add3A_512 : i32
          %sub3A = arith.constant 8 : i32
          %sub3A_514 = arith.subi %add3A_513, %sub3A : i32
          %dma_wait3A_515 = arith.constant 128 : i32
          %dma_wait3A_516 = arith.constant 0 : i32
          %dma_wait3A_517 = tpu.memref_slice %arg12[%dma_wait3A_515, %dma_wait3A_516] : memref<1024x32xf32, #tpu.memory_space<vmem>> -> memref<128x32xf32, #tpu.memory_space<vmem>>
          %dma_wait3A_518 = arith.constant 0 : i32
          %dma_wait3A_519 = tpu.memref_slice %arg11[%sub3A_514, %dma_wait3A_518] : memref<160x128xi32, #tpu.memory_space<vmem>> -> memref<1x128xi32, #tpu.memory_space<vmem>>
          %dma_wait3A_520 = tpu.memref_squeeze %dma_wait3A_519 : memref<1x128xi32, #tpu.memory_space<vmem>> -> memref<128xi32, #tpu.memory_space<vmem>>
          %dma_wait3A_521 = arith.constant 0 : i32
          %dma_wait3A_522 = arith.constant 0 : i32
          %dma_wait3A_523 = tpu.memref_slice %arg15[%dma_wait3A_521, %dma_wait3A_522] : memref<10240x32xf32, #tpu.memory_space<vmem_shared>> -> memref<10240x32xf32, #tpu.memory_space<vmem_shared>>
          tpu.wait_indirect_dma semaphore(%arg26 : memref<!tpu.dma_semaphore, #tpu.memory_space<semaphore_mem>>) src(%dma_wait3A_517 : memref<128x32xf32, #tpu.memory_space<vmem>>) dst(%dma_wait3A_523 : memref<10240x32xf32, #tpu.memory_space<vmem_shared>>)
        } else {
        }
        %add3A_501 = arith.constant 4 : i32
        %add3A_502 = arith.addi %add3A_411, %add3A_501 : i32
        %dma_start3A_503 = arith.constant 128 : i32
        %dma_start3A_504 = arith.constant 0 : i32
        %dma_start3A_505 = tpu.memref_slice %arg12[%dma_start3A_503, %dma_start3A_504] : memref<1024x32xf32, #tpu.memory_space<vmem>> -> memref<128x32xf32, #tpu.memory_space<vmem>>
        %dma_start3A_506 = arith.constant 0 : i32
        %dma_start3A_507 = tpu.memref_slice %arg10[%add3A_502, %dma_start3A_506] : memref<160x128xi32, #tpu.memory_space<vmem>> -> memref<1x128xi32, #tpu.memory_space<vmem>>
        %dma_start3A_508 = tpu.memref_squeeze %dma_start3A_507 : memref<1x128xi32, #tpu.memory_space<vmem>> -> memref<128xi32, #tpu.memory_space<vmem>>
        %dma_start3A_509 = arith.constant 0 : i32
        %dma_start3A_510 = arith.constant 0 : i32
        %dma_start3A_511 = tpu.memref_slice %arg14[%dma_start3A_509, %dma_start3A_510] : memref<10000x32xf32, #tpu.memory_space<vmem_shared>> -> memref<10000x32xf32, #tpu.memory_space<vmem_shared>>
        tpu.enqueue_indirect_dma source(%dma_start3A_511 : memref<10000x32xf32, #tpu.memory_space<vmem_shared>>) target(%dma_start3A_505 : memref<128x32xf32, #tpu.memory_space<vmem>>) offsets(%dma_start3A_508 : memref<128xi32, #tpu.memory_space<vmem>>) semaphore(%arg18 : memref<!tpu.dma_semaphore, #tpu.memory_space<semaphore_mem>>)
      } else {
      }
      %mul3A_437 = arith.constant 8 : i32
      %mul3A_438 = arith.muli %mul3A_437, %scan3A_259 : i32
      %add3A_439 = arith.constant 6 : i32
      %add3A_440 = arith.addi %mul3A_438, %add3A_439 : i32
      %dma_wait3A_441 = arith.constant 768 : i32
      %dma_wait3A_442 = arith.constant 0 : i32
      %dma_wait3A_443 = tpu.memref_slice %arg12[%dma_wait3A_441, %dma_wait3A_442] : memref<1024x32xf32, #tpu.memory_space<vmem>> -> memref<128x32xf32, #tpu.memory_space<vmem>>
      %dma_wait3A_444 = arith.constant 0 : i32
      %dma_wait3A_445 = tpu.memref_slice %arg10[%add3A_440, %dma_wait3A_444] : memref<160x128xi32, #tpu.memory_space<vmem>> -> memref<1x128xi32, #tpu.memory_space<vmem>>
      %dma_wait3A_446 = tpu.memref_squeeze %dma_wait3A_445 : memref<1x128xi32, #tpu.memory_space<vmem>> -> memref<128xi32, #tpu.memory_space<vmem>>
      %dma_wait3A_447 = arith.constant 0 : i32
      %dma_wait3A_448 = arith.constant 0 : i32
      %dma_wait3A_449 = tpu.memref_slice %arg14[%dma_wait3A_447, %dma_wait3A_448] : memref<10000x32xf32, #tpu.memory_space<vmem_shared>> -> memref<10000x32xf32, #tpu.memory_space<vmem_shared>>
      tpu.wait_indirect_dma semaphore(%arg23 : memref<!tpu.dma_semaphore, #tpu.memory_space<semaphore_mem>>) src(%dma_wait3A_449 : memref<10000x32xf32, #tpu.memory_space<vmem_shared>>) dst(%dma_wait3A_443 : memref<128x32xf32, #tpu.memory_space<vmem>>)
      %dma_start3A_450 = arith.constant 768 : i32
      %dma_start3A_451 = arith.constant 0 : i32
      %dma_start3A_452 = tpu.memref_slice %arg12[%dma_start3A_450, %dma_start3A_451] : memref<1024x32xf32, #tpu.memory_space<vmem>> -> memref<128x32xf32, #tpu.memory_space<vmem>>
      %dma_start3A_453 = arith.constant 0 : i32
      %dma_start3A_454 = tpu.memref_slice %arg11[%add3A_440, %dma_start3A_453] : memref<160x128xi32, #tpu.memory_space<vmem>> -> memref<1x128xi32, #tpu.memory_space<vmem>>
      %dma_start3A_455 = tpu.memref_squeeze %dma_start3A_454 : memref<1x128xi32, #tpu.memory_space<vmem>> -> memref<128xi32, #tpu.memory_space<vmem>>
      %dma_start3A_456 = arith.constant 0 : i32
      %dma_start3A_457 = arith.constant 0 : i32
      %dma_start3A_458 = tpu.memref_slice %arg15[%dma_start3A_456, %dma_start3A_457] : memref<10240x32xf32, #tpu.memory_space<vmem_shared>> -> memref<10240x32xf32, #tpu.memory_space<vmem_shared>>
      tpu.enqueue_indirect_dma source(%dma_start3A_452 : memref<128x32xf32, #tpu.memory_space<vmem>>) target(%dma_start3A_458 : memref<10240x32xf32, #tpu.memory_space<vmem_shared>>) offsets(%dma_start3A_455 : memref<128xi32, #tpu.memory_space<vmem>>) semaphore(%arg31 : memref<!tpu.dma_semaphore, #tpu.memory_space<semaphore_mem>>) {add = true}
      %add3A_459 = arith.constant 4 : i32
      %add3A_460 = arith.addi %add3A_440, %add3A_459 : i32
      %lt3A_461 = arith.constant 160 : i32
      %lt3A_462 = arith.cmpi slt, %add3A_460, %lt3A_461 : i32
      %convert_element_type3A_463 = arith.extui %lt3A_462 : i1 to i32
      %cond3A_464 = arith.constant 0 : i32
      %cond3A_465 = arith.cmpi ne, %convert_element_type3A_463, %cond3A_464 : i32
      scf.if %cond3A_465 {
        %add3A_495 = arith.constant 4 : i32
        %add3A_496 = arith.addi %add3A_440, %add3A_495 : i32
        %ge3A = arith.constant 8 : i32
        %ge3A_497 = arith.cmpi sge, %add3A_496, %ge3A : i32
        %convert_element_type3A_498 = arith.extui %ge3A_497 : i1 to i32
        %cond3A_499 = arith.constant 0 : i32
        %cond3A_500 = arith.cmpi ne, %convert_element_type3A_498, %cond3A_499 : i32
        scf.if %cond3A_500 {
          %add3A_512 = arith.constant 4 : i32
          %add3A_513 = arith.addi %add3A_440, %add3A_512 : i32
          %sub3A = arith.constant 8 : i32
          %sub3A_514 = arith.subi %add3A_513, %sub3A : i32
          %dma_wait3A_515 = arith.constant 256 : i32
          %dma_wait3A_516 = arith.constant 0 : i32
          %dma_wait3A_517 = tpu.memref_slice %arg12[%dma_wait3A_515, %dma_wait3A_516] : memref<1024x32xf32, #tpu.memory_space<vmem>> -> memref<128x32xf32, #tpu.memory_space<vmem>>
          %dma_wait3A_518 = arith.constant 0 : i32
          %dma_wait3A_519 = tpu.memref_slice %arg11[%sub3A_514, %dma_wait3A_518] : memref<160x128xi32, #tpu.memory_space<vmem>> -> memref<1x128xi32, #tpu.memory_space<vmem>>
          %dma_wait3A_520 = tpu.memref_squeeze %dma_wait3A_519 : memref<1x128xi32, #tpu.memory_space<vmem>> -> memref<128xi32, #tpu.memory_space<vmem>>
          %dma_wait3A_521 = arith.constant 0 : i32
          %dma_wait3A_522 = arith.constant 0 : i32
          %dma_wait3A_523 = tpu.memref_slice %arg15[%dma_wait3A_521, %dma_wait3A_522] : memref<10240x32xf32, #tpu.memory_space<vmem_shared>> -> memref<10240x32xf32, #tpu.memory_space<vmem_shared>>
          tpu.wait_indirect_dma semaphore(%arg27 : memref<!tpu.dma_semaphore, #tpu.memory_space<semaphore_mem>>) src(%dma_wait3A_517 : memref<128x32xf32, #tpu.memory_space<vmem>>) dst(%dma_wait3A_523 : memref<10240x32xf32, #tpu.memory_space<vmem_shared>>)
        } else {
        }
        %add3A_501 = arith.constant 4 : i32
        %add3A_502 = arith.addi %add3A_440, %add3A_501 : i32
        %dma_start3A_503 = arith.constant 256 : i32
        %dma_start3A_504 = arith.constant 0 : i32
        %dma_start3A_505 = tpu.memref_slice %arg12[%dma_start3A_503, %dma_start3A_504] : memref<1024x32xf32, #tpu.memory_space<vmem>> -> memref<128x32xf32, #tpu.memory_space<vmem>>
        %dma_start3A_506 = arith.constant 0 : i32
        %dma_start3A_507 = tpu.memref_slice %arg10[%add3A_502, %dma_start3A_506] : memref<160x128xi32, #tpu.memory_space<vmem>> -> memref<1x128xi32, #tpu.memory_space<vmem>>
        %dma_start3A_508 = tpu.memref_squeeze %dma_start3A_507 : memref<1x128xi32, #tpu.memory_space<vmem>> -> memref<128xi32, #tpu.memory_space<vmem>>
        %dma_start3A_509 = arith.constant 0 : i32
        %dma_start3A_510 = arith.constant 0 : i32
        %dma_start3A_511 = tpu.memref_slice %arg14[%dma_start3A_509, %dma_start3A_510] : memref<10000x32xf32, #tpu.memory_space<vmem_shared>> -> memref<10000x32xf32, #tpu.memory_space<vmem_shared>>
        tpu.enqueue_indirect_dma source(%dma_start3A_511 : memref<10000x32xf32, #tpu.memory_space<vmem_shared>>) target(%dma_start3A_505 : memref<128x32xf32, #tpu.memory_space<vmem>>) offsets(%dma_start3A_508 : memref<128xi32, #tpu.memory_space<vmem>>) semaphore(%arg19 : memref<!tpu.dma_semaphore, #tpu.memory_space<semaphore_mem>>)
      } else {
      }
      %mul3A_466 = arith.constant 8 : i32
      %mul3A_467 = arith.muli %mul3A_466, %scan3A_259 : i32
      %add3A_468 = arith.constant 7 : i32
      %add3A_469 = arith.addi %mul3A_467, %add3A_468 : i32
      %dma_wait3A_470 = arith.constant 896 : i32
      %dma_wait3A_471 = arith.constant 0 : i32
      %dma_wait3A_472 = tpu.memref_slice %arg12[%dma_wait3A_470, %dma_wait3A_471] : memref<1024x32xf32, #tpu.memory_space<vmem>> -> memref<128x32xf32, #tpu.memory_space<vmem>>
      %dma_wait3A_473 = arith.constant 0 : i32
      %dma_wait3A_474 = tpu.memref_slice %arg10[%add3A_469, %dma_wait3A_473] : memref<160x128xi32, #tpu.memory_space<vmem>> -> memref<1x128xi32, #tpu.memory_space<vmem>>
      %dma_wait3A_475 = tpu.memref_squeeze %dma_wait3A_474 : memref<1x128xi32, #tpu.memory_space<vmem>> -> memref<128xi32, #tpu.memory_space<vmem>>
      %dma_wait3A_476 = arith.constant 0 : i32
      %dma_wait3A_477 = arith.constant 0 : i32
      %dma_wait3A_478 = tpu.memref_slice %arg14[%dma_wait3A_476, %dma_wait3A_477] : memref<10000x32xf32, #tpu.memory_space<vmem_shared>> -> memref<10000x32xf32, #tpu.memory_space<vmem_shared>>
      tpu.wait_indirect_dma semaphore(%arg24 : memref<!tpu.dma_semaphore, #tpu.memory_space<semaphore_mem>>) src(%dma_wait3A_478 : memref<10000x32xf32, #tpu.memory_space<vmem_shared>>) dst(%dma_wait3A_472 : memref<128x32xf32, #tpu.memory_space<vmem>>)
      %dma_start3A_479 = arith.constant 896 : i32
      %dma_start3A_480 = arith.constant 0 : i32
      %dma_start3A_481 = tpu.memref_slice %arg12[%dma_start3A_479, %dma_start3A_480] : memref<1024x32xf32, #tpu.memory_space<vmem>> -> memref<128x32xf32, #tpu.memory_space<vmem>>
      %dma_start3A_482 = arith.constant 0 : i32
      %dma_start3A_483 = tpu.memref_slice %arg11[%add3A_469, %dma_start3A_482] : memref<160x128xi32, #tpu.memory_space<vmem>> -> memref<1x128xi32, #tpu.memory_space<vmem>>
      %dma_start3A_484 = tpu.memref_squeeze %dma_start3A_483 : memref<1x128xi32, #tpu.memory_space<vmem>> -> memref<128xi32, #tpu.memory_space<vmem>>
      %dma_start3A_485 = arith.constant 0 : i32
      %dma_start3A_486 = arith.constant 0 : i32
      %dma_start3A_487 = tpu.memref_slice %arg15[%dma_start3A_485, %dma_start3A_486] : memref<10240x32xf32, #tpu.memory_space<vmem_shared>> -> memref<10240x32xf32, #tpu.memory_space<vmem_shared>>
      tpu.enqueue_indirect_dma source(%dma_start3A_481 : memref<128x32xf32, #tpu.memory_space<vmem>>) target(%dma_start3A_487 : memref<10240x32xf32, #tpu.memory_space<vmem_shared>>) offsets(%dma_start3A_484 : memref<128xi32, #tpu.memory_space<vmem>>) semaphore(%arg32 : memref<!tpu.dma_semaphore, #tpu.memory_space<semaphore_mem>>) {add = true}
      %add3A_488 = arith.constant 4 : i32
      %add3A_489 = arith.addi %add3A_469, %add3A_488 : i32
      %lt3A_490 = arith.constant 160 : i32
      %lt3A_491 = arith.cmpi slt, %add3A_489, %lt3A_490 : i32
      %convert_element_type3A_492 = arith.extui %lt3A_491 : i1 to i32
      %cond3A_493 = arith.constant 0 : i32
      %cond3A_494 = arith.cmpi ne, %convert_element_type3A_492, %cond3A_493 : i32
      scf.if %cond3A_494 {
        %add3A_495 = arith.constant 4 : i32
        %add3A_496 = arith.addi %add3A_469, %add3A_495 : i32
        %ge3A = arith.constant 8 : i32
        %ge3A_497 = arith.cmpi sge, %add3A_496, %ge3A : i32
        %convert_element_type3A_498 = arith.extui %ge3A_497 : i1 to i32
        %cond3A_499 = arith.constant 0 : i32
        %cond3A_500 = arith.cmpi ne, %convert_element_type3A_498, %cond3A_499 : i32
        scf.if %cond3A_500 {
          %add3A_512 = arith.constant 4 : i32
          %add3A_513 = arith.addi %add3A_469, %add3A_512 : i32
          %sub3A = arith.constant 8 : i32
          %sub3A_514 = arith.subi %add3A_513, %sub3A : i32
          %dma_wait3A_515 = arith.constant 384 : i32
          %dma_wait3A_516 = arith.constant 0 : i32
          %dma_wait3A_517 = tpu.memref_slice %arg12[%dma_wait3A_515, %dma_wait3A_516] : memref<1024x32xf32, #tpu.memory_space<vmem>> -> memref<128x32xf32, #tpu.memory_space<vmem>>
          %dma_wait3A_518 = arith.constant 0 : i32
          %dma_wait3A_519 = tpu.memref_slice %arg11[%sub3A_514, %dma_wait3A_518] : memref<160x128xi32, #tpu.memory_space<vmem>> -> memref<1x128xi32, #tpu.memory_space<vmem>>
          %dma_wait3A_520 = tpu.memref_squeeze %dma_wait3A_519 : memref<1x128xi32, #tpu.memory_space<vmem>> -> memref<128xi32, #tpu.memory_space<vmem>>
          %dma_wait3A_521 = arith.constant 0 : i32
          %dma_wait3A_522 = arith.constant 0 : i32
          %dma_wait3A_523 = tpu.memref_slice %arg15[%dma_wait3A_521, %dma_wait3A_522] : memref<10240x32xf32, #tpu.memory_space<vmem_shared>> -> memref<10240x32xf32, #tpu.memory_space<vmem_shared>>
          tpu.wait_indirect_dma semaphore(%arg28 : memref<!tpu.dma_semaphore, #tpu.memory_space<semaphore_mem>>) src(%dma_wait3A_517 : memref<128x32xf32, #tpu.memory_space<vmem>>) dst(%dma_wait3A_523 : memref<10240x32xf32, #tpu.memory_space<vmem_shared>>)
        } else {
        }
        %add3A_501 = arith.constant 4 : i32
        %add3A_502 = arith.addi %add3A_469, %add3A_501 : i32
        %dma_start3A_503 = arith.constant 384 : i32
        %dma_start3A_504 = arith.constant 0 : i32
        %dma_start3A_505 = tpu.memref_slice %arg12[%dma_start3A_503, %dma_start3A_504] : memref<1024x32xf32, #tpu.memory_space<vmem>> -> memref<128x32xf32, #tpu.memory_space<vmem>>
        %dma_start3A_506 = arith.constant 0 : i32
        %dma_start3A_507 = tpu.memref_slice %arg10[%add3A_502, %dma_start3A_506] : memref<160x128xi32, #tpu.memory_space<vmem>> -> memref<1x128xi32, #tpu.memory_space<vmem>>
        %dma_start3A_508 = tpu.memref_squeeze %dma_start3A_507 : memref<1x128xi32, #tpu.memory_space<vmem>> -> memref<128xi32, #tpu.memory_space<vmem>>
        %dma_start3A_509 = arith.constant 0 : i32
        %dma_start3A_510 = arith.constant 0 : i32
        %dma_start3A_511 = tpu.memref_slice %arg14[%dma_start3A_509, %dma_start3A_510] : memref<10000x32xf32, #tpu.memory_space<vmem_shared>> -> memref<10000x32xf32, #tpu.memory_space<vmem_shared>>
        tpu.enqueue_indirect_dma source(%dma_start3A_511 : memref<10000x32xf32, #tpu.memory_space<vmem_shared>>) target(%dma_start3A_505 : memref<128x32xf32, #tpu.memory_space<vmem>>) offsets(%dma_start3A_508 : memref<128xi32, #tpu.memory_space<vmem>>) semaphore(%arg20 : memref<!tpu.dma_semaphore, #tpu.memory_space<semaphore_mem>>)
      } else {
      }
    }
    %scan3A_177 = arith.constant 20 : i32
    %dma_wait3A_178 = arith.constant 152 : i32
    %dma_wait3A_179 = arith.constant 0 : i32
    %dma_wait3A_180 = arith.constant 0 : i32
    %dma_wait3A_181 = tpu.memref_slice %arg12[%dma_wait3A_179, %dma_wait3A_180] : memref<1024x32xf32, #tpu.memory_space<vmem>> -> memref<128x32xf32, #tpu.memory_space<vmem>>
    %dma_wait3A_182 = arith.constant 0 : i32
    %dma_wait3A_183 = tpu.memref_slice %arg11[%dma_wait3A_178, %dma_wait3A_182] : memref<160x128xi32, #tpu.memory_space<vmem>> -> memref<1x128xi32, #tpu.memory_space<vmem>>
    %dma_wait3A_184 = tpu.memref_squeeze %dma_wait3A_183 : memref<1x128xi32, #tpu.memory_space<vmem>> -> memref<128xi32, #tpu.memory_space<vmem>>
    %dma_wait3A_185 = arith.constant 0 : i32
    %dma_wait3A_186 = arith.constant 0 : i32
    %dma_wait3A_187 = tpu.memref_slice %arg15[%dma_wait3A_185, %dma_wait3A_186] : memref<10240x32xf32, #tpu.memory_space<vmem_shared>> -> memref<10240x32xf32, #tpu.memory_space<vmem_shared>>
    tpu.wait_indirect_dma semaphore(%arg25 : memref<!tpu.dma_semaphore, #tpu.memory_space<semaphore_mem>>) src(%dma_wait3A_181 : memref<128x32xf32, #tpu.memory_space<vmem>>) dst(%dma_wait3A_187 : memref<10240x32xf32, #tpu.memory_space<vmem_shared>>)
    %dma_wait3A_188 = arith.constant 153 : i32
    %dma_wait3A_189 = arith.constant 128 : i32
    %dma_wait3A_190 = arith.constant 0 : i32
    %dma_wait3A_191 = tpu.memref_slice %arg12[%dma_wait3A_189, %dma_wait3A_190] : memref<1024x32xf32, #tpu.memory_space<vmem>> -> memref<128x32xf32, #tpu.memory_space<vmem>>
    %dma_wait3A_192 = arith.constant 0 : i32
    %dma_wait3A_193 = tpu.memref_slice %arg11[%dma_wait3A_188, %dma_wait3A_192] : memref<160x128xi32, #tpu.memory_space<vmem>> -> memref<1x128xi32, #tpu.memory_space<vmem>>
    %dma_wait3A_194 = tpu.memref_squeeze %dma_wait3A_193 : memref<1x128xi32, #tpu.memory_space<vmem>> -> memref<128xi32, #tpu.memory_space<vmem>>
    %dma_wait3A_195 = arith.constant 0 : i32
    %dma_wait3A_196 = arith.constant 0 : i32
    %dma_wait3A_197 = tpu.memref_slice %arg15[%dma_wait3A_195, %dma_wait3A_196] : memref<10240x32xf32, #tpu.memory_space<vmem_shared>> -> memref<10240x32xf32, #tpu.memory_space<vmem_shared>>
    tpu.wait_indirect_dma semaphore(%arg26 : memref<!tpu.dma_semaphore, #tpu.memory_space<semaphore_mem>>) src(%dma_wait3A_191 : memref<128x32xf32, #tpu.memory_space<vmem>>) dst(%dma_wait3A_197 : memref<10240x32xf32, #tpu.memory_space<vmem_shared>>)
    %dma_wait3A_198 = arith.constant 154 : i32
    %dma_wait3A_199 = arith.constant 256 : i32
    %dma_wait3A_200 = arith.constant 0 : i32
    %dma_wait3A_201 = tpu.memref_slice %arg12[%dma_wait3A_199, %dma_wait3A_200] : memref<1024x32xf32, #tpu.memory_space<vmem>> -> memref<128x32xf32, #tpu.memory_space<vmem>>
    %dma_wait3A_202 = arith.constant 0 : i32
    %dma_wait3A_203 = tpu.memref_slice %arg11[%dma_wait3A_198, %dma_wait3A_202] : memref<160x128xi32, #tpu.memory_space<vmem>> -> memref<1x128xi32, #tpu.memory_space<vmem>>
    %dma_wait3A_204 = tpu.memref_squeeze %dma_wait3A_203 : memref<1x128xi32, #tpu.memory_space<vmem>> -> memref<128xi32, #tpu.memory_space<vmem>>
    %dma_wait3A_205 = arith.constant 0 : i32
    %dma_wait3A_206 = arith.constant 0 : i32
    %dma_wait3A_207 = tpu.memref_slice %arg15[%dma_wait3A_205, %dma_wait3A_206] : memref<10240x32xf32, #tpu.memory_space<vmem_shared>> -> memref<10240x32xf32, #tpu.memory_space<vmem_shared>>
    tpu.wait_indirect_dma semaphore(%arg27 : memref<!tpu.dma_semaphore, #tpu.memory_space<semaphore_mem>>) src(%dma_wait3A_201 : memref<128x32xf32, #tpu.memory_space<vmem>>) dst(%dma_wait3A_207 : memref<10240x32xf32, #tpu.memory_space<vmem_shared>>)
    %dma_wait3A_208 = arith.constant 155 : i32
    %dma_wait3A_209 = arith.constant 384 : i32
    %dma_wait3A_210 = arith.constant 0 : i32
    %dma_wait3A_211 = tpu.memref_slice %arg12[%dma_wait3A_209, %dma_wait3A_210] : memref<1024x32xf32, #tpu.memory_space<vmem>> -> memref<128x32xf32, #tpu.memory_space<vmem>>
    %dma_wait3A_212 = arith.constant 0 : i32
    %dma_wait3A_213 = tpu.memref_slice %arg11[%dma_wait3A_208, %dma_wait3A_212] : memref<160x128xi32, #tpu.memory_space<vmem>> -> memref<1x128xi32, #tpu.memory_space<vmem>>
    %dma_wait3A_214 = tpu.memref_squeeze %dma_wait3A_213 : memref<1x128xi32, #tpu.memory_space<vmem>> -> memref<128xi32, #tpu.memory_space<vmem>>
    %dma_wait3A_215 = arith.constant 0 : i32
    %dma_wait3A_216 = arith.constant 0 : i32
    %dma_wait3A_217 = tpu.memref_slice %arg15[%dma_wait3A_215, %dma_wait3A_216] : memref<10240x32xf32, #tpu.memory_space<vmem_shared>> -> memref<10240x32xf32, #tpu.memory_space<vmem_shared>>
    tpu.wait_indirect_dma semaphore(%arg28 : memref<!tpu.dma_semaphore, #tpu.memory_space<semaphore_mem>>) src(%dma_wait3A_211 : memref<128x32xf32, #tpu.memory_space<vmem>>) dst(%dma_wait3A_217 : memref<10240x32xf32, #tpu.memory_space<vmem_shared>>)
    %dma_wait3A_218 = arith.constant 156 : i32
    %dma_wait3A_219 = arith.constant 512 : i32
    %dma_wait3A_220 = arith.constant 0 : i32
    %dma_wait3A_221 = tpu.memref_slice %arg12[%dma_wait3A_219, %dma_wait3A_220] : memref<1024x32xf32, #tpu.memory_space<vmem>> -> memref<128x32xf32, #tpu.memory_space<vmem>>
    %dma_wait3A_222 = arith.constant 0 : i32
    %dma_wait3A_223 = tpu.memref_slice %arg11[%dma_wait3A_218, %dma_wait3A_222] : memref<160x128xi32, #tpu.memory_space<vmem>> -> memref<1x128xi32, #tpu.memory_space<vmem>>
    %dma_wait3A_224 = tpu.memref_squeeze %dma_wait3A_223 : memref<1x128xi32, #tpu.memory_space<vmem>> -> memref<128xi32, #tpu.memory_space<vmem>>
    %dma_wait3A_225 = arith.constant 0 : i32
    %dma_wait3A_226 = arith.constant 0 : i32
    %dma_wait3A_227 = tpu.memref_slice %arg15[%dma_wait3A_225, %dma_wait3A_226] : memref<10240x32xf32, #tpu.memory_space<vmem_shared>> -> memref<10240x32xf32, #tpu.memory_space<vmem_shared>>
    tpu.wait_indirect_dma semaphore(%arg29 : memref<!tpu.dma_semaphore, #tpu.memory_space<semaphore_mem>>) src(%dma_wait3A_221 : memref<128x32xf32, #tpu.memory_space<vmem>>) dst(%dma_wait3A_227 : memref<10240x32xf32, #tpu.memory_space<vmem_shared>>)
    %dma_wait3A_228 = arith.constant 157 : i32
    %dma_wait3A_229 = arith.constant 640 : i32
    %dma_wait3A_230 = arith.constant 0 : i32
    %dma_wait3A_231 = tpu.memref_slice %arg12[%dma_wait3A_229, %dma_wait3A_230] : memref<1024x32xf32, #tpu.memory_space<vmem>> -> memref<128x32xf32, #tpu.memory_space<vmem>>
    %dma_wait3A_232 = arith.constant 0 : i32
    %dma_wait3A_233 = tpu.memref_slice %arg11[%dma_wait3A_228, %dma_wait3A_232] : memref<160x128xi32, #tpu.memory_space<vmem>> -> memref<1x128xi32, #tpu.memory_space<vmem>>
    %dma_wait3A_234 = tpu.memref_squeeze %dma_wait3A_233 : memref<1x128xi32, #tpu.memory_space<vmem>> -> memref<128xi32, #tpu.memory_space<vmem>>
    %dma_wait3A_235 = arith.constant 0 : i32
    %dma_wait3A_236 = arith.constant 0 : i32
    %dma_wait3A_237 = tpu.memref_slice %arg15[%dma_wait3A_235, %dma_wait3A_236] : memref<10240x32xf32, #tpu.memory_space<vmem_shared>> -> memref<10240x32xf32, #tpu.memory_space<vmem_shared>>
    tpu.wait_indirect_dma semaphore(%arg30 : memref<!tpu.dma_semaphore, #tpu.memory_space<semaphore_mem>>) src(%dma_wait3A_231 : memref<128x32xf32, #tpu.memory_space<vmem>>) dst(%dma_wait3A_237 : memref<10240x32xf32, #tpu.memory_space<vmem_shared>>)
    %dma_wait3A_238 = arith.constant 158 : i32
    %dma_wait3A_239 = arith.constant 768 : i32
    %dma_wait3A_240 = arith.constant 0 : i32
    %dma_wait3A_241 = tpu.memref_slice %arg12[%dma_wait3A_239, %dma_wait3A_240] : memref<1024x32xf32, #tpu.memory_space<vmem>> -> memref<128x32xf32, #tpu.memory_space<vmem>>
    %dma_wait3A_242 = arith.constant 0 : i32
    %dma_wait3A_243 = tpu.memref_slice %arg11[%dma_wait3A_238, %dma_wait3A_242] : memref<160x128xi32, #tpu.memory_space<vmem>> -> memref<1x128xi32, #tpu.memory_space<vmem>>
    %dma_wait3A_244 = tpu.memref_squeeze %dma_wait3A_243 : memref<1x128xi32, #tpu.memory_space<vmem>> -> memref<128xi32, #tpu.memory_space<vmem>>
    %dma_wait3A_245 = arith.constant 0 : i32
    %dma_wait3A_246 = arith.constant 0 : i32
    %dma_wait3A_247 = tpu.memref_slice %arg15[%dma_wait3A_245, %dma_wait3A_246] : memref<10240x32xf32, #tpu.memory_space<vmem_shared>> -> memref<10240x32xf32, #tpu.memory_space<vmem_shared>>
    tpu.wait_indirect_dma semaphore(%arg31 : memref<!tpu.dma_semaphore, #tpu.memory_space<semaphore_mem>>) src(%dma_wait3A_241 : memref<128x32xf32, #tpu.memory_space<vmem>>) dst(%dma_wait3A_247 : memref<10240x32xf32, #tpu.memory_space<vmem_shared>>)
    %dma_wait3A_248 = arith.constant 159 : i32
    %dma_wait3A_249 = arith.constant 896 : i32
    %dma_wait3A_250 = arith.constant 0 : i32
    %dma_wait3A_251 = tpu.memref_slice %arg12[%dma_wait3A_249, %dma_wait3A_250] : memref<1024x32xf32, #tpu.memory_space<vmem>> -> memref<128x32xf32, #tpu.memory_space<vmem>>
    %dma_wait3A_252 = arith.constant 0 : i32
    %dma_wait3A_253 = tpu.memref_slice %arg11[%dma_wait3A_248, %dma_wait3A_252] : memref<160x128xi32, #tpu.memory_space<vmem>> -> memref<1x128xi32, #tpu.memory_space<vmem>>
    %dma_wait3A_254 = tpu.memref_squeeze %dma_wait3A_253 : memref<1x128xi32, #tpu.memory_space<vmem>> -> memref<128xi32, #tpu.memory_space<vmem>>
    %dma_wait3A_255 = arith.constant 0 : i32
    %dma_wait3A_256 = arith.constant 0 : i32
    %dma_wait3A_257 = tpu.memref_slice %arg15[%dma_wait3A_255, %dma_wait3A_256] : memref<10240x32xf32, #tpu.memory_space<vmem_shared>> -> memref<10240x32xf32, #tpu.memory_space<vmem_shared>>
    tpu.wait_indirect_dma semaphore(%arg32 : memref<!tpu.dma_semaphore, #tpu.memory_space<semaphore_mem>>) src(%dma_wait3A_251 : memref<128x32xf32, #tpu.memory_space<vmem>>) dst(%dma_wait3A_257 : memref<10240x32xf32, #tpu.memory_space<vmem_shared>>)
    %barrier3A_258 = arith.constant 0 : index
    tpu.barrier barrier_id(%barrier3A_258)
    "tpu.region"() ({
      %run_scoped3A = tpu.sem_alloc : memref<!tpu.dma_semaphore, #tpu.memory_space<semaphore_mem>>
      %dma_start3A_259 = arith.constant 0 : i32
      %dma_start3A_260 = tpu.memref_slice %arg8[%add3A_130, %mul3A_0, %dma_start3A_259] : memref<4x10240x32xf32, #tpu.memory_space<hbm>> -> memref<1x640x32xf32, #tpu.memory_space<hbm>>
      %dma_start3A_261 = tpu.memref_squeeze %dma_start3A_260 : memref<1x640x32xf32, #tpu.memory_space<hbm>> -> memref<640x32xf32, #tpu.memory_space<hbm>>
      %dma_start3A_262 = arith.constant 0 : i32
      %dma_start3A_263 = tpu.memref_slice %arg15[%mul3A_0, %dma_start3A_262] : memref<10240x32xf32, #tpu.memory_space<vmem_shared>> -> memref<640x32xf32, #tpu.memory_space<vmem_shared>>
      tpu.enqueue_dma source(%dma_start3A_263 : memref<640x32xf32, #tpu.memory_space<vmem_shared>>) target(%dma_start3A_261 : memref<640x32xf32, #tpu.memory_space<hbm>>) target_semaphore(%run_scoped3A : memref<!tpu.dma_semaphore, #tpu.memory_space<semaphore_mem>>)
      %dma_wait3A_264 = arith.constant 0 : i32
      %dma_wait3A_265 = tpu.memref_slice %arg8[%add3A_130, %mul3A_0, %dma_wait3A_264] : memref<4x10240x32xf32, #tpu.memory_space<hbm>> -> memref<1x640x32xf32, #tpu.memory_space<hbm>>
      %dma_wait3A_266 = tpu.memref_squeeze %dma_wait3A_265 : memref<1x640x32xf32, #tpu.memory_space<hbm>> -> memref<640x32xf32, #tpu.memory_space<hbm>>
      %dma_wait3A_267 = arith.constant 0 : i32
      %dma_wait3A_268 = tpu.memref_slice %arg15[%mul3A_0, %dma_wait3A_267] : memref<10240x32xf32, #tpu.memory_space<vmem_shared>> -> memref<640x32xf32, #tpu.memory_space<vmem_shared>>
      tpu.wait_dma2 semaphore(%run_scoped3A : memref<!tpu.dma_semaphore, #tpu.memory_space<semaphore_mem>>) src(%dma_wait3A_268 : memref<640x32xf32, #tpu.memory_space<vmem_shared>>) dst(%dma_wait3A_266 : memref<640x32xf32, #tpu.memory_space<hbm>>)
      tpu.yield
    }) : () -> ()
    return
  }
}

module attributes {stable_mosaic.version = 14 : i64} {
  func.func @_addsplit_body(%arg0: i32, %arg1: memref<1000x128xf32, #tpu.memory_space<vmem>>, %arg2: memref<1000x128xf32, #tpu.memory_space<vmem>>, %arg3: memref<4x1000x32xf32, #tpu.memory_space<vmem>>) attributes {dimension_semantics = [#tpu.dimension_semantics<arbitrary>], iteration_bounds = array<i64: 10>, scalar_prefetch = 0 : i64, scratch_operands = 0 : i64, tpu.core_type = #tpu.core_type<tc>, window_params = [{transform_indices = @transform_0, window_bounds = array<i64: 1000, 128>}, {transform_indices = @transform_1, window_bounds = array<i64: 1000, 128>}, {transform_indices = @transform_2, window_bounds = array<i64: 4, 1000, 32>}]} {
    %get3A = arith.constant 0 : index
    %get3A_0 = arith.constant 0 : index
    %get3A_1 = vector.load %arg1[%get3A, %get3A_0] : memref<1000x128xf32, #tpu.memory_space<vmem>>, vector<1000x128xf32>
    %get3A_2 = arith.constant 0 : index
    %get3A_3 = arith.constant 0 : index
    %get3A_4 = vector.load %arg2[%get3A_2, %get3A_3] : memref<1000x128xf32, #tpu.memory_space<vmem>>, vector<1000x128xf32>
    %add3A = arith.addf %get3A_1, %get3A_4 : vector<1000x128xf32>
    %slice3A = vector.extract_strided_slice %add3A {offsets = [0, 0], sizes = [1000, 32], strides = [1, 1]} : vector<1000x128xf32> to vector<1000x32xf32>
    %swap3A = arith.constant 0 : index
    %swap3A_5 = arith.constant 0 : index
    %swap3A_6 = arith.constant 0 : index
    %swap3A_7 = vector.load %arg3[%swap3A, %swap3A_5, %swap3A_6] : memref<4x1000x32xf32, #tpu.memory_space<vmem>>, vector<1x1000x32xf32>
    %swap3A_8 = vector.shape_cast %swap3A_7 : vector<1x1000x32xf32> to vector<1000x32xf32>
    %swap3A_9 = vector.shape_cast %slice3A : vector<1000x32xf32> to vector<1x1000x32xf32>
    tpu.vector_store %arg3[%swap3A, %swap3A_5, %swap3A_6], %swap3A_9 {strides = array<i32>} : memref<4x1000x32xf32, #tpu.memory_space<vmem>>, vector<1x1000x32xf32>,
    %slice3A_10 = vector.extract_strided_slice %add3A {offsets = [0, 32], sizes = [1000, 32], strides = [1, 1]} : vector<1000x128xf32> to vector<1000x32xf32>
    %swap3A_11 = arith.constant 1 : index
    %swap3A_12 = arith.constant 0 : index
    %swap3A_13 = arith.constant 0 : index
    %swap3A_14 = vector.load %arg3[%swap3A_11, %swap3A_12, %swap3A_13] : memref<4x1000x32xf32, #tpu.memory_space<vmem>>, vector<1x1000x32xf32>
    %swap3A_15 = vector.shape_cast %swap3A_14 : vector<1x1000x32xf32> to vector<1000x32xf32>
    %swap3A_16 = vector.shape_cast %slice3A_10 : vector<1000x32xf32> to vector<1x1000x32xf32>
    tpu.vector_store %arg3[%swap3A_11, %swap3A_12, %swap3A_13], %swap3A_16 {strides = array<i32>} : memref<4x1000x32xf32, #tpu.memory_space<vmem>>, vector<1x1000x32xf32>,
    %slice3A_17 = vector.extract_strided_slice %add3A {offsets = [0, 64], sizes = [1000, 32], strides = [1, 1]} : vector<1000x128xf32> to vector<1000x32xf32>
    %swap3A_18 = arith.constant 2 : index
    %swap3A_19 = arith.constant 0 : index
    %swap3A_20 = arith.constant 0 : index
    %swap3A_21 = vector.load %arg3[%swap3A_18, %swap3A_19, %swap3A_20] : memref<4x1000x32xf32, #tpu.memory_space<vmem>>, vector<1x1000x32xf32>
    %swap3A_22 = vector.shape_cast %swap3A_21 : vector<1x1000x32xf32> to vector<1000x32xf32>
    %swap3A_23 = vector.shape_cast %slice3A_17 : vector<1000x32xf32> to vector<1x1000x32xf32>
    tpu.vector_store %arg3[%swap3A_18, %swap3A_19, %swap3A_20], %swap3A_23 {strides = array<i32>} : memref<4x1000x32xf32, #tpu.memory_space<vmem>>, vector<1x1000x32xf32>,
    %slice3A_24 = vector.extract_strided_slice %add3A {offsets = [0, 96], sizes = [1000, 32], strides = [1, 1]} : vector<1000x128xf32> to vector<1000x32xf32>
    %swap3A_25 = arith.constant 3 : index
    %swap3A_26 = arith.constant 0 : index
    %swap3A_27 = arith.constant 0 : index
    %swap3A_28 = vector.load %arg3[%swap3A_25, %swap3A_26, %swap3A_27] : memref<4x1000x32xf32, #tpu.memory_space<vmem>>, vector<1x1000x32xf32>
    %swap3A_29 = vector.shape_cast %swap3A_28 : vector<1x1000x32xf32> to vector<1000x32xf32>
    %swap3A_30 = vector.shape_cast %slice3A_24 : vector<1000x32xf32> to vector<1x1000x32xf32>
    tpu.vector_store %arg3[%swap3A_25, %swap3A_26, %swap3A_27], %swap3A_30 {strides = array<i32>} : memref<4x1000x32xf32, #tpu.memory_space<vmem>>, vector<1x1000x32xf32>,
    return
  }
  func.func @transform_0(%arg0: i32) -> (i32, i32) {
    %c0_i32 = arith.constant 0 : i32
    %c0_i32_0 = arith.constant 0 : i32
    return %arg0, %c0_i32 : i32, i32
  }
  func.func @transform_1(%arg0: i32) -> (i32, i32) {
    %c0_i32 = arith.constant 0 : i32
    %c0_i32_0 = arith.constant 0 : i32
    return %arg0, %c0_i32 : i32, i32
  }
  func.func @transform_2(%arg0: i32) -> (i32, i32, i32) {
    %c0_i32 = arith.constant 0 : i32
    %c0_i32_0 = arith.constant 0 : i32
    %c0_i32_1 = arith.constant 0 : i32
    return %c0_i32, %arg0, %c0_i32_0 : i32, i32, i32
  }
}

module attributes {stable_mosaic.version = 14 : i64} {
  func.func @_finalize_body(%arg0: i32, %arg1: memref<4x1000x32xf32, #tpu.memory_space<vmem>>, %arg2: memref<2x1000x16xf32, #tpu.memory_space<vmem>>, %arg3: memref<128x128xf32, #tpu.memory_space<vmem>>, %arg4: memref<1000x128xf32, #tpu.memory_space<vmem>>) attributes {dimension_semantics = [#tpu.dimension_semantics<arbitrary>], iteration_bounds = array<i64: 10>, scalar_prefetch = 0 : i64, scratch_operands = 0 : i64, tpu.core_type = #tpu.core_type<tc>, window_params = [{transform_indices = @transform_0, window_bounds = array<i64: 4, 1000, 32>}, {transform_indices = @transform_1, window_bounds = array<i64: 2, 1000, 16>}, {pipeline_mode = #tpu.pipeline_mode<synchronous>, transform_indices = @transform_2, window_bounds = array<i64: 128, 128>}, {transform_indices = @transform_3, window_bounds = array<i64: 1000, 128>}]} {
    %get3A = arith.constant 0 : index
    %get3A_0 = arith.constant 0 : index
    %get3A_1 = arith.constant 0 : index
    %get3A_2 = vector.load %arg1[%get3A, %get3A_0, %get3A_1] : memref<4x1000x32xf32, #tpu.memory_space<vmem>>, vector<1x1000x32xf32>
    %get3A_3 = vector.shape_cast %get3A_2 : vector<1x1000x32xf32> to vector<1000x32xf32>
    %get3A_4 = arith.constant 1 : index
    %get3A_5 = arith.constant 0 : index
    %get3A_6 = arith.constant 0 : index
    %get3A_7 = vector.load %arg1[%get3A_4, %get3A_5, %get3A_6] : memref<4x1000x32xf32, #tpu.memory_space<vmem>>, vector<1x1000x32xf32>
    %get3A_8 = vector.shape_cast %get3A_7 : vector<1x1000x32xf32> to vector<1000x32xf32>
    %get3A_9 = arith.constant 2 : index
    %get3A_10 = arith.constant 0 : index
    %get3A_11 = arith.constant 0 : index
    %get3A_12 = vector.load %arg1[%get3A_9, %get3A_10, %get3A_11] : memref<4x1000x32xf32, #tpu.memory_space<vmem>>, vector<1x1000x32xf32>
    %get3A_13 = vector.shape_cast %get3A_12 : vector<1x1000x32xf32> to vector<1000x32xf32>
    %get3A_14 = arith.constant 3 : index
    %get3A_15 = arith.constant 0 : index
    %get3A_16 = arith.constant 0 : index
    %get3A_17 = vector.load %arg1[%get3A_14, %get3A_15, %get3A_16] : memref<4x1000x32xf32, #tpu.memory_space<vmem>>, vector<1x1000x32xf32>
    %get3A_18 = vector.shape_cast %get3A_17 : vector<1x1000x32xf32> to vector<1000x32xf32>
    %concatenate3A = tpu.concatenate %get3A_3, %get3A_8, %get3A_13, %get3A_18 in 1 : vector<1000x32xf32>, vector<1000x32xf32>, vector<1000x32xf32>, vector<1000x32xf32> -> vector<1000x128xf32>
    %get3A_19 = arith.constant 0 : index
    %get3A_20 = arith.constant 0 : index
    %get3A_21 = arith.constant 0 : index
    %get3A_22 = vector.load %arg2[%get3A_19, %get3A_20, %get3A_21] : memref<2x1000x16xf32, #tpu.memory_space<vmem>>, vector<1x1000x1xf32>
    %get3A_23 = vector.shape_cast %get3A_22 : vector<1x1000x1xf32> to vector<1000x1xf32>
    %get3A_24 = arith.constant 1 : index
    %get3A_25 = arith.constant 0 : index
    %get3A_26 = arith.constant 0 : index
    %get3A_27 = vector.load %arg2[%get3A_24, %get3A_25, %get3A_26] : memref<2x1000x16xf32, #tpu.memory_space<vmem>>, vector<1x1000x1xf32>
    %get3A_28 = vector.shape_cast %get3A_27 : vector<1x1000x1xf32> to vector<1000x1xf32>
    %add3A = arith.addf %get3A_23, %get3A_28 : vector<1000x1xf32>
    %get3A_29 = arith.constant 0 : index
    %get3A_30 = arith.constant 0 : index
    %get3A_31 = vector.load %arg3[%get3A_29, %get3A_30] : memref<128x128xf32, #tpu.memory_space<vmem>>, vector<128x128xf32>
    %dot_general3A = arith.constant dense<0.000000e+00> : vector<1000x128xf32>
    %dot_general3A_32 = tpu.matmul %concatenate3A, %get3A_31, %dot_general3A {dimension_numbers = #tpu.dot_dimension_numbers<[1], [0], [0], [1], [0, 0, 1, 1], [], []>, transpose_lhs_hint = false} : vector<1000x128xf32>, vector<128x128xf32>, vector<1000x128xf32> -> vector<1000x128xf32>
    %max3A = arith.constant 1.000000e+00 : f32
    %max3A_33 = vector.broadcast %max3A : f32 to vector<1000x1xf32>
    %max3A_34 = arith.maximumf %add3A, %max3A_33 : vector<1000x1xf32>
    %div3A = vector.broadcast %max3A_34 : vector<1000x1xf32> to vector<1000x128xf32>
    %div3A_35 = arith.divf %dot_general3A_32, %div3A : vector<1000x128xf32>
    %tanh3A = math.tanh %div3A_35 : vector<1000x128xf32>
    %swap3A = arith.constant 0 : index
    %swap3A_36 = arith.constant 0 : index
    %swap3A_37 = vector.load %arg4[%swap3A, %swap3A_36] : memref<1000x128xf32, #tpu.memory_space<vmem>>, vector<1000x128xf32>
    tpu.vector_store %arg4[%swap3A, %swap3A_36], %tanh3A {strides = array<i32>} : memref<1000x128xf32, #tpu.memory_space<vmem>>, vector<1000x128xf32>,
    return
  }
  func.func @transform_0(%arg0: i32) -> (i32, i32, i32) {
    %c0_i32 = arith.constant 0 : i32
    %c0_i32_0 = arith.constant 0 : i32
    %c0_i32_1 = arith.constant 0 : i32
    return %c0_i32, %arg0, %c0_i32_0 : i32, i32, i32
  }
  func.func @transform_1(%arg0: i32) -> (i32, i32, i32) {
    %c0_i32 = arith.constant 0 : i32
    %c0_i32_0 = arith.constant 0 : i32
    %c0_i32_1 = arith.constant 0 : i32
    return %c0_i32, %arg0, %c0_i32_0 : i32, i32, i32
  }
  func.func @transform_2(%arg0: i32) -> (i32, i32) {
    %c0_i32 = arith.constant 0 : i32
    %c0_i32_0 = arith.constant 0 : i32
    %c0_i32_1 = arith.constant 0 : i32
    return %c0_i32, %c0_i32_0 : i32, i32
  }
  func.func @transform_3(%arg0: i32) -> (i32, i32) {
    %c0_i32 = arith.constant 0 : i32
    %c0_i32_0 = arith.constant 0 : i32
    return %arg0, %c0_i32 : i32, i32
  }
}

</mosaic_0001>

<sc_bundles>
// kernel: kernel.5.cloned.1.call-start
scs
__scs_entry_jumppad:
0x0: {  	(pc) =	sbr.rel $0x88, $3  }
0x1: {  	(tag) =	ssettag $0x0;
	lr =	simm.s32 $0x1  }
0x2: {  	[smem:$0x3F9D] =	sst lr;
	_ =	strace $0xD0000000  }
0x3: {  	_ = 	snop  }
0x4: {  	_ = 	snop  }
0x5: {  	_ = 	snop  }
0x6: {  	_ = 	snop  }
0x7: {  	_ = 	snop  }
__scs_overlays_trampoline_lowered:
0x8: {  	[smem:$0x3FAC] =	sst s0  }
0x9: {  	[smem:$0x3FAD] =	sst s1  }
0xa: {  	[smem:$0x3FAE] =	sst s2  }
0xb: {  	[smem:$0x3FAF] =	sst s3  }
0xc: {  	[smem:$0x3FB0] =	sst s4  }
0xd: {  	[smem:$0x3FB1] =	sst s5  }
0xe: {  	[smem:$0x3FB2] =	sst s6  }
0xf: {  	[smem:$0x3FB3] =	sst s7  }
0x10: {  	[smem:$0x3FB4] =	sst s8  }
0x11: {  	[smem:$0x3FB5] =	sst s9;
	s0 =	simm.s32 @!p0 $0x0  }
0x12: {  	s1 =	sld [smem:$0x3F9B];
	s0 =	simm.s32 @p0 $0x1  }
0x13: {  	[smem:$0x3FB6] =	sst s0;
	s0 =	simm.s32 @!p1 $0x0  }
0x14: {  	s2 =	sld [smem:$0x3F9A];
	s0 =	simm.s32 @p1 $0x1  }
0x15: {  	[smem:$0x3FB7] =	sst s0;
	s0 =	simm.s32 @!p2 $0x0  }
0x16: {  	s3 =	sld [smem:$0x3FDB];
	s0 =	simm.s32 @p2 $0x1  }
0x17: {  	s4 =	simm.s32 $0x1BF5;
	[smem:$0x3FB9] =	sst s0  }
0x18: {  	s0 =	sld [smem:$0x3F9C];
	_ =	swait.ge [sflag:s4], $0x0  }
0x19: {  	s7 =	sld [smem:$0x3F9D]  }
0x1a: {  	s8 =	sadd.s32 $0xFFFFE003, lr  }
0x1b: {  	s9 =	sadd.s32 $0xFFFFFEF7, lr;
	s5 =	simm.s32 $0xFFFFFFFF;
	p2 =	slt.u32 s8, $0xFFFFF086  }
0x1c: {  	p1 =	slt.u32 s9, $0xF7A;
	s5 =	simm.s32 @!p2 $0x0  }
0x1d: {  	s5 =	simm.s32 @p1 $0x1;
	p0 =	seq.s32 s7, s2  }
0x1e: {  	s7 =	smul.u32 @!p0 $0xF7A, s2;
	p2 =	seq.s32 @!p0 s5, $0x0  }
0x1f: {  	s9 =	smul.u32 $0xF7A, s1;
	s8 =	simm.s32 @!p0 $0x1BF5;
	p2 =	por !p2, p0  }
0x20: {  	[sflag:s8] =	ssyncset.s32 @!p0 $0xFFFFF086;
	s6 =	sadd.s32 @!p0 s3, s7;
	s7 =	simm.s32 @!p0 $0x108  }
0x21: {  	s3 =	sadd.s32 s3, s9;
	s6 =	sadd.s32 @!p0 $0x88, s6;
	s7 =	simm.s32 @p2 $0x1082  }
0x22: {  	[simem:s7], [sflag:s8] =	dma.local @!p0 [hbm:s6], $0xF7A  }
0x23: {  	s9 =	sor.u32 $0xD0000000, s2;
	s6 =	simm.s32 $0x108;
	_ =	swait.ge @!p0 [sflag:s8], $0x0  }
0x24: {  	s3 =	sadd.s32 $0x88, s3;
	s6 =	simm.s32 @!p1 $0x1082;
	[sflag:s4] =	ssyncset.s32 $0xFFFFF086  }
0x25: {  	[simem:s6], [sflag:s4] =	dma.local [hbm:s3], $0xF7A  }
0x26: {  	[smem:$0x3F9D] =	sst s1;
	(tag) =	ssettag s2;
	_ =	strace s9  }
0x27: {  	s1 =	sld [smem:$0x3FAD]  }
0x28: {  	s2 =	sld [smem:$0x3FAE]  }
0x29: {  	s4 =	sld [smem:$0x3FB0]  }
0x2a: {  	p0 =	seq.s32 s5, $0x0;
	s5 =	sld [smem:$0x3FB1]  }
0x2b: {  	s6 =	sld [smem:$0x3FB2]  }
0x2c: {  	s7 =	sld [smem:$0x3FB3]  }
0x2d: {  	s3 =	simm.s32 $0x108;
	s8 =	sld [smem:$0x3FB4]  }
0x2e: {  	s3 =	simm.s32 @!p0 $0x1082;
	s9 =	sld [smem:$0x3FB5]  }
0x2f: {  	lr =	sadd.s32 s0, s3;
	s0 =	sld [smem:$0x3FAC]  }
0x30: {  	s3 =	sld [smem:$0x3FAF]  }
0x31: {  	[smem:$0x3FB8] =	sst s10  }
0x32: {  	s10 =	sld [smem:$0x3FB6];
	_ =	sdelay $0x3  }
0x33: {  	p0 =	seq.s32 s10, $0x1;
	s10 =	sld [smem:$0x3FB8];
	_ =	sdelay $0x3  }
0x34: {  	[smem:$0x3FB8] =	sst s10  }
0x35: {  	s10 =	sld [smem:$0x3FB7];
	_ =	sdelay $0x3  }
0x36: {  	p1 =	seq.s32 s10, $0x1;
	s10 =	sld [smem:$0x3FB8];
	_ =	sdelay $0x3  }
0x37: {  	[smem:$0x3FB8] =	sst s10  }
0x38: {  	s10 =	sld [smem:$0x3FB9]  }
0x39: {  	_ = 	snop;
	(pc) =	sbr.ind lr, $3  }
0x3a: {  	_ = 	snop  }
0x3b: {  	_ = 	snop  }
0x3c: {  	p2 =	seq.s32 s10, $0x1;
	s10 =	sld [smem:$0x3FB8]  }
0x3d: {  	_ =	shalt  }
0x3e: {  	_ =	shalt  }
0x3f: {  	_ =	shalt  }
0x40: {  	_ =	shalt  }
0x41: {  	_ =	shalt  }
0x42: {  	_ =	shalt  }
0x43: {  	_ =	shalt  }
0x44: {  	_ =	shalt  }
0x45: {  	_ =	shalt  }
0x46: {  	_ =	shalt  }
0x47: {  	_ =	shalt  }
0x48: {  	_ =	shalt  }
0x49: {  	_ =	shalt  }
0x4a: {  	_ =	shalt  }
0x4b: {  	_ =	shalt  }
0x4c: {  	_ =	shalt  }
0x4d: {  	_ =	shalt  }
0x4e: {  	_ =	shalt  }
0x4f: {  	_ =	shalt  }
0x50: {  	_ =	shalt  }
0x51: {  	_ =	shalt  }
0x52: {  	_ =	shalt  }
0x53: {  	_ =	shalt  }
0x54: {  	_ =	shalt  }
0x55: {  	_ =	shalt  }
0x56: {  	_ =	shalt  }
0x57: {  	_ =	shalt  }
0x58: {  	_ =	shalt  }
0x59: {  	_ =	shalt  }
0x5a: {  	_ =	shalt  }
0x5b: {  	_ =	shalt  }
0x5c: {  	_ =	shalt  }
0x5d: {  	_ =	shalt  }
0x5e: {  	_ =	shalt  }
0x5f: {  	_ =	shalt  }
0x60: {  	_ =	shalt  }
0x61: {  	_ =	shalt  }
0x62: {  	_ =	shalt  }
0x63: {  	_ =	shalt  }
0x64: {  	_ =	shalt  }
0x65: {  	_ =	shalt  }
0x66: {  	_ =	shalt  }
0x67: {  	_ =	shalt  }
0x68: {  	_ =	shalt  }
0x69: {  	_ =	shalt  }
0x6a: {  	_ =	shalt  }
0x6b: {  	_ =	shalt  }
0x6c: {  	_ =	shalt  }
0x6d: {  	_ =	shalt  }
0x6e: {  	_ =	shalt  }
0x6f: {  	_ =	shalt  }
0x70: {  	_ =	shalt  }
0x71: {  	_ =	shalt  }
0x72: {  	_ =	shalt  }
0x73: {  	_ =	shalt  }
0x74: {  	_ =	shalt  }
0x75: {  	_ =	shalt  }
0x76: {  	_ =	shalt  }
0x77: {  	_ =	shalt  }
0x78: {  	_ =	shalt  }
0x79: {  	_ =	shalt  }
0x7a: {  	_ =	shalt  }
0x7b: {  	_ =	shalt  }
0x7c: {  	_ =	shalt  }
0x7d: {  	_ =	shalt  }
0x7e: {  	_ =	shalt  }
0x7f: {  	_ =	shalt  }
0x80: {  	_ =	shalt  }
0x81: {  	_ =	shalt  }
0x82: {  	_ =	shalt  }
0x83: {  	_ =	shalt  }
0x84: {  	_ =	shalt  }
0x85: {  	_ =	shalt  }
0x86: {  	_ =	shalt  }
0x87: {  	_ =	shalt  }
.Lfunc_end0:
.L_simem_size_0:
called_computation_lowered:
.L_overlay_start_0:
0x88: {  	s2 =	sld [smem:$0x3FD9]  }
0x89: {  	s3 =	sld [smem:$0x3FFE];
	_ =	sdelay $0x1  }
0x8a: {  	s1 =	srdreg.scid  }
0x8b: {  	s0 =	sand.u32 $0x1, s1  }
0x8c: {  	s17 =	sshll.u32 s0, $0xA;
	s2 =	sadd.s32 s3, s2  }
0x8d: {  	s2 =	sadd.s32 s2, s17  }
0x8e: {  	[smem:$0x3FC4] =	sst s2  }
0x8f: {  	_ = 	snop  }
0x90: {  	s2 =	sld [smem:$0x3FD0];
	(tm) =	ssettm $0x1  }
0x91: {  	s18 =	sld [smem:$0x3FFB];
	_ =	sdelay $0x3  }
0x92: {  	_ =	strace s18  }
0x93: {  	s3 =	sld [smem:$0x3FFC];
	_ =	sdelay $0x3  }
0x94: {  	_ =	strace s3  }
0x95: {  	s3 =	sld [smem:$0x3FFD];
	_ =	sdelay $0x3  }
0x96: {  	_ =	strace s3  }
0x97: {  	_ =	strace $0x8FFFFFFF  }
0x98: {  	s19 =	sld [smem:$0x3FDB];
	_ =	sdelay $0x1  }
0x99: {  	s4 =	simm.s32 $_scs_section_size  }
0x9a: {  	s5 =	simm.s32 $_size__tile_overlayer_lowered;
	s6 =	simm.s32 $_tile_overlayer_lowered  }
0x9b: {  	s22 =	simm.s32 $0x1BFF;
	s21 =	sshll.u32 s6, $0x1;
	s3 =	sadd.s32 s4, s19  }
0x9c: {  	s7 =	simm.s32 $0x0;
	s20 =	sshll.u32 s5, $0x1;
	s5 =	sadd.s32 s21, s3  }
0x9d: {  	[timem:s7], [sflag:s22] =	dma.local [hbm:s5], s20  }
0x9e: {  	_ =	swait.ge [sflag:s22], s20  }
0x9f: {  	s4 =	ssub.s32 $0x0, s20;
	[sflag:s22] =	ssyncset.done $0x0  }
0xa0: {  	[sflag:s22] =	ssyncadd.s32 s4;
	_ =	sdelay $0x1  }
0xa1: {  	s23 =	simm.s32 $0x1B8B  }
0xa2: {  	_ =	swait.ge [sflag:s23], $0x1  }
0xa3: {  	[sflag:s23] =	ssyncset.done $0x0  }
0xa4: {  	s25 =	simm.s32 $0x1B8E;
	s24 =	sld [smem:$0x3FFE];
	[sflag:s23] =	ssyncadd.s32 $0xFFFFFFFF  }
0xa5: {  	s26 =	simm.s32 $execute0_lowered;
	[smem:$0x3FD2] =	sst s25  }
0xa6: {  	s5 =	sshll.u32 s26, $0x1;
	_ =	strace $0x80000046;
	[dreg:$0x1] =	wrdreg $0xFFFFFFFF  }
0xa7: {  	s28 =	simm.s32 $_size_execute0_lowered;
	s3 =	sadd.s32 s3, s5;
	[dreg:$0x0] =	wrdreg $0x0  }
0xa8: {  	s5 =	sshll.u32 s28, $0x1;
	[dreg:$0x2] =	wrdreg s3  }
0xa9: {  	[dreg:$0x3] =	wrdreg s5  }
0xaa: {  	[dreg:$0x4] =	wrdreg $0xC0  }
0xab: {  	_ =	task [dreg:s7], $0x5FFFF  }
0xac: {  	[dreg:$0x1] =	wrdreg $0xFFFFFFFF  }
0xad: {  	[dreg:$0x0] =	wrdreg $0x60  }
0xae: {  	[dreg:$0x2] =	wrdreg s2  }
0xaf: {  	[dreg:$0x3] =	wrdreg s24  }
0xb0: {  	[dreg:$0x4] =	wrdreg $0x128000  }
0xb1: {  	[dreg:$0x5] =	wrdreg $0x176200  }
0xb2: {  	[dreg:$0x6] =	wrdreg $0x1C6200  }
0xb3: {  	[dreg:$0x7] =	wrdreg $0x9  }
0xb4: {  	_ =	task.clear_ibuf [dreg:s7], $0x8FFFF;
	_ =	strace $0x90000046  }
0xb5: {  	s29 =	simm.s32 $0x9;
	_ =	strace $0x80000048  }
0xb6: {  	_ =	swait.ge [sflag:s29], $0x1  }
0xb7: {  	[sflag:s29] =	ssyncadd.s32 $0xFFFFFFFF  }
0xb8: {  	_ =	strace $0x90000048  }
0xb9: {  	_ =	sfence  }
0xba: {  	s30 =	sld [smem:$0x0];
	_ =	sdelay $0x2  }
0xbb: {  	s31 =	sshll.u32 s1, $0xD;
	s1 =	sshrl.u32 s1, $0x2  }
0xbc: {  	s3 =	sand.u32 $0x4000, s31;
	s1 =	sadd.s32 s1, s30  }
0xbd: {  	s0 =	sor.u32 s3, s0;
	s1 =	sshll.u32 s1, $0x11  }
0xbe: {  	s0 =	sor.u32 s1, s0  }
0xbf: {  	s0 =	sadd.s32 $0x8F2B, s0  }
0xc0: {  	[sflag:s0] =	ssyncadd.remote.s32 $0x1  }
0xc1: {  	_ =	sfence.sel $0xFFFF  }
0xc2: {  	[dreg:$0x0] =	wrdreg $0xFFFFFFFF;
	(pc) =	sbr.abs _section_cstart, $3  }
0xc3: {  	[dreg:$0x1] =	wrdreg $0xFFFFFFFF  }
0xc4: {  	_ =	task.clear_ibuf [dreg:s7], $0x2FFFF;
	_ =	strace $0x9FFFFFFF  }
0xc5: {  	(tm) =	ssettm $0x7FFFFFFF  }
tec
execute0_lowered:
.L_overlay_start_1:
0x0: {  	(tag) =	ssettag $0x1  }
0x1: {  	s0 =	rddreg [dreg:$0x0]  }
0x2: {  	s1 =	rddreg [dreg:$0x1]  }
0x3: {  	s2 =	rddreg [dreg:$0x2]  }
0x4: {  	s3 =	rddreg [dreg:$0x3]  }
0x5: {  	s4 =	rddreg [dreg:$0x4]  }
0x6: {  	s13 =	stileid.u32;
	s7 =	simm.s32 $0x0;
	s6 =	srdreg.scid  }
0x7: {  	s29 =	simm.s32 $0xB000;
	s28 =	simm.s32 $0xC000;
	s30 =	simm.s32 $0xD000  }
0x8: {  	s31 =	simm.s32 $0x1;
	s5 =	smul.u32 $0xA00, s13;
	[smem:$0x7FF] =	sst s7  }
0x9: {  	s6 =	sand.u32 $0x1, s6;
	s23 =	smul.u32 $0x2800, s13;
	s20 =	sadd.s32 $0x14800, s1  }
0xa: {  	s9 =	sadd.s32 $0x15200, s1;
	s24 =	sadd.s32 $0x15800, s1;
	s12 =	smul.u32 $0x4E20, s13  }
0xb: {  	s25 =	sadd.s32 $0x15A00, s1;
	s15 =	smul.u32 $0x5000, s13;
	s13 =	simm.s32 $0x8  }
0xc: {  	_ =	strace $0x80000047;
	s8 =	smul.u32 $0x28000, s6;
	[dreg:$0x7] =	wrdreg s9  }
0xd: {  	[dreg:$0x8] =	wrdreg s24;
	s10 =	ssub.s32 $0x2, s6;
	s26 =	smul.u32 $0x4E200, s6  }
0xe: {  	s16 =	smul.u32 $0x50000, s6;
	s17 =	sor.u32 $0x2, s6;
	p0 =	seq.s32 s6, $0x1  }
0xf: {  	s9 =	simm.s32 $0x11000;
	[dreg:$0x6] =	wrdreg s20;
	s5 =	sadd.s32 s5, s1  }
0x10: {  	s11 =	sshrl.u32 s10, $0x1;
	s18 =	smul.u32 $0x4E200, s17;
	s19 =	sadd.s32 s15, s3  }
0x11: {  	s21 =	smul.u32 $0x50000, s17;
	s7 =	sadd.s32 s23, s4;
	p1 =	por !p0, !p0  }
0x12: {  	s17 =	simm.s32 $0xC;
	s8 =	sadd.s32 s23, s8;
	[dreg:$0xd] =	wrdreg s19  }
0x13: {  	s14 =	sadd.s32 $0xA800, s5;
	s5 =	sadd.s32 $0x800, s5;
	[dreg:$0xe] =	wrdreg s7  }
0x14: {  	s22 =	sadd.s32 s15, s16;
	s7 =	simm.s32 $0x10000;
	[dreg:$0x9] =	wrdreg s14  }
0x15: {  	s16 =	simm.s32 $0xB;
	s8 =	sshrl.u32 s8, $0x3;
	[dreg:$0xa] =	wrdreg s5  }
0x16: {  	s14 =	sadd.s32 s12, s2;
	s6 =	sshrl.u32 s22, $0x3;
	s23 =	sadd.s32 s12, s18  }
0x17: {  	s5 =	sadd.s32 s15, s21;
	s21 =	simm.s32 $0x2;
	s22 =	simm.s32 $0xF000  }
0x18: {  	s1 =	sadd.s32 s8, s1;
	s8 =	ssub.s32 s10, s11;
	s10 =	sadd.s32 s12, s26  }
0x19: {  	[dreg:$0xb] =	wrdreg s14;
	s6 =	sadd.s32 s25, s6;
	s24 =	sshrl.u32 s23, $0x3  }
0x1a: {  	s5 =	sshrl.u32 s5, $0x3;
	s23 =	simm.s32 $0x80;
	s11 =	simm.s32 $0x6  }
0x1b: {  	s12 =	simm.s32 $0x7;
	s10 =	sshrl.u32 s10, $0x3;
	[dreg:$0xf] =	wrdreg s6  }
0x1c: {  	s1 =	sadd.s32 $0x3DA00, s1;
	s25 =	sadd.s32 s25, s5;
	s26 =	smax.u32 s8, $0x1  }
.Ltmp0:
0x1d: {  	s8 =	simm.s32 $0x4;
	[dreg:$0x10] =	wrdreg s1;
	(pc) =	sbr.rel .LBB2_1-.Ltmp0, $4  }
0x1e: {  	s6 =	simm.s32 $0x0;
	s10 =	sadd.s32 s0, s10;
	[dreg:$0x12] =	wrdreg s25  }
0x1f: {  	s0 =	sadd.s32 s0, s24;
	[dreg:$0x13] =	wrdreg s26;
	s24 =	simm.s32 $0x11  }
0x20: {  	s26 =	simm.s32 $0xA000;
	s1 =	simm.s32 $0x3;
	[dreg:$0xc] =	wrdreg s10  }
0x21: {  	[dreg:$0x11] =	wrdreg s0;
	s0 =	simm.s32 $0xE000;
	s10 =	simm.s32 $0x5  }
.LBB2_7:
0x22: {  	_ =	swait.ge [sflag:s13], $0x1000  }
0x23: {  	[sflag:s13] =	ssyncset.done $0x0  }
0x24: {  	[sflag:s13] =	ssyncadd.s32 $0xFFFFF000  }
0x25: {  	[spmem:s3] =	stream.indirect.scatter.add.f32 [tilespmem:s9], [sflag:$0x10], $0x20, s18, s23, $0xb8;
	[tilespmem:$0x1EE20] =	vst v63  }
0x26: {  	_ =	swait.ge [sflag:s25], $0x1000  }
0x27: {  	[sflag:s25] =	ssyncset.done $0x0  }
0x28: {  	s5 =	simm.s32 $0xA;
	[sflag:s25] =	ssyncadd.s32 $0xFFFFF000  }
0x29: {  	_ =	swait.ge [sflag:s5], $0x1000  }
0x2a: {  	[sflag:s5] =	ssyncset.done $0x0  }
0x2b: {  	[sflag:s5] =	ssyncadd.s32 $0xFFFFF000  }
0x2c: {  	_ =	swait.ge [sflag:s16], $0x1000  }
0x2d: {  	[sflag:s16] =	ssyncset.done $0x0  }
0x2e: {  	[sflag:s16] =	ssyncadd.s32 $0xFFFFF000  }
0x2f: {  	_ =	swait.ge [sflag:s17], $0x1000  }
0x30: {  	[sflag:s17] =	ssyncset.done $0x0  }
0x31: {  	s25 =	simm.s32 $0xD;
	[sflag:s17] =	ssyncadd.s32 $0xFFFFF000  }
0x32: {  	_ =	swait.ge [sflag:s25], $0x1000  }
0x33: {  	[sflag:s25] =	ssyncset.done $0x0  }
0x34: {  	s6 =	simm.s32 $0xE;
	[sflag:s25] =	ssyncadd.s32 $0xFFFFF000  }
0x35: {  	_ =	swait.ge [sflag:s6], $0x1000  }
0x36: {  	[sflag:s6] =	ssyncset.done $0x0  }
0x37: {  	s14 =	simm.s32 $0xF;
	[sflag:s6] =	ssyncadd.s32 $0xFFFFF000  }
0x38: {  	_ =	swait.ge [sflag:s14], $0x1000  }
0x39: {  	[sflag:s14] =	ssyncset.done $0x0  }
0x3a: {  	s15 =	simm.s32 $0x10;
	[sflag:s14] =	ssyncadd.s32 $0xFFFFF000  }
0x3b: {  	_ =	swait.ge [sflag:s15], $0x1000  }
0x3c: {  	[sflag:s15] =	ssyncset.done $0x0  }
0x3d: {  	[sflag:s15] =	ssyncadd.s32 $0xFFFFF000  }
0x3e: {  	[bflag:$0x0] =	sbarrier.arrive $0xFFFF  }
0x3f: {  	s18 =	rddreg [dreg:$0x12]  }
0x40: {  	s6 =	rddreg [dreg:$0x15]  }
0x41: {  	s14 =	rddreg [dreg:$0x16]  }
0x42: {  	[hbm:s18], [sflag:s6] =	dma.local [spmem:s14], $0xA00  }
0x43: {  	_ =	swait.ge [sflag:s24], $0xA00  }
0x44: {  	s19 =	rddreg [dreg:$0x14]  }
0x45: {  	s25 =	rddreg [dreg:$0x13];
	s6 =	sadd.s32 $0x1, s19  }
0x46: {  	p2 =	sne.s32 s6, s25  }
.Ltmp1:
0x47: {  	_ = 	snop;
	(pc) =	sbr.rel @!p2 .LBB2_8-.Ltmp1, $3  }
0x48: {  	_ =	sdelay $0x1  }
0x49: {  	[sflag:s24] =	ssyncset.done $0x0  }
0x4a: {  	[sflag:s24] =	ssyncadd.s32 $0xFFFFF600  }
.LBB2_1:
0x4b: {  	[dreg:$0x14] =	wrdreg s6  }
0x4c: {  	s14 =	simm.s32 $0x0;
	s5 =	rddreg [dreg:$0x9]  }
0x4d: {  	[tilespmem:s14], [sflag:$0x11] =	stream.linear.gather [hbm4b:s5+s14], $0x5000, $0x38;
	[tilespmem:$0x1EE20] =	vst v63  }
0x4e: {  	_ =	swait.ge [sflag:s24], $0x5000  }
0x4f: {  	[sflag:s24] =	ssyncset.done $0x0  }
0x50: {  	s18 =	simm.s32 $0x5000;
	s15 =	rddreg [dreg:$0xa];
	[sflag:s24] =	ssyncadd.s32 $0xFFFFB000  }
0x51: {  	[tilespmem:s18], [sflag:$0x11] =	stream.linear.gather [hbm4b:s15+s14], $0x5000, $0x38;
	[tilespmem:$0x1EE20] =	vst v63  }
0x52: {  	_ =	swait.ge [sflag:s24], $0x5000  }
0x53: {  	[sflag:s24] =	ssyncset.done $0x0  }
0x54: {  	s25 =	simm.s32 $0x12000;
	s19 =	rddreg [dreg:$0x8];
	[sflag:s24] =	ssyncadd.s32 $0xFFFFB000  }
0x55: {  	[tilespmem:s25], [sflag:$0x11] =	stream.linear.gather [hbm4b:s19+s14], $0x800, $0x38;
	[tilespmem:$0x1EE20] =	vst v63  }
0x56: {  	s15 =	stileid.u32;
	_ =	swait.ge [sflag:s24], $0x800  }
0x57: {  	s18 =	sshll.u32 s15, $0x6;
	s19 =	rddreg [dreg:$0xb]  }
0x58: {  	[sflag:s24] =	ssyncset.done $0x0;
	s25 =	rddreg [dreg:$0xc];
	s15 =	sshrl.u32 s19, $0x3  }
0x59: {  	s6 =	sor.u32 $0x1C11, s18;
	[sflag:s24] =	ssyncadd.s32 $0xFFFFF800;
	[dreg:$0x17] =	wrdreg s15  }
0x5a: {  	[spmem:s15], [sflag:s6] =	dma.local [hbm:s25], $0x9C4  }
0x5b: {  	_ =	swait.ge [sflag:s24], $0x9C4  }
0x5c: {  	s18 =	rddreg [dreg:$0xd]  }
0x5d: {  	[sflag:s24] =	ssyncset.done $0x0;
	s5 =	sshrl.u32 s18, $0x3  }
0x5e: {  	[sflag:s24] =	ssyncadd.s32 $0xFFFFF63C;
	[dreg:$0x16] =	wrdreg s5  }
0x5f: {  	[spmem:s5], [sflag:s6] =	dma.local [hbm:s20], $0xA00  }
0x60: {  	_ =	swait.ge [sflag:s24], $0xA00;
	[dreg:$0x15] =	wrdreg s6  }
0x61: {  	s19 =	rddreg [dreg:$0xe]  }
0x62: {  	[sflag:s24] =	ssyncset.done $0x0;
	s25 =	rddreg [dreg:$0x7];
	s20 =	sshrl.u32 s19, $0x3  }
0x63: {  	[sflag:s24] =	ssyncadd.s32 $0xFFFFF600;
	[dreg:$0x18] =	wrdreg s20  }
0x64: {  	[spmem:s20], [sflag:s6] =	dma.local [hbm:s25], $0x500  }
0x65: {  	_ =	swait.ge [sflag:s24], $0x500  }
0x66: {  	[sflag:s24] =	ssyncset.done $0x0  }
0x67: {  	[sflag:s24] =	ssyncadd.s32 $0xFFFFFB00  }
0x68: {  	[bflag:$0x0] =	sbarrier.arrive $0xFFFF  }
0x69: {  	[tilespmem:s26], [sflag:$0x1] =	stream.indirect.gather [spmem:s2], $0x20, s14, s23, $0xb8;
	[tilespmem:$0x1EE20] =	vst v63  }
0x6a: {  	_ = 	snop  }
0x6b: {  	[tilespmem:s29], [sflag:$0x2] =	stream.indirect.gather [spmem:s2], $0x20, s23, s23, $0xb8;
	[tilespmem:$0x1EE20] =	vst v63  }
0x6c: {  	s19 =	simm.s32 $0x0;
	s26 =	simm.s32 $0x100  }
0x6d: {  	[tilespmem:s28], [sflag:$0x3] =	stream.indirect.gather [spmem:s2], $0x20, s26, s23, $0xb8;
	[tilespmem:$0x1EE20] =	vst v63  }
0x6e: {  	s25 =	simm.s32 $0xB000;
	s29 =	simm.s32 $0x180;
	s26 =	simm.s32 $0x0  }
0x6f: {  	[tilespmem:s30], [sflag:$0x4] =	stream.indirect.gather [spmem:s2], $0x20, s29, s23, $0xb8;
	[tilespmem:$0x1EE20] =	vst v63  }
.LBB2_2:
0x70: {  	_ =	swait.ge [sflag:s31], $0x1000;
	p3 =	slt.u32 s26, $0xA;
	p2 =	por p1, p1  }
0x71: {  	s29 =	sshra.s32 s19, $0x2;
	s5 =	simm.s32 $0xA000;
	[sflag:s31] =	ssyncset.done $0x0  }
0x72: {  	p2 =	por @!p3 p0, p0;
	s15 =	sadd.s32 $0x5000, s29;
	[sflag:s31] =	ssyncadd.s32 $0xFFFFF000  }
0x73: {  	[spmem:s3] =	stream.indirect.scatter.add.f32 [tilespmem:s5], [sflag:$0x9], $0x20, s15, s23, $0xb8;
	[tilespmem:$0x1EE20] =	vst v63  }
0x74: {  	s14 =	simm.s32 @p2 $0x80;
	s18 =	simm.s32 @p2 $0x12000  }
0x75: {  	[spmem:s4] =	stream.indirect.scatter.add.f32 @p2 [tilespmem:s18], [sflag:$0x11], $0x10, s15, s14, $0xb8;
	[tilespmem:$0x1EE20] =	vst v63  }
0x76: {  	s15 =	simm.s32 @p2 $0x11  }
0x77: {  	_ =	swait.ge @p2 [sflag:s15], $0x800  }
0x78: {  	p3 =	seq.s32 s19, $0x0;
	[sflag:s15] =	ssyncset.done @p2 $0x0  }
0x79: {  	s5 =	simm.s32 @!p3 $0xD;
	[sflag:s15] =	ssyncadd.s32 @p2 $0xFFFFF800  }
0x7a: {  	_ =	swait.ge @!p3 [sflag:s5], $0x1000  }
0x7b: {  	[sflag:s5] =	ssyncset.done @!p3 $0x0  }
0x7c: {  	s24 =	sadd.s32 $0x200, s29;
	[sflag:s5] =	ssyncadd.s32 @!p3 $0xFFFFF000  }
0x7d: {  	[tilespmem:s0], [sflag:$0x5] =	stream.indirect.gather [spmem:s2], $0x20, s24, s23, $0xb8;
	[tilespmem:$0x1EE20] =	vst v63  }
0x7e: {  	_ =	swait.ge [sflag:s21], $0x1000  }
0x7f: {  	[sflag:s21] =	ssyncset.done $0x0  }
0x80: {  	s5 =	sadd.s32 $0x5080, s29;
	[sflag:s21] =	ssyncadd.s32 $0xFFFFF000  }
0x81: {  	[spmem:s3] =	stream.indirect.scatter.add.f32 [tilespmem:s25], [sflag:$0xA], $0x20, s5, s23, $0xb8;
	[tilespmem:$0x1EE20] =	vst v63  }
0x82: {  	_ = 	snop  }
0x83: {  	[spmem:s4] =	stream.indirect.scatter.add.f32 @p2 [tilespmem:s18], [sflag:$0x11], $0x10, s5, s14, $0xb8;
	[tilespmem:$0x1EE20] =	vst v63  }
0x84: {  	_ =	swait.ge @p2 [sflag:s15], $0x800  }
0x85: {  	[sflag:s15] =	ssyncset.done @p2 $0x0  }
0x86: {  	s5 =	simm.s32 @!p3 $0xE;
	[sflag:s15] =	ssyncadd.s32 @p2 $0xFFFFF800  }
0x87: {  	_ =	swait.ge @!p3 [sflag:s5], $0x1000  }
0x88: {  	[sflag:s5] =	ssyncset.done @!p3 $0x0  }
0x89: {  	s6 =	sadd.s32 $0x280, s29;
	[sflag:s5] =	ssyncadd.s32 @!p3 $0xFFFFF000  }
0x8a: {  	[tilespmem:s22], [sflag:$0x6] =	stream.indirect.gather [spmem:s2], $0x20, s6, s23, $0xb8;
	[tilespmem:$0x1EE20] =	vst v63  }
0x8b: {  	_ =	swait.ge [sflag:s1], $0x1000  }
0x8c: {  	[sflag:s1] =	ssyncset.done $0x0  }
0x8d: {  	s5 =	sadd.s32 $0x5100, s29;
	[sflag:s1] =	ssyncadd.s32 $0xFFFFF000  }
0x8e: {  	[spmem:s3] =	stream.indirect.scatter.add.f32 [tilespmem:s28], [sflag:$0xB], $0x20, s5, s23, $0xb8;
	[tilespmem:$0x1EE20] =	vst v63  }
0x8f: {  	_ = 	snop  }
0x90: {  	[spmem:s4] =	stream.indirect.scatter.add.f32 @p2 [tilespmem:s18], [sflag:$0x11], $0x10, s5, s14, $0xb8;
	[tilespmem:$0x1EE20] =	vst v63  }
0x91: {  	_ =	swait.ge @p2 [sflag:s15], $0x800  }
0x92: {  	[sflag:s15] =	ssyncset.done @p2 $0x0  }
0x93: {  	s5 =	simm.s32 @!p3 $0xF;
	[sflag:s15] =	ssyncadd.s32 @p2 $0xFFFFF800  }
0x94: {  	_ =	swait.ge @!p3 [sflag:s5], $0x1000  }
0x95: {  	[sflag:s5] =	ssyncset.done @!p3 $0x0  }
0x96: {  	s20 =	sadd.s32 $0x300, s29;
	[sflag:s5] =	ssyncadd.s32 @!p3 $0xFFFFF000  }
0x97: {  	[tilespmem:s7], [sflag:$0x7] =	stream.indirect.gather [spmem:s2], $0x20, s20, s23, $0xb8;
	[tilespmem:$0x1EE20] =	vst v63  }
0x98: {  	_ =	swait.ge [sflag:s8], $0x1000  }
0x99: {  	[sflag:s8] =	ssyncset.done $0x0  }
0x9a: {  	s5 =	sadd.s32 $0x5180, s29;
	[sflag:s8] =	ssyncadd.s32 $0xFFFFF000  }
0x9b: {  	[spmem:s3] =	stream.indirect.scatter.add.f32 [tilespmem:s30], [sflag:$0xC], $0x20, s5, s23, $0xb8;
	[tilespmem:$0x1EE20] =	vst v63  }
0x9c: {  	_ = 	snop  }
0x9d: {  	[spmem:s4] =	stream.indirect.scatter.add.f32 @p2 [tilespmem:s18], [sflag:$0x11], $0x10, s5, s14, $0xb8;
	[tilespmem:$0x1EE20] =	vst v63  }
0x9e: {  	_ =	swait.ge @p2 [sflag:s15], $0x800  }
0x9f: {  	[sflag:s15] =	ssyncset.done @p2 $0x0  }
0xa0: {  	s5 =	simm.s32 @!p3 $0x10;
	[sflag:s15] =	ssyncadd.s32 @p2 $0xFFFFF800  }
0xa1: {  	_ =	swait.ge @!p3 [sflag:s5], $0x1000  }
0xa2: {  	[sflag:s5] =	ssyncset.done @!p3 $0x0  }
0xa3: {  	s24 =	sadd.s32 $0x380, s29;
	[sflag:s5] =	ssyncadd.s32 @!p3 $0xFFFFF000  }
0xa4: {  	[tilespmem:s9], [sflag:$0x8] =	stream.indirect.gather [spmem:s2], $0x20, s24, s23, $0xb8;
	[tilespmem:$0x1EE20] =	vst v63  }
0xa5: {  	_ =	swait.ge [sflag:s10], $0x1000  }
0xa6: {  	[sflag:s10] =	ssyncset.done $0x0  }
0xa7: {  	s5 =	sadd.s32 $0x5200, s29;
	[sflag:s10] =	ssyncadd.s32 $0xFFFFF000  }
0xa8: {  	[spmem:s3] =	stream.indirect.scatter.add.f32 [tilespmem:s0], [sflag:$0xD], $0x20, s5, s23, $0xb8;
	[tilespmem:$0x1EE20] =	vst v63  }
0xa9: {  	_ = 	snop  }
0xaa: {  	[spmem:s4] =	stream.indirect.scatter.add.f32 @p2 [tilespmem:s18], [sflag:$0x11], $0x10, s5, s14, $0xb8;
	[tilespmem:$0x1EE20] =	vst v63  }
0xab: {  	_ =	swait.ge @p2 [sflag:s15], $0x800  }
0xac: {  	p3 =	seq.s32 s19, $0x13000;
	[sflag:s15] =	ssyncset.done @p2 $0x0  }
0xad: {  	s5 =	simm.s32 @!p3 $0x9;
	[sflag:s15] =	ssyncadd.s32 @p2 $0xFFFFF800  }
0xae: {  	_ =	swait.ge @!p3 [sflag:s5], $0x1000  }
0xaf: {  	[sflag:s5] =	ssyncset.done @!p3 $0x0  }
0xb0: {  	[sflag:s5] =	ssyncadd.s32 @!p3 $0xFFFFF000;
	s5 =	sshra.s32 @!p3 s19, $0x2  }
0xb1: {  	s20 =	simm.s32 @!p3 $0x80;
	s24 =	simm.s32 @!p3 $0xA000;
	s6 =	sadd.s32 @!p3 $0x400, s5  }
0xb2: {  	[tilespmem:s24], [sflag:$0x1] =	stream.indirect.gather @!p3 [spmem:s2], $0x20, s6, s20, $0xb8;
	[tilespmem:$0x1EE20] =	vst v63  }
0xb3: {  	_ =	swait.ge [sflag:s11], $0x1000  }
0xb4: {  	[sflag:s11] =	ssyncset.done $0x0  }
0xb5: {  	s6 =	sadd.s32 $0x5280, s29;
	[sflag:s11] =	ssyncadd.s32 $0xFFFFF000  }
0xb6: {  	[spmem:s3] =	stream.indirect.scatter.add.f32 [tilespmem:s22], [sflag:$0xE], $0x20, s6, s23, $0xb8;
	[tilespmem:$0x1EE20] =	vst v63  }
0xb7: {  	_ = 	snop  }
0xb8: {  	[spmem:s4] =	stream.indirect.scatter.add.f32 @p2 [tilespmem:s18], [sflag:$0x11], $0x10, s6, s14, $0xb8;
	[tilespmem:$0x1EE20] =	vst v63  }
0xb9: {  	_ =	swait.ge @p2 [sflag:s15], $0x800  }
0xba: {  	[sflag:s15] =	ssyncset.done @p2 $0x0  }
0xbb: {  	s6 =	simm.s32 @!p3 $0xA;
	[sflag:s15] =	ssyncadd.s32 @p2 $0xFFFFF800  }
0xbc: {  	_ =	swait.ge @!p3 [sflag:s6], $0x1000  }
0xbd: {  	[sflag:s6] =	ssyncset.done @!p3 $0x0  }
0xbe: {  	s24 =	simm.s32 @!p3 $0xB000;
	[sflag:s6] =	ssyncadd.s32 @!p3 $0xFFFFF000;
	s6 =	sadd.s32 @!p3 $0x480, s5  }
0xbf: {  	[tilespmem:s24], [sflag:$0x2] =	stream.indirect.gather @!p3 [spmem:s2], $0x20, s6, s20, $0xb8;
	[tilespmem:$0x1EE20] =	vst v63  }
0xc0: {  	_ =	swait.ge [sflag:s12], $0x1000  }
0xc1: {  	[sflag:s12] =	ssyncset.done $0x0  }
0xc2: {  	s6 =	sadd.s32 $0x5300, s29;
	[sflag:s12] =	ssyncadd.s32 $0xFFFFF000  }
0xc3: {  	[spmem:s3] =	stream.indirect.scatter.add.f32 [tilespmem:s7], [sflag:$0xF], $0x20, s6, s23, $0xb8;
	[tilespmem:$0x1EE20] =	vst v63  }
0xc4: {  	_ = 	snop  }
0xc5: {  	[spmem:s4] =	stream.indirect.scatter.add.f32 @p2 [tilespmem:s18], [sflag:$0x11], $0x10, s6, s14, $0xb8;
	[tilespmem:$0x1EE20] =	vst v63  }
0xc6: {  	_ =	swait.ge @p2 [sflag:s15], $0x800  }
0xc7: {  	[sflag:s15] =	ssyncset.done @p2 $0x0  }
0xc8: {  	s6 =	simm.s32 @!p3 $0xB;
	[sflag:s15] =	ssyncadd.s32 @p2 $0xFFFFF800  }
0xc9: {  	_ =	swait.ge @!p3 [sflag:s6], $0x1000  }
0xca: {  	[sflag:s6] =	ssyncset.done @!p3 $0x0  }
0xcb: {  	s5 =	sadd.s32 @!p3 $0x500, s5;
	[sflag:s6] =	ssyncadd.s32 @!p3 $0xFFFFF000;
	s6 =	simm.s32 @!p3 $0xC000  }
0xcc: {  	[tilespmem:s6], [sflag:$0x3] =	stream.indirect.gather @!p3 [spmem:s2], $0x20, s5, s20, $0xb8;
	[tilespmem:$0x1EE20] =	vst v63  }
0xcd: {  	_ =	swait.ge [sflag:s13], $0x1000  }
0xce: {  	[sflag:s13] =	ssyncset.done $0x0  }
0xcf: {  	s5 =	sadd.s32 $0x5380, s29;
	[sflag:s13] =	ssyncadd.s32 $0xFFFFF000  }
0xd0: {  	[spmem:s3] =	stream.indirect.scatter.add.f32 [tilespmem:s9], [sflag:$0x10], $0x20, s5, s23, $0xb8;
	[tilespmem:$0x1EE20] =	vst v63  }
.Ltmp2:
0xd1: {  	_ = 	snop;
	(pc) =	sbr.rel @p3 .LBB2_4-.Ltmp2, $4  }
0xd2: {  	[spmem:s4] =	stream.indirect.scatter.add.f32 @p2 [tilespmem:s18], [sflag:$0x11], $0x10, s5, s14, $0xb8;
	[tilespmem:$0x1EE20] =	vst v63  }
0xd3: {  	_ =	swait.ge @p2 [sflag:s15], $0x800  }
0xd4: {  	[sflag:s15] =	ssyncset.done @p2 $0x0  }
0xd5: {  	[sflag:s15] =	ssyncadd.s32 @p2 $0xFFFFF800  }
.Ltmp3:
0xd6: {  	(pc) =	sbr.rel .LBB2_2-.Ltmp3, $4  }
0xd7: {  	_ =	swait.ge [sflag:s17], $0x1000  }
0xd8: {  	s5 =	sadd.s32 $0x580, s29;
	[sflag:s17] =	ssyncset.done $0x0  }
0xd9: {  	s26 =	sadd.s32 $0x1, s26;
	s19 =	sadd.s32 $0x1000, s19;
	[sflag:s17] =	ssyncadd.s32 $0xFFFFF000  }
0xda: {  	[tilespmem:s30], [sflag:$0x4] =	stream.indirect.gather [spmem:s2], $0x20, s5, s23, $0xb8;
	[tilespmem:$0x1EE20] =	vst v63  }
.LBB2_4:
0xdb: {  	s25 =	simm.s32 $0x9  }
0xdc: {  	_ =	swait.ge [sflag:s25], $0x1000  }
0xdd: {  	[sflag:s25] =	ssyncset.done $0x0  }
0xde: {  	s5 =	simm.s32 $0xA;
	[sflag:s25] =	ssyncadd.s32 $0xFFFFF000  }
0xdf: {  	_ =	swait.ge [sflag:s5], $0x1000  }
0xe0: {  	[sflag:s5] =	ssyncset.done $0x0  }
0xe1: {  	[sflag:s5] =	ssyncadd.s32 $0xFFFFF000  }
0xe2: {  	_ =	swait.ge [sflag:s16], $0x1000  }
0xe3: {  	[sflag:s16] =	ssyncset.done $0x0  }
0xe4: {  	[sflag:s16] =	ssyncadd.s32 $0xFFFFF000  }
0xe5: {  	_ =	swait.ge [sflag:s17], $0x1000  }
0xe6: {  	[sflag:s17] =	ssyncset.done $0x0  }
0xe7: {  	s26 =	simm.s32 $0xD;
	[sflag:s17] =	ssyncadd.s32 $0xFFFFF000  }
0xe8: {  	_ =	swait.ge [sflag:s26], $0x1000  }
0xe9: {  	[sflag:s26] =	ssyncset.done $0x0  }
0xea: {  	s6 =	simm.s32 $0xE;
	[sflag:s26] =	ssyncadd.s32 $0xFFFFF000  }
0xeb: {  	_ =	swait.ge [sflag:s6], $0x1000  }
0xec: {  	[sflag:s6] =	ssyncset.done $0x0  }
0xed: {  	s14 =	simm.s32 $0xF;
	[sflag:s6] =	ssyncadd.s32 $0xFFFFF000  }
0xee: {  	_ =	swait.ge [sflag:s14], $0x1000  }
0xef: {  	[sflag:s14] =	ssyncset.done $0x0  }
0xf0: {  	s15 =	simm.s32 $0x10;
	[sflag:s14] =	ssyncadd.s32 $0xFFFFF000  }
0xf1: {  	_ =	swait.ge [sflag:s15], $0x1000  }
0xf2: {  	[sflag:s15] =	ssyncset.done $0x0  }
0xf3: {  	[sflag:s15] =	ssyncadd.s32 $0xFFFFF000  }
0xf4: {  	[bflag:$0x0] =	sbarrier.arrive $0xFFFF  }
0xf5: {  	s18 =	rddreg [dreg:$0xf]  }
0xf6: {  	s6 =	rddreg [dreg:$0x15]  }
0xf7: {  	s24 =	simm.s32 $0x11;
	s14 =	rddreg [dreg:$0x16]  }
0xf8: {  	[hbm:s18], [sflag:s6] =	dma.local [spmem:s14], $0xA00  }
0xf9: {  	_ =	swait.ge [sflag:s24], $0xA00  }
0xfa: {  	[sflag:s24] =	ssyncset.done $0x0;
	s19 =	rddreg [dreg:$0x10]  }
0xfb: {  	s15 =	rddreg [dreg:$0x18];
	[sflag:s24] =	ssyncadd.s32 $0xFFFFF600  }
0xfc: {  	[hbm:s19], [sflag:s6] =	dma.local [spmem:s15], $0x500  }
0xfd: {  	_ =	swait.ge [sflag:s24], $0x500  }
0xfe: {  	[sflag:s24] =	ssyncset.done $0x0  }
0xff: {  	[sflag:s24] =	ssyncadd.s32 $0xFFFFFB00  }
0x100: {  	[bflag:$0x0] =	sbarrier.arrive $0xFFFF  }
0x101: {  	s20 =	rddreg [dreg:$0x11]  }
0x102: {  	s26 =	rddreg [dreg:$0x17]  }
0x103: {  	[spmem:s26], [sflag:s6] =	dma.local [hbm:s20], $0x9C4  }
0x104: {  	_ =	swait.ge [sflag:s24], $0x9C4  }
0x105: {  	[sflag:s24] =	ssyncset.done $0x0  }
0x106: {  	s20 =	rddreg [dreg:$0x6];
	[sflag:s24] =	ssyncadd.s32 $0xFFFFF63C  }
0x107: {  	[spmem:s14], [sflag:s6] =	dma.local [hbm:s20], $0xA00  }
0x108: {  	_ =	swait.ge [sflag:s24], $0xA00  }
0x109: {  	[sflag:s24] =	ssyncset.done $0x0  }
0x10a: {  	[sflag:s24] =	ssyncadd.s32 $0xFFFFF600  }
0x10b: {  	s26 =	simm.s32 $0xA000;
	s14 =	simm.s32 $0x0;
	[bflag:$0x0] =	sbarrier.arrive $0xFFFF  }
0x10c: {  	[tilespmem:s26], [sflag:$0x1] =	stream.indirect.gather [spmem:s2], $0x20, s14, s23, $0xb8;
	[tilespmem:$0x1EE20] =	vst v63  }
0x10d: {  	s29 =	simm.s32 $0xB000  }
0x10e: {  	[tilespmem:s29], [sflag:$0x2] =	stream.indirect.gather [spmem:s2], $0x20, s23, s23, $0xb8;
	[tilespmem:$0x1EE20] =	vst v63  }
0x10f: {  	s18 =	simm.s32 $0x100  }
0x110: {  	[tilespmem:s28], [sflag:$0x3] =	stream.indirect.gather [spmem:s2], $0x20, s18, s23, $0xb8;
	[tilespmem:$0x1EE20] =	vst v63  }
0x111: {  	s19 =	simm.s32 $0x180  }
0x112: {  	[tilespmem:s30], [sflag:$0x4] =	stream.indirect.gather [spmem:s2], $0x20, s19, s23, $0xb8;
	[tilespmem:$0x1EE20] =	vst v63  }
.LBB2_5:
0x113: {  	_ =	swait.ge [sflag:s31], $0x1000  }
0x114: {  	s15 =	sshra.s32 s14, $0x2;
	[sflag:s31] =	ssyncset.done $0x0  }
0x115: {  	p2 =	seq.s32 s14, $0x0;
	s5 =	sadd.s32 $0x5000, s15;
	[sflag:s31] =	ssyncadd.s32 $0xFFFFF000  }
0x116: {  	[spmem:s3] =	stream.indirect.scatter.add.f32 [tilespmem:s26], [sflag:$0x9], $0x20, s5, s23, $0xb8;
	[tilespmem:$0x1EE20] =	vst v63  }
0x117: {  	s5 =	simm.s32 @!p2 $0xD  }
0x118: {  	_ =	swait.ge @!p2 [sflag:s5], $0x1000  }
0x119: {  	[sflag:s5] =	ssyncset.done @!p2 $0x0  }
0x11a: {  	s6 =	sadd.s32 $0x200, s15;
	[sflag:s5] =	ssyncadd.s32 @!p2 $0xFFFFF000  }
0x11b: {  	[tilespmem:s0], [sflag:$0x5] =	stream.indirect.gather [spmem:s2], $0x20, s6, s23, $0xb8;
	[tilespmem:$0x1EE20] =	vst v63  }
0x11c: {  	_ =	swait.ge [sflag:s21], $0x1000  }
0x11d: {  	[sflag:s21] =	ssyncset.done $0x0  }
0x11e: {  	s18 =	sadd.s32 $0x5080, s15;
	s5 =	simm.s32 @!p2 $0xE;
	[sflag:s21] =	ssyncadd.s32 $0xFFFFF000  }
0x11f: {  	[spmem:s3] =	stream.indirect.scatter.add.f32 [tilespmem:s29], [sflag:$0xA], $0x20, s18, s23, $0xb8;
	[tilespmem:$0x1EE20] =	vst v63  }
0x120: {  	_ =	swait.ge @!p2 [sflag:s5], $0x1000  }
0x121: {  	[sflag:s5] =	ssyncset.done @!p2 $0x0  }
0x122: {  	s19 =	sadd.s32 $0x280, s15;
	[sflag:s5] =	ssyncadd.s32 @!p2 $0xFFFFF000  }
0x123: {  	[tilespmem:s22], [sflag:$0x6] =	stream.indirect.gather [spmem:s2], $0x20, s19, s23, $0xb8;
	[tilespmem:$0x1EE20] =	vst v63  }
0x124: {  	_ =	swait.ge [sflag:s1], $0x1000  }
0x125: {  	[sflag:s1] =	ssyncset.done $0x0  }
0x126: {  	s6 =	sadd.s32 $0x5100, s15;
	s5 =	simm.s32 @!p2 $0xF;
	[sflag:s1] =	ssyncadd.s32 $0xFFFFF000  }
0x127: {  	[spmem:s3] =	stream.indirect.scatter.add.f32 [tilespmem:s28], [sflag:$0xB], $0x20, s6, s23, $0xb8;
	[tilespmem:$0x1EE20] =	vst v63  }
0x128: {  	_ =	swait.ge @!p2 [sflag:s5], $0x1000  }
0x129: {  	[sflag:s5] =	ssyncset.done @!p2 $0x0  }
0x12a: {  	s18 =	sadd.s32 $0x300, s15;
	[sflag:s5] =	ssyncadd.s32 @!p2 $0xFFFFF000  }
0x12b: {  	[tilespmem:s7], [sflag:$0x7] =	stream.indirect.gather [spmem:s2], $0x20, s18, s23, $0xb8;
	[tilespmem:$0x1EE20] =	vst v63  }
0x12c: {  	_ =	swait.ge [sflag:s8], $0x1000  }
0x12d: {  	[sflag:s8] =	ssyncset.done $0x0  }
0x12e: {  	s19 =	sadd.s32 $0x5180, s15;
	s5 =	simm.s32 @!p2 $0x10;
	[sflag:s8] =	ssyncadd.s32 $0xFFFFF000  }
0x12f: {  	[spmem:s3] =	stream.indirect.scatter.add.f32 [tilespmem:s30], [sflag:$0xC], $0x20, s19, s23, $0xb8;
	[tilespmem:$0x1EE20] =	vst v63  }
0x130: {  	_ =	swait.ge @!p2 [sflag:s5], $0x1000  }
0x131: {  	[sflag:s5] =	ssyncset.done @!p2 $0x0  }
0x132: {  	s6 =	sadd.s32 $0x380, s15;
	[sflag:s5] =	ssyncadd.s32 @!p2 $0xFFFFF000  }
0x133: {  	[tilespmem:s9], [sflag:$0x8] =	stream.indirect.gather [spmem:s2], $0x20, s6, s23, $0xb8;
	[tilespmem:$0x1EE20] =	vst v63  }
0x134: {  	_ =	swait.ge [sflag:s10], $0x1000  }
0x135: {  	p2 =	seq.s32 s14, $0x13000;
	[sflag:s10] =	ssyncset.done $0x0  }
0x136: {  	s18 =	sadd.s32 $0x5200, s15;
	s5 =	simm.s32 @p2 $0x6;
	[sflag:s10] =	ssyncadd.s32 $0xFFFFF000  }
0x137: {  	[spmem:s3] =	stream.indirect.scatter.add.f32 [tilespmem:s0], [sflag:$0xD], $0x20, s18, s23, $0xb8;
	[tilespmem:$0x1EE20] =	vst v63  }
0x138: {  	_ =	swait.ge @p2 [sflag:s5], $0x1000  }
0x139: {  	[sflag:s5] =	ssyncset.done @p2 $0x0  }
0x13a: {  	[sflag:s5] =	ssyncadd.s32 @p2 $0xFFFFF000;
	s5 =	sshra.s32 @p2 s14, $0x2  }
0x13b: {  	s6 =	simm.s32 @p2 $0x80;
	s18 =	simm.s32 @p2 $0xF000;
	s5 =	sadd.s32 @p2 $0x5280, s5  }
0x13c: {  	[spmem:s3] =	stream.indirect.scatter.add.f32 @p2 [tilespmem:s18], [sflag:$0xE], $0x20, s5, s6, $0xb8;
	[tilespmem:$0x1EE20] =	vst v63  }
0x13d: {  	s5 =	simm.s32 @!p2 $0x9  }
0x13e: {  	_ =	swait.ge @!p2 [sflag:s5], $0x1000  }
0x13f: {  	[sflag:s5] =	ssyncset.done @!p2 $0x0  }
0x140: {  	[sflag:s5] =	ssyncadd.s32 @!p2 $0xFFFFF000;
	s5 =	sshra.s32 @!p2 s14, $0x2  }
0x141: {  	s19 =	simm.s32 @!p2 $0xA000;
	s18 =	simm.s32 @!p2 $0x80;
	s6 =	sadd.s32 @!p2 $0x400, s5  }
0x142: {  	[tilespmem:s19], [sflag:$0x1] =	stream.indirect.gather @!p2 [spmem:s2], $0x20, s6, s18, $0xb8;
	[tilespmem:$0x1EE20] =	vst v63  }
0x143: {  	s6 =	simm.s32 @!p2 $0x6  }
0x144: {  	_ =	swait.ge @!p2 [sflag:s6], $0x1000  }
0x145: {  	[sflag:s6] =	ssyncset.done @!p2 $0x0  }
0x146: {  	s19 =	simm.s32 @!p2 $0xF000;
	[sflag:s6] =	ssyncadd.s32 @!p2 $0xFFFFF000;
	s6 =	sadd.s32 @!p2 $0x5280, s5  }
0x147: {  	[spmem:s3] =	stream.indirect.scatter.add.f32 @!p2 [tilespmem:s19], [sflag:$0xE], $0x20, s6, s18, $0xb8;
	[tilespmem:$0x1EE20] =	vst v63  }
0x148: {  	s6 =	simm.s32 @!p2 $0xA  }
0x149: {  	_ =	swait.ge @!p2 [sflag:s6], $0x1000  }
0x14a: {  	[sflag:s6] =	ssyncset.done @!p2 $0x0  }
0x14b: {  	s5 =	sadd.s32 @!p2 $0x480, s5;
	[sflag:s6] =	ssyncadd.s32 @!p2 $0xFFFFF000;
	s6 =	simm.s32 @!p2 $0xB000  }
0x14c: {  	[tilespmem:s6], [sflag:$0x2] =	stream.indirect.gather @!p2 [spmem:s2], $0x20, s5, s18, $0xb8;
	[tilespmem:$0x1EE20] =	vst v63  }
.Ltmp4:
0x14d: {  	_ = 	snop;
	(pc) =	sbr.rel @p2 .LBB2_7-.Ltmp4, $4  }
0x14e: {  	_ =	swait.ge [sflag:s12], $0x1000  }
0x14f: {  	[sflag:s12] =	ssyncset.done $0x0  }
0x150: {  	s19 =	sadd.s32 $0x5300, s15;
	s18 =	sadd.s32 $0x5380, s15;
	[sflag:s12] =	ssyncadd.s32 $0xFFFFF000  }
0x151: {  	[spmem:s3] =	stream.indirect.scatter.add.f32 [tilespmem:s7], [sflag:$0xF], $0x20, s19, s23, $0xb8;
	[tilespmem:$0x1EE20] =	vst v63  }
0x152: {  	_ =	swait.ge [sflag:s16], $0x1000  }
0x153: {  	[sflag:s16] =	ssyncset.done $0x0  }
0x154: {  	s5 =	sadd.s32 $0x500, s15;
	[sflag:s16] =	ssyncadd.s32 $0xFFFFF000  }
0x155: {  	[tilespmem:s28], [sflag:$0x3] =	stream.indirect.gather [spmem:s2], $0x20, s5, s23, $0xb8;
	[tilespmem:$0x1EE20] =	vst v63  }
0x156: {  	_ =	swait.ge [sflag:s13], $0x1000  }
0x157: {  	[sflag:s13] =	ssyncset.done $0x0  }
0x158: {  	[sflag:s13] =	ssyncadd.s32 $0xFFFFF000  }
0x159: {  	[spmem:s3] =	stream.indirect.scatter.add.f32 [tilespmem:s9], [sflag:$0x10], $0x20, s18, s23, $0xb8;
	[tilespmem:$0x1EE20] =	vst v63  }
.Ltmp5:
0x15a: {  	_ = 	snop;
	(pc) =	sbr.rel .LBB2_5-.Ltmp5, $4  }
0x15b: {  	_ =	swait.ge [sflag:s17], $0x1000  }
0x15c: {  	[sflag:s17] =	ssyncset.done $0x0  }
0x15d: {  	s19 =	sadd.s32 $0x580, s15;
	s14 =	sadd.s32 $0x1000, s14;
	[sflag:s17] =	ssyncadd.s32 $0xFFFFF000  }
0x15e: {  	[tilespmem:s30], [sflag:$0x4] =	stream.indirect.gather [spmem:s2], $0x20, s19, s23, $0xb8;
	[tilespmem:$0x1EE20] =	vst v63  }
.LBB2_8:
0x15f: {  	_ =	sfence.sel $0x180000  }
0x160: {  	[bflag:$0x0] =	sbarrier.arrive $0xFFFF  }
0x161: {  	_ =	strace $0x90000047  }
0x162: {  	s0 =	stileid.u32;
	[bflag:$0x2] =	sbarrier.arrive $0xFFFF  }
0x163: {  	p0 =	sne.s32 s0, $0x0;
	s0 =	rddreg [dreg:$0x5]  }
0x164: {  	s0 =	sadd.s32 @!p0 $0x100000, s0  }
0x165: {  	[sflag:s0] =	ssyncadd.tile.s32 @!p0 $0x1;
	_ =	shalt  }
.Lfunc_end2:
_tile_overlayer_lowered:
.L_overlay_start_2:
0x166: {  	(tag) =	ssettag $0x2  }
0x167: {  	s0 =	rddreg [dreg:$0x0];
	s2 =	stileid.u32  }
0x168: {  	s1 =	rddreg [dreg:$0x1];
	p0 =	sne.s32 s2, $0x0  }
0x169: {  	s3 =	rddreg [dreg:$0x2];
	[bflag:$0x3] =	sbarrier.arrive $0xFFFF;
	s2 =	simm.s32 @!p0 $0x1C11  }
0x16a: {  	[timem:s3], [sflag:s2] =	dma.local @!p0 [hbm:s0], s1  }
0x16b: {  	s0 =	simm.s32 @!p0 $0x11  }
0x16c: {  	_ =	swait.ge @!p0 [sflag:s0], s1  }
0x16d: {  	s1 =	ssub.s32 @!p0 $0x0, s1;
	[sflag:s0] =	ssyncset.done @!p0 $0x0  }
0x16e: {  	[sflag:s0] =	ssyncadd.s32 @!p0 s1  }
0x16f: {  	[bflag:$0x3] =	sbarrier.arrive $0xFFFF  }
0x170: {  	_ =	shalt  }

</sc_bundles>
